<compile_context>
chip_gen: v7x
topology: tpu7x:2x2x1
jax: 0.10.2.dev20260603
libtpu: 0.0.44.dev20260713+nightly
codegen_flags: <defaults>
</compile_context>

<pallas_src>
import functools

import jax
import jax.numpy as jnp
from jax import lax
from jax.experimental import pallas as pl
from jax.experimental.pallas import tpu as pltpu
from jax.experimental.pallas import tpu_sc as plsc

DIM = 32
NC = 2
NS = 16
NW = NC * NS
CHUNK = 800
K = 2


@functools.lru_cache(maxsize=None)
def _make(b: int, h: int):
    B = b * h
    n_per_w = B // NW
    n_chunks = n_per_w // CHUNK
    n_groups = n_chunks // K
    T = n_groups // 2
    bc = CHUNK // h
    assert n_per_w == n_chunks * CHUNK and n_chunks == n_groups * K
    assert n_groups == 2 * T and bc * h == CHUNK and n_per_w % h == 0
    mesh = plsc.VectorSubcoreMesh(core_axis_name="c", subcore_axis_name="s")

    @functools.partial(
        pl.kernel,
        mesh=mesh,
        compiler_params=pltpu.CompilerParams(use_tc_tiling_on_sc=False),
        out_type=jax.ShapeDtypeStruct((b, h, DIM), jnp.float32),
        scratch_types=[
            pltpu.VMEM((n_chunks, CHUNK), jnp.int32),
            pltpu.VMEM((K, CHUNK, DIM), jnp.float32),
            pltpu.VMEM((K, CHUNK, DIM), jnp.float32),
            pltpu.SemaphoreType.DMA,
            pltpu.SemaphoreType.DMA,
            pltpu.SemaphoreType.DMA,
            pltpu.SemaphoreType.DMA,
        ],
    )
    def gather_kernel(table_hbm, idx_hbm, out_hbm, idx_v, buf_a, buf_b,
                      gsem_a, gsem_b, osem_a, osem_b):
        wid = lax.axis_index("s") * NC + lax.axis_index("c")
        base_b = wid * (n_per_w // h)
        pltpu.sync_copy(idx_hbm.at[wid], idx_v)

        def fire_gathers(g, buf, sem):
            for i in range(K):
                pltpu.make_async_copy(
                    table_hbm.at[idx_v.at[g * K + i]], buf.at[i], sem).start()

        def drain(buf, sem):
            for i in range(K):
                pltpu.make_async_copy(
                    table_hbm.at[idx_v.at[i]], buf.at[i], sem).wait()

        def fire_outs(g, buf, sem):
            for i in range(K):
                for k in range(bc):
                    pltpu.make_async_copy(
                        buf.at[i].at[pl.ds(k * h, h)],
                        out_hbm.at[base_b + (g * K + i) * bc + k],
                        sem).start()

        fire_gathers(0, buf_a, gsem_a)

        def body(t, carry):
            g_a = 2 * t
            g_b = 2 * t + 1

            @pl.when(t > 0)
            def _():
                drain(buf_b, osem_b)

            fire_gathers(g_b, buf_b, gsem_b)

            drain(buf_a, gsem_a)
            fire_outs(g_a, buf_a, osem_a)

            @pl.when(t < T - 1)
            def _():
                drain(buf_a, osem_a)
                fire_gathers(g_a + 2, buf_a, gsem_a)

            drain(buf_b, gsem_b)
            fire_outs(g_b, buf_b, osem_b)
            return carry

        lax.fori_loop(0, T, body, 0)
        drain(buf_a, osem_a)
        drain(buf_b, osem_b)

    return gather_kernel


def kernel(input, weight):
    b, h = input.shape
    B = b * h
    idx3 = input.astype(jnp.int32).reshape(NW, B // NW // CHUNK, CHUNK)
    return _make(b, h)(weight, idx3)

# --- scband reference (transcript-rebuilt; emitter-appended) ---
"""Pipeline reference for scband-meta-embedding-18184891531621 (READ-ONLY COPY).

The authoritative reference and input builder live on the scoring server;
editing this copy changes nothing except your own understanding.
"""

import jax, jax.numpy as jnp
import numpy as np

NUM_EMBEDDINGS = 1000000
EMBEDDING_DIM = 32
BATCH = 16384
HIST = 50

def setup_inputs(seed: int = 0) -> dict:
    key = jax.random.key(seed)
    k1, k2 = jax.random.split(key)
    input_idx = jax.random.randint(k1, (BATCH, HIST), 0, NUM_EMBEDDINGS, dtype=jnp.int64 if jax.config.jax_enable_x64 else jnp.int32)
    weight = jax.random.normal(k2, (NUM_EMBEDDINGS, EMBEDDING_DIM), dtype=jnp.float32)
    return {"input": input_idx, "weight": weight}

def reference(input, weight):
    # F.embedding(input, weight, padding_idx=None) -> plain gather along axis 0
    return jnp.take(weight, input, axis=0)

if __name__ == "__main__":
    import jax
    _d = setup_inputs()
    print(jax.jit(kernel)(*tuple(_d.values())))

</pallas_src>

<mosaic_0001>
#map = affine_map<(d0, d1) -> (0, 0)>
#map1 = affine_map<(d0, d1) -> (0, 0, 0)>
module attributes {stable_mosaic.version = 14 : i64} {
  func.func @gather_kernel(%arg0: i32, %arg1: i32, %arg2: memref<1000000x32xf32, #tpu.memory_space<hbm>>, %arg3: memref<32x32x800xi32, #tpu.memory_space<hbm>>, %arg4: memref<16384x50x32xf32, #tpu.memory_space<hbm>>, %arg5: memref<32x800xi32, #tpu.memory_space<vmem>>, %arg6: memref<2x800x32xf32, #tpu.memory_space<vmem>>, %arg7: memref<2x800x32xf32, #tpu.memory_space<vmem>>, %arg8: memref<!tpu.dma_semaphore, #tpu.memory_space<semaphore_mem>>, %arg9: memref<!tpu.dma_semaphore, #tpu.memory_space<semaphore_mem>>, %arg10: memref<!tpu.dma_semaphore, #tpu.memory_space<semaphore_mem>>, %arg11: memref<!tpu.dma_semaphore, #tpu.memory_space<semaphore_mem>>) attributes {dimension_semantics = [#tpu.dimension_semantics<core_parallel>, #tpu.dimension_semantics<subcore_parallel>], iteration_bounds = array<i64: 2, 16>, scalar_prefetch = 0 : i64, scratch_operands = 7 : i64, tpu.core_type = #tpu.core_type<sc_vector_subcore>, window_params = [{transform_indices = #map}, {transform_indices = #map1}, {transform_indices = #map1}]} {
    %mul3A = arith.constant 2 : i32
    %mul3A_0 = arith.muli %arg1, %mul3A : i32
    %add3A = arith.addi %mul3A_0, %arg0 : i32
    %mul3A_1 = arith.constant 512 : i32
    %mul3A_2 = arith.muli %add3A, %mul3A_1 : i32
    "tpu.region"() ({
      %run_scoped3A = tpu.sem_alloc : memref<!tpu.dma_semaphore, #tpu.memory_space<semaphore_mem>>
      %dma_start3A_78 = arith.constant 0 : i32
      %dma_start3A_79 = arith.constant 0 : i32
      %dma_start3A_80 = tpu.memref_slice %arg3[%add3A, %dma_start3A_78, %dma_start3A_79] : memref<32x32x800xi32, #tpu.memory_space<hbm>> -> memref<1x32x800xi32, #tpu.memory_space<hbm>>
      %dma_start3A_81 = tpu.memref_squeeze %dma_start3A_80 : memref<1x32x800xi32, #tpu.memory_space<hbm>> -> memref<32x800xi32, #tpu.memory_space<hbm>>
      %dma_start3A_82 = arith.constant 0 : i32
      %dma_start3A_83 = arith.constant 0 : i32
      %dma_start3A_84 = tpu.memref_slice %arg3[%add3A, %dma_start3A_82, %dma_start3A_83] : memref<32x32x800xi32, #tpu.memory_space<hbm>> -> memref<1x32x800xi32, #tpu.memory_space<hbm>>
      %dma_start3A_85 = tpu.memref_squeeze %dma_start3A_84 : memref<1x32x800xi32, #tpu.memory_space<hbm>> -> memref<32x800xi32, #tpu.memory_space<hbm>>
      tpu.enqueue_dma source(%dma_start3A_85 : memref<32x800xi32, #tpu.memory_space<hbm>>) target(%arg5 : memref<32x800xi32, #tpu.memory_space<vmem>>) target_semaphore(%run_scoped3A : memref<!tpu.dma_semaphore, #tpu.memory_space<semaphore_mem>>)
      %dma_wait3A_86 = arith.constant 0 : i32
      %dma_wait3A_87 = arith.constant 0 : i32
      %dma_wait3A_88 = tpu.memref_slice %arg3[%add3A, %dma_wait3A_86, %dma_wait3A_87] : memref<32x32x800xi32, #tpu.memory_space<hbm>> -> memref<1x32x800xi32, #tpu.memory_space<hbm>>
      %dma_wait3A_89 = tpu.memref_squeeze %dma_wait3A_88 : memref<1x32x800xi32, #tpu.memory_space<hbm>> -> memref<32x800xi32, #tpu.memory_space<hbm>>
      %dma_wait3A_90 = arith.constant 0 : i32
      %dma_wait3A_91 = arith.constant 0 : i32
      %dma_wait3A_92 = tpu.memref_slice %arg3[%add3A, %dma_wait3A_90, %dma_wait3A_91] : memref<32x32x800xi32, #tpu.memory_space<hbm>> -> memref<1x32x800xi32, #tpu.memory_space<hbm>>
      %dma_wait3A_93 = tpu.memref_squeeze %dma_wait3A_92 : memref<1x32x800xi32, #tpu.memory_space<hbm>> -> memref<32x800xi32, #tpu.memory_space<hbm>>
      tpu.wait_dma2 semaphore(%run_scoped3A : memref<!tpu.dma_semaphore, #tpu.memory_space<semaphore_mem>>) src(%dma_wait3A_93 : memref<32x800xi32, #tpu.memory_space<hbm>>) dst(%arg5 : memref<32x800xi32, #tpu.memory_space<vmem>>)
      tpu.yield
    }) : () -> ()
    %dma_start3A = arith.constant 0 : i32
    %dma_start3A_3 = arith.constant 0 : i32
    %dma_start3A_4 = arith.constant 0 : i32
    %dma_start3A_5 = arith.constant 0 : i32
    %dma_start3A_6 = tpu.memref_slice %arg6[%dma_start3A_3, %dma_start3A_4, %dma_start3A_5] : memref<2x800x32xf32, #tpu.memory_space<vmem>> -> memref<1x800x32xf32, #tpu.memory_space<vmem>>
    %dma_start3A_7 = tpu.memref_squeeze %dma_start3A_6 : memref<1x800x32xf32, #tpu.memory_space<vmem>> -> memref<800x32xf32, #tpu.memory_space<vmem>>
    %dma_start3A_8 = arith.constant 0 : i32
    %dma_start3A_9 = tpu.memref_slice %arg5[%dma_start3A, %dma_start3A_8] : memref<32x800xi32, #tpu.memory_space<vmem>> -> memref<1x800xi32, #tpu.memory_space<vmem>>
    %dma_start3A_10 = tpu.memref_squeeze %dma_start3A_9 : memref<1x800xi32, #tpu.memory_space<vmem>> -> memref<800xi32, #tpu.memory_space<vmem>>
    %dma_start3A_11 = arith.constant 0 : i32
    %dma_start3A_12 = arith.constant 0 : i32
    %dma_start3A_13 = tpu.memref_slice %arg2[%dma_start3A_11, %dma_start3A_12] : memref<1000000x32xf32, #tpu.memory_space<hbm>> -> memref<1000000x32xf32, #tpu.memory_space<hbm>>
    tpu.enqueue_indirect_dma source(%dma_start3A_13 : memref<1000000x32xf32, #tpu.memory_space<hbm>>) target(%dma_start3A_7 : memref<800x32xf32, #tpu.memory_space<vmem>>) offsets(%dma_start3A_10 : memref<800xi32, #tpu.memory_space<vmem>>) semaphore(%arg8 : memref<!tpu.dma_semaphore, #tpu.memory_space<semaphore_mem>>)
    %dma_start3A_14 = arith.constant 1 : i32
    %dma_start3A_15 = arith.constant 1 : i32
    %dma_start3A_16 = arith.constant 0 : i32
    %dma_start3A_17 = arith.constant 0 : i32
    %dma_start3A_18 = tpu.memref_slice %arg6[%dma_start3A_15, %dma_start3A_16, %dma_start3A_17] : memref<2x800x32xf32, #tpu.memory_space<vmem>> -> memref<1x800x32xf32, #tpu.memory_space<vmem>>
    %dma_start3A_19 = tpu.memref_squeeze %dma_start3A_18 : memref<1x800x32xf32, #tpu.memory_space<vmem>> -> memref<800x32xf32, #tpu.memory_space<vmem>>
    %dma_start3A_20 = arith.constant 0 : i32
    %dma_start3A_21 = tpu.memref_slice %arg5[%dma_start3A_14, %dma_start3A_20] : memref<32x800xi32, #tpu.memory_space<vmem>> -> memref<1x800xi32, #tpu.memory_space<vmem>>
    %dma_start3A_22 = tpu.memref_squeeze %dma_start3A_21 : memref<1x800xi32, #tpu.memory_space<vmem>> -> memref<800xi32, #tpu.memory_space<vmem>>
    %dma_start3A_23 = arith.constant 0 : i32
    %dma_start3A_24 = arith.constant 0 : i32
    %dma_start3A_25 = tpu.memref_slice %arg2[%dma_start3A_23, %dma_start3A_24] : memref<1000000x32xf32, #tpu.memory_space<hbm>> -> memref<1000000x32xf32, #tpu.memory_space<hbm>>
    tpu.enqueue_indirect_dma source(%dma_start3A_25 : memref<1000000x32xf32, #tpu.memory_space<hbm>>) target(%dma_start3A_19 : memref<800x32xf32, #tpu.memory_space<vmem>>) offsets(%dma_start3A_22 : memref<800xi32, #tpu.memory_space<vmem>>) semaphore(%arg8 : memref<!tpu.dma_semaphore, #tpu.memory_space<semaphore_mem>>)
    %scan3A = arith.constant 0 : i32
    %scan3A_26 = arith.constant 0 : i32
    %scan3A_27 = arith.constant 8 : i32
    %scan3A_28 = arith.addi %scan3A_26, %scan3A_27 : i32
    %scan3A_29 = arith.constant 1 : i32
    scf.for %scan3A_78 = %scan3A_26 to %scan3A_28 step %scan3A_29  : i32 {
      %mul3A_79 = arith.constant 2 : i32
      %mul3A_80 = arith.muli %mul3A_79, %scan3A_78 : i32
      %mul3A_81 = arith.constant 2 : i32
      %mul3A_82 = arith.muli %mul3A_81, %scan3A_78 : i32
      %add3A_83 = arith.constant 1 : i32
      %add3A_84 = arith.addi %mul3A_82, %add3A_83 : i32
      %gt3A = arith.constant 0 : i32
      %gt3A_85 = arith.cmpi sgt, %scan3A_78, %gt3A : i32
      %convert_element_type3A = arith.extui %gt3A_85 : i1 to i32
      %cond3A = arith.constant 0 : i32
      %cond3A_86 = arith.cmpi ne, %convert_element_type3A, %cond3A : i32
      scf.if %cond3A_86 {
        %dma_wait3A_2217 = arith.constant 0 : i32
        %dma_wait3A_2218 = arith.constant 0 : i32
        %dma_wait3A_2219 = arith.constant 0 : i32
        %dma_wait3A_2220 = arith.constant 0 : i32
        %dma_wait3A_2221 = tpu.memref_slice %arg7[%dma_wait3A_2218, %dma_wait3A_2219, %dma_wait3A_2220] : memref<2x800x32xf32, #tpu.memory_space<vmem>> -> memref<1x800x32xf32, #tpu.memory_space<vmem>>
        %dma_wait3A_2222 = tpu.memref_squeeze %dma_wait3A_2221 : memref<1x800x32xf32, #tpu.memory_space<vmem>> -> memref<800x32xf32, #tpu.memory_space<vmem>>
        %dma_wait3A_2223 = arith.constant 0 : i32
        %dma_wait3A_2224 = tpu.memref_slice %arg5[%dma_wait3A_2217, %dma_wait3A_2223] : memref<32x800xi32, #tpu.memory_space<vmem>> -> memref<1x800xi32, #tpu.memory_space<vmem>>
        %dma_wait3A_2225 = tpu.memref_squeeze %dma_wait3A_2224 : memref<1x800xi32, #tpu.memory_space<vmem>> -> memref<800xi32, #tpu.memory_space<vmem>>
        %dma_wait3A_2226 = arith.constant 0 : i32
        %dma_wait3A_2227 = arith.constant 0 : i32
        %dma_wait3A_2228 = tpu.memref_slice %arg2[%dma_wait3A_2226, %dma_wait3A_2227] : memref<1000000x32xf32, #tpu.memory_space<hbm>> -> memref<1000000x32xf32, #tpu.memory_space<hbm>>
        tpu.wait_indirect_dma semaphore(%arg11 : memref<!tpu.dma_semaphore, #tpu.memory_space<semaphore_mem>>) src(%dma_wait3A_2228 : memref<1000000x32xf32, #tpu.memory_space<hbm>>) dst(%dma_wait3A_2222 : memref<800x32xf32, #tpu.memory_space<vmem>>)
        %dma_wait3A_2229 = arith.constant 1 : i32
        %dma_wait3A_2230 = arith.constant 1 : i32
        %dma_wait3A_2231 = arith.constant 0 : i32
        %dma_wait3A_2232 = arith.constant 0 : i32
        %dma_wait3A_2233 = tpu.memref_slice %arg7[%dma_wait3A_2230, %dma_wait3A_2231, %dma_wait3A_2232] : memref<2x800x32xf32, #tpu.memory_space<vmem>> -> memref<1x800x32xf32, #tpu.memory_space<vmem>>
        %dma_wait3A_2234 = tpu.memref_squeeze %dma_wait3A_2233 : memref<1x800x32xf32, #tpu.memory_space<vmem>> -> memref<800x32xf32, #tpu.memory_space<vmem>>
        %dma_wait3A_2235 = arith.constant 0 : i32
        %dma_wait3A_2236 = tpu.memref_slice %arg5[%dma_wait3A_2229, %dma_wait3A_2235] : memref<32x800xi32, #tpu.memory_space<vmem>> -> memref<1x800xi32, #tpu.memory_space<vmem>>
        %dma_wait3A_2237 = tpu.memref_squeeze %dma_wait3A_2236 : memref<1x800xi32, #tpu.memory_space<vmem>> -> memref<800xi32, #tpu.memory_space<vmem>>
        %dma_wait3A_2238 = arith.constant 0 : i32
        %dma_wait3A_2239 = arith.constant 0 : i32
        %dma_wait3A_2240 = tpu.memref_slice %arg2[%dma_wait3A_2238, %dma_wait3A_2239] : memref<1000000x32xf32, #tpu.memory_space<hbm>> -> memref<1000000x32xf32, #tpu.memory_space<hbm>>
        tpu.wait_indirect_dma semaphore(%arg11 : memref<!tpu.dma_semaphore, #tpu.memory_space<semaphore_mem>>) src(%dma_wait3A_2240 : memref<1000000x32xf32, #tpu.memory_space<hbm>>) dst(%dma_wait3A_2234 : memref<800x32xf32, #tpu.memory_space<vmem>>)
      } else {
      }
      %mul3A_87 = arith.constant 2 : i32
      %mul3A_88 = arith.muli %add3A_84, %mul3A_87 : i32
      %add3A_89 = arith.constant 0 : i32
      %add3A_90 = arith.addi %mul3A_88, %add3A_89 : i32
      %dma_start3A_91 = arith.constant 0 : i32
      %dma_start3A_92 = arith.constant 0 : i32
      %dma_start3A_93 = arith.constant 0 : i32
      %dma_start3A_94 = tpu.memref_slice %arg7[%dma_start3A_91, %dma_start3A_92, %dma_start3A_93] : memref<2x800x32xf32, #tpu.memory_space<vmem>> -> memref<1x800x32xf32, #tpu.memory_space<vmem>>
      %dma_start3A_95 = tpu.memref_squeeze %dma_start3A_94 : memref<1x800x32xf32, #tpu.memory_space<vmem>> -> memref<800x32xf32, #tpu.memory_space<vmem>>
      %dma_start3A_96 = arith.constant 0 : i32
      %dma_start3A_97 = tpu.memref_slice %arg5[%add3A_90, %dma_start3A_96] : memref<32x800xi32, #tpu.memory_space<vmem>> -> memref<1x800xi32, #tpu.memory_space<vmem>>
      %dma_start3A_98 = tpu.memref_squeeze %dma_start3A_97 : memref<1x800xi32, #tpu.memory_space<vmem>> -> memref<800xi32, #tpu.memory_space<vmem>>
      %dma_start3A_99 = arith.constant 0 : i32
      %dma_start3A_100 = arith.constant 0 : i32
      %dma_start3A_101 = tpu.memref_slice %arg2[%dma_start3A_99, %dma_start3A_100] : memref<1000000x32xf32, #tpu.memory_space<hbm>> -> memref<1000000x32xf32, #tpu.memory_space<hbm>>
      tpu.enqueue_indirect_dma source(%dma_start3A_101 : memref<1000000x32xf32, #tpu.memory_space<hbm>>) target(%dma_start3A_95 : memref<800x32xf32, #tpu.memory_space<vmem>>) offsets(%dma_start3A_98 : memref<800xi32, #tpu.memory_space<vmem>>) semaphore(%arg9 : memref<!tpu.dma_semaphore, #tpu.memory_space<semaphore_mem>>)
      %mul3A_102 = arith.constant 2 : i32
      %mul3A_103 = arith.muli %add3A_84, %mul3A_102 : i32
      %add3A_104 = arith.constant 1 : i32
      %add3A_105 = arith.addi %mul3A_103, %add3A_104 : i32
      %dma_start3A_106 = arith.constant 1 : i32
      %dma_start3A_107 = arith.constant 0 : i32
      %dma_start3A_108 = arith.constant 0 : i32
      %dma_start3A_109 = tpu.memref_slice %arg7[%dma_start3A_106, %dma_start3A_107, %dma_start3A_108] : memref<2x800x32xf32, #tpu.memory_space<vmem>> -> memref<1x800x32xf32, #tpu.memory_space<vmem>>
      %dma_start3A_110 = tpu.memref_squeeze %dma_start3A_109 : memref<1x800x32xf32, #tpu.memory_space<vmem>> -> memref<800x32xf32, #tpu.memory_space<vmem>>
      %dma_start3A_111 = arith.constant 0 : i32
      %dma_start3A_112 = tpu.memref_slice %arg5[%add3A_105, %dma_start3A_111] : memref<32x800xi32, #tpu.memory_space<vmem>> -> memref<1x800xi32, #tpu.memory_space<vmem>>
      %dma_start3A_113 = tpu.memref_squeeze %dma_start3A_112 : memref<1x800xi32, #tpu.memory_space<vmem>> -> memref<800xi32, #tpu.memory_space<vmem>>
      %dma_start3A_114 = arith.constant 0 : i32
      %dma_start3A_115 = arith.constant 0 : i32
      %dma_start3A_116 = tpu.memref_slice %arg2[%dma_start3A_114, %dma_start3A_115] : memref<1000000x32xf32, #tpu.memory_space<hbm>> -> memref<1000000x32xf32, #tpu.memory_space<hbm>>
      tpu.enqueue_indirect_dma source(%dma_start3A_116 : memref<1000000x32xf32, #tpu.memory_space<hbm>>) target(%dma_start3A_110 : memref<800x32xf32, #tpu.memory_space<vmem>>) offsets(%dma_start3A_113 : memref<800xi32, #tpu.memory_space<vmem>>) semaphore(%arg9 : memref<!tpu.dma_semaphore, #tpu.memory_space<semaphore_mem>>)
      %dma_wait3A_117 = arith.constant 0 : i32
      %dma_wait3A_118 = arith.constant 0 : i32
      %dma_wait3A_119 = arith.constant 0 : i32
      %dma_wait3A_120 = arith.constant 0 : i32
      %dma_wait3A_121 = tpu.memref_slice %arg6[%dma_wait3A_118, %dma_wait3A_119, %dma_wait3A_120] : memref<2x800x32xf32, #tpu.memory_space<vmem>> -> memref<1x800x32xf32, #tpu.memory_space<vmem>>
      %dma_wait3A_122 = tpu.memref_squeeze %dma_wait3A_121 : memref<1x800x32xf32, #tpu.memory_space<vmem>> -> memref<800x32xf32, #tpu.memory_space<vmem>>
      %dma_wait3A_123 = arith.constant 0 : i32
      %dma_wait3A_124 = tpu.memref_slice %arg5[%dma_wait3A_117, %dma_wait3A_123] : memref<32x800xi32, #tpu.memory_space<vmem>> -> memref<1x800xi32, #tpu.memory_space<vmem>>
      %dma_wait3A_125 = tpu.memref_squeeze %dma_wait3A_124 : memref<1x800xi32, #tpu.memory_space<vmem>> -> memref<800xi32, #tpu.memory_space<vmem>>
      %dma_wait3A_126 = arith.constant 0 : i32
      %dma_wait3A_127 = arith.constant 0 : i32
      %dma_wait3A_128 = tpu.memref_slice %arg2[%dma_wait3A_126, %dma_wait3A_127] : memref<1000000x32xf32, #tpu.memory_space<hbm>> -> memref<1000000x32xf32, #tpu.memory_space<hbm>>
      tpu.wait_indirect_dma semaphore(%arg8 : memref<!tpu.dma_semaphore, #tpu.memory_space<semaphore_mem>>) src(%dma_wait3A_128 : memref<1000000x32xf32, #tpu.memory_space<hbm>>) dst(%dma_wait3A_122 : memref<800x32xf32, #tpu.memory_space<vmem>>)
      %dma_wait3A_129 = arith.constant 1 : i32
      %dma_wait3A_130 = arith.constant 1 : i32
      %dma_wait3A_131 = arith.constant 0 : i32
      %dma_wait3A_132 = arith.constant 0 : i32
      %dma_wait3A_133 = tpu.memref_slice %arg6[%dma_wait3A_130, %dma_wait3A_131, %dma_wait3A_132] : memref<2x800x32xf32, #tpu.memory_space<vmem>> -> memref<1x800x32xf32, #tpu.memory_space<vmem>>
      %dma_wait3A_134 = tpu.memref_squeeze %dma_wait3A_133 : memref<1x800x32xf32, #tpu.memory_space<vmem>> -> memref<800x32xf32, #tpu.memory_space<vmem>>
      %dma_wait3A_135 = arith.constant 0 : i32
      %dma_wait3A_136 = tpu.memref_slice %arg5[%dma_wait3A_129, %dma_wait3A_135] : memref<32x800xi32, #tpu.memory_space<vmem>> -> memref<1x800xi32, #tpu.memory_space<vmem>>
      %dma_wait3A_137 = tpu.memref_squeeze %dma_wait3A_136 : memref<1x800xi32, #tpu.memory_space<vmem>> -> memref<800xi32, #tpu.memory_space<vmem>>
      %dma_wait3A_138 = arith.constant 0 : i32
      %dma_wait3A_139 = arith.constant 0 : i32
      %dma_wait3A_140 = tpu.memref_slice %arg2[%dma_wait3A_138, %dma_wait3A_139] : memref<1000000x32xf32, #tpu.memory_space<hbm>> -> memref<1000000x32xf32, #tpu.memory_space<hbm>>
      tpu.wait_indirect_dma semaphore(%arg8 : memref<!tpu.dma_semaphore, #tpu.memory_space<semaphore_mem>>) src(%dma_wait3A_140 : memref<1000000x32xf32, #tpu.memory_space<hbm>>) dst(%dma_wait3A_134 : memref<800x32xf32, #tpu.memory_space<vmem>>)
      %mul3A_141 = arith.constant 2 : i32
      %mul3A_142 = arith.muli %mul3A_80, %mul3A_141 : i32
      %add3A_143 = arith.constant 0 : i32
      %add3A_144 = arith.addi %mul3A_142, %add3A_143 : i32
      %mul3A_145 = arith.constant 16 : i32
      %mul3A_146 = arith.muli %add3A_144, %mul3A_145 : i32
      %add3A_147 = arith.addi %mul3A_2, %mul3A_146 : i32
      %add3A_148 = arith.constant 0 : i32
      %add3A_149 = arith.addi %add3A_147, %add3A_148 : i32
      %dma_start3A_150 = arith.constant 0 : i32
      %dma_start3A_151 = arith.constant 0 : i32
      %dma_start3A_152 = arith.constant 0 : i32
      %dma_start3A_153 = tpu.memref_slice %arg6[%dma_start3A_150, %dma_start3A_151, %dma_start3A_152] : memref<2x800x32xf32, #tpu.memory_space<vmem>> -> memref<1x800x32xf32, #tpu.memory_space<vmem>>
      %dma_start3A_154 = tpu.memref_squeeze %dma_start3A_153 : memref<1x800x32xf32, #tpu.memory_space<vmem>> -> memref<800x32xf32, #tpu.memory_space<vmem>>
      %dma_start3A_155 = arith.constant 0 : i32
      %dma_start3A_156 = arith.constant 0 : i32
      %dma_start3A_157 = tpu.memref_slice %dma_start3A_154[%dma_start3A_155, %dma_start3A_156] : memref<800x32xf32, #tpu.memory_space<vmem>> -> memref<50x32xf32, #tpu.memory_space<vmem>>
      %dma_start3A_158 = arith.constant 0 : i32
      %dma_start3A_159 = arith.constant 0 : i32
      %dma_start3A_160 = tpu.memref_slice %arg4[%add3A_149, %dma_start3A_158, %dma_start3A_159] : memref<16384x50x32xf32, #tpu.memory_space<hbm>> -> memref<1x50x32xf32, #tpu.memory_space<hbm>>
      %dma_start3A_161 = tpu.memref_squeeze %dma_start3A_160 : memref<1x50x32xf32, #tpu.memory_space<hbm>> -> memref<50x32xf32, #tpu.memory_space<hbm>>
      %dma_start3A_162 = arith.constant 0 : i32
      %dma_start3A_163 = arith.constant 0 : i32
      %dma_start3A_164 = tpu.memref_slice %arg4[%add3A_149, %dma_start3A_162, %dma_start3A_163] : memref<16384x50x32xf32, #tpu.memory_space<hbm>> -> memref<1x50x32xf32, #tpu.memory_space<hbm>>
      %dma_start3A_165 = tpu.memref_squeeze %dma_start3A_164 : memref<1x50x32xf32, #tpu.memory_space<hbm>> -> memref<50x32xf32, #tpu.memory_space<hbm>>
      %dma_start3A_166 = arith.constant 0 : i32
      %dma_start3A_167 = arith.constant 0 : i32
      %dma_start3A_168 = tpu.memref_slice %arg6[%dma_start3A_150, %dma_start3A_166, %dma_start3A_167] : memref<2x800x32xf32, #tpu.memory_space<vmem>> -> memref<1x800x32xf32, #tpu.memory_space<vmem>>
      %dma_start3A_169 = tpu.memref_squeeze %dma_start3A_168 : memref<1x800x32xf32, #tpu.memory_space<vmem>> -> memref<800x32xf32, #tpu.memory_space<vmem>>
      %dma_start3A_170 = arith.constant 0 : i32
      %dma_start3A_171 = arith.constant 0 : i32
      %dma_start3A_172 = tpu.memref_slice %dma_start3A_169[%dma_start3A_170, %dma_start3A_171] : memref<800x32xf32, #tpu.memory_space<vmem>> -> memref<50x32xf32, #tpu.memory_space<vmem>>
      tpu.enqueue_dma source(%dma_start3A_172 : memref<50x32xf32, #tpu.memory_space<vmem>>) target(%dma_start3A_165 : memref<50x32xf32, #tpu.memory_space<hbm>>) target_semaphore(%arg10 : memref<!tpu.dma_semaphore, #tpu.memory_space<semaphore_mem>>)
      %mul3A_173 = arith.constant 2 : i32
      %mul3A_174 = arith.muli %mul3A_80, %mul3A_173 : i32
      %add3A_175 = arith.constant 0 : i32
      %add3A_176 = arith.addi %mul3A_174, %add3A_175 : i32
      %mul3A_177 = arith.constant 16 : i32
      %mul3A_178 = arith.muli %add3A_176, %mul3A_177 : i32
      %add3A_179 = arith.addi %mul3A_2, %mul3A_178 : i32
      %add3A_180 = arith.constant 1 : i32
      %add3A_181 = arith.addi %add3A_179, %add3A_180 : i32
      %dma_start3A_182 = arith.constant 0 : i32
      %dma_start3A_183 = arith.constant 0 : i32
      %dma_start3A_184 = arith.constant 0 : i32
      %dma_start3A_185 = tpu.memref_slice %arg6[%dma_start3A_182, %dma_start3A_183, %dma_start3A_184] : memref<2x800x32xf32, #tpu.memory_space<vmem>> -> memref<1x800x32xf32, #tpu.memory_space<vmem>>
      %dma_start3A_186 = tpu.memref_squeeze %dma_start3A_185 : memref<1x800x32xf32, #tpu.memory_space<vmem>> -> memref<800x32xf32, #tpu.memory_space<vmem>>
      %dma_start3A_187 = arith.constant 50 : i32
      %dma_start3A_188 = arith.constant 0 : i32
      %dma_start3A_189 = tpu.memref_slice %dma_start3A_186[%dma_start3A_187, %dma_start3A_188] : memref<800x32xf32, #tpu.memory_space<vmem>> -> memref<50x32xf32, #tpu.memory_space<vmem>>
      %dma_start3A_190 = arith.constant 0 : i32
      %dma_start3A_191 = arith.constant 0 : i32
      %dma_start3A_192 = tpu.memref_slice %arg4[%add3A_181, %dma_start3A_190, %dma_start3A_191] : memref<16384x50x32xf32, #tpu.memory_space<hbm>> -> memref<1x50x32xf32, #tpu.memory_space<hbm>>
      %dma_start3A_193 = tpu.memref_squeeze %dma_start3A_192 : memref<1x50x32xf32, #tpu.memory_space<hbm>> -> memref<50x32xf32, #tpu.memory_space<hbm>>
      %dma_start3A_194 = arith.constant 0 : i32
      %dma_start3A_195 = arith.constant 0 : i32
      %dma_start3A_196 = tpu.memref_slice %arg4[%add3A_181, %dma_start3A_194, %dma_start3A_195] : memref<16384x50x32xf32, #tpu.memory_space<hbm>> -> memref<1x50x32xf32, #tpu.memory_space<hbm>>
      %dma_start3A_197 = tpu.memref_squeeze %dma_start3A_196 : memref<1x50x32xf32, #tpu.memory_space<hbm>> -> memref<50x32xf32, #tpu.memory_space<hbm>>
      %dma_start3A_198 = arith.constant 0 : i32
      %dma_start3A_199 = arith.constant 0 : i32
      %dma_start3A_200 = tpu.memref_slice %arg6[%dma_start3A_182, %dma_start3A_198, %dma_start3A_199] : memref<2x800x32xf32, #tpu.memory_space<vmem>> -> memref<1x800x32xf32, #tpu.memory_space<vmem>>
      %dma_start3A_201 = tpu.memref_squeeze %dma_start3A_200 : memref<1x800x32xf32, #tpu.memory_space<vmem>> -> memref<800x32xf32, #tpu.memory_space<vmem>>
      %dma_start3A_202 = arith.constant 50 : i32
      %dma_start3A_203 = arith.constant 0 : i32
      %dma_start3A_204 = tpu.memref_slice %dma_start3A_201[%dma_start3A_202, %dma_start3A_203] : memref<800x32xf32, #tpu.memory_space<vmem>> -> memref<50x32xf32, #tpu.memory_space<vmem>>
      tpu.enqueue_dma source(%dma_start3A_204 : memref<50x32xf32, #tpu.memory_space<vmem>>) target(%dma_start3A_197 : memref<50x32xf32, #tpu.memory_space<hbm>>) target_semaphore(%arg10 : memref<!tpu.dma_semaphore, #tpu.memory_space<semaphore_mem>>)
      %mul3A_205 = arith.constant 2 : i32
      %mul3A_206 = arith.muli %mul3A_80, %mul3A_205 : i32
      %add3A_207 = arith.constant 0 : i32
      %add3A_208 = arith.addi %mul3A_206, %add3A_207 : i32
      %mul3A_209 = arith.constant 16 : i32
      %mul3A_210 = arith.muli %add3A_208, %mul3A_209 : i32
      %add3A_211 = arith.addi %mul3A_2, %mul3A_210 : i32
      %add3A_212 = arith.constant 2 : i32
      %add3A_213 = arith.addi %add3A_211, %add3A_212 : i32
      %dma_start3A_214 = arith.constant 0 : i32
      %dma_start3A_215 = arith.constant 0 : i32
      %dma_start3A_216 = arith.constant 0 : i32
      %dma_start3A_217 = tpu.memref_slice %arg6[%dma_start3A_214, %dma_start3A_215, %dma_start3A_216] : memref<2x800x32xf32, #tpu.memory_space<vmem>> -> memref<1x800x32xf32, #tpu.memory_space<vmem>>
      %dma_start3A_218 = tpu.memref_squeeze %dma_start3A_217 : memref<1x800x32xf32, #tpu.memory_space<vmem>> -> memref<800x32xf32, #tpu.memory_space<vmem>>
      %dma_start3A_219 = arith.constant 100 : i32
      %dma_start3A_220 = arith.constant 0 : i32
      %dma_start3A_221 = tpu.memref_slice %dma_start3A_218[%dma_start3A_219, %dma_start3A_220] : memref<800x32xf32, #tpu.memory_space<vmem>> -> memref<50x32xf32, #tpu.memory_space<vmem>>
      %dma_start3A_222 = arith.constant 0 : i32
      %dma_start3A_223 = arith.constant 0 : i32
      %dma_start3A_224 = tpu.memref_slice %arg4[%add3A_213, %dma_start3A_222, %dma_start3A_223] : memref<16384x50x32xf32, #tpu.memory_space<hbm>> -> memref<1x50x32xf32, #tpu.memory_space<hbm>>
      %dma_start3A_225 = tpu.memref_squeeze %dma_start3A_224 : memref<1x50x32xf32, #tpu.memory_space<hbm>> -> memref<50x32xf32, #tpu.memory_space<hbm>>
      %dma_start3A_226 = arith.constant 0 : i32
      %dma_start3A_227 = arith.constant 0 : i32
      %dma_start3A_228 = tpu.memref_slice %arg4[%add3A_213, %dma_start3A_226, %dma_start3A_227] : memref<16384x50x32xf32, #tpu.memory_space<hbm>> -> memref<1x50x32xf32, #tpu.memory_space<hbm>>
      %dma_start3A_229 = tpu.memref_squeeze %dma_start3A_228 : memref<1x50x32xf32, #tpu.memory_space<hbm>> -> memref<50x32xf32, #tpu.memory_space<hbm>>
      %dma_start3A_230 = arith.constant 0 : i32
      %dma_start3A_231 = arith.constant 0 : i32
      %dma_start3A_232 = tpu.memref_slice %arg6[%dma_start3A_214, %dma_start3A_230, %dma_start3A_231] : memref<2x800x32xf32, #tpu.memory_space<vmem>> -> memref<1x800x32xf32, #tpu.memory_space<vmem>>
      %dma_start3A_233 = tpu.memref_squeeze %dma_start3A_232 : memref<1x800x32xf32, #tpu.memory_space<vmem>> -> memref<800x32xf32, #tpu.memory_space<vmem>>
      %dma_start3A_234 = arith.constant 100 : i32
      %dma_start3A_235 = arith.constant 0 : i32
      %dma_start3A_236 = tpu.memref_slice %dma_start3A_233[%dma_start3A_234, %dma_start3A_235] : memref<800x32xf32, #tpu.memory_space<vmem>> -> memref<50x32xf32, #tpu.memory_space<vmem>>
      tpu.enqueue_dma source(%dma_start3A_236 : memref<50x32xf32, #tpu.memory_space<vmem>>) target(%dma_start3A_229 : memref<50x32xf32, #tpu.memory_space<hbm>>) target_semaphore(%arg10 : memref<!tpu.dma_semaphore, #tpu.memory_space<semaphore_mem>>)
      %mul3A_237 = arith.constant 2 : i32
      %mul3A_238 = arith.muli %mul3A_80, %mul3A_237 : i32
      %add3A_239 = arith.constant 0 : i32
      %add3A_240 = arith.addi %mul3A_238, %add3A_239 : i32
      %mul3A_241 = arith.constant 16 : i32
      %mul3A_242 = arith.muli %add3A_240, %mul3A_241 : i32
      %add3A_243 = arith.addi %mul3A_2, %mul3A_242 : i32
      %add3A_244 = arith.constant 3 : i32
      %add3A_245 = arith.addi %add3A_243, %add3A_244 : i32
      %dma_start3A_246 = arith.constant 0 : i32
      %dma_start3A_247 = arith.constant 0 : i32
      %dma_start3A_248 = arith.constant 0 : i32
      %dma_start3A_249 = tpu.memref_slice %arg6[%dma_start3A_246, %dma_start3A_247, %dma_start3A_248] : memref<2x800x32xf32, #tpu.memory_space<vmem>> -> memref<1x800x32xf32, #tpu.memory_space<vmem>>
      %dma_start3A_250 = tpu.memref_squeeze %dma_start3A_249 : memref<1x800x32xf32, #tpu.memory_space<vmem>> -> memref<800x32xf32, #tpu.memory_space<vmem>>
      %dma_start3A_251 = arith.constant 150 : i32
      %dma_start3A_252 = arith.constant 0 : i32
      %dma_start3A_253 = tpu.memref_slice %dma_start3A_250[%dma_start3A_251, %dma_start3A_252] : memref<800x32xf32, #tpu.memory_space<vmem>> -> memref<50x32xf32, #tpu.memory_space<vmem>>
      %dma_start3A_254 = arith.constant 0 : i32
      %dma_start3A_255 = arith.constant 0 : i32
      %dma_start3A_256 = tpu.memref_slice %arg4[%add3A_245, %dma_start3A_254, %dma_start3A_255] : memref<16384x50x32xf32, #tpu.memory_space<hbm>> -> memref<1x50x32xf32, #tpu.memory_space<hbm>>
      %dma_start3A_257 = tpu.memref_squeeze %dma_start3A_256 : memref<1x50x32xf32, #tpu.memory_space<hbm>> -> memref<50x32xf32, #tpu.memory_space<hbm>>
      %dma_start3A_258 = arith.constant 0 : i32
      %dma_start3A_259 = arith.constant 0 : i32
      %dma_start3A_260 = tpu.memref_slice %arg4[%add3A_245, %dma_start3A_258, %dma_start3A_259] : memref<16384x50x32xf32, #tpu.memory_space<hbm>> -> memref<1x50x32xf32, #tpu.memory_space<hbm>>
      %dma_start3A_261 = tpu.memref_squeeze %dma_start3A_260 : memref<1x50x32xf32, #tpu.memory_space<hbm>> -> memref<50x32xf32, #tpu.memory_space<hbm>>
      %dma_start3A_262 = arith.constant 0 : i32
      %dma_start3A_263 = arith.constant 0 : i32
      %dma_start3A_264 = tpu.memref_slice %arg6[%dma_start3A_246, %dma_start3A_262, %dma_start3A_263] : memref<2x800x32xf32, #tpu.memory_space<vmem>> -> memref<1x800x32xf32, #tpu.memory_space<vmem>>
      %dma_start3A_265 = tpu.memref_squeeze %dma_start3A_264 : memref<1x800x32xf32, #tpu.memory_space<vmem>> -> memref<800x32xf32, #tpu.memory_space<vmem>>
      %dma_start3A_266 = arith.constant 150 : i32
      %dma_start3A_267 = arith.constant 0 : i32
      %dma_start3A_268 = tpu.memref_slice %dma_start3A_265[%dma_start3A_266, %dma_start3A_267] : memref<800x32xf32, #tpu.memory_space<vmem>> -> memref<50x32xf32, #tpu.memory_space<vmem>>
      tpu.enqueue_dma source(%dma_start3A_268 : memref<50x32xf32, #tpu.memory_space<vmem>>) target(%dma_start3A_261 : memref<50x32xf32, #tpu.memory_space<hbm>>) target_semaphore(%arg10 : memref<!tpu.dma_semaphore, #tpu.memory_space<semaphore_mem>>)
      %mul3A_269 = arith.constant 2 : i32
      %mul3A_270 = arith.muli %mul3A_80, %mul3A_269 : i32
      %add3A_271 = arith.constant 0 : i32
      %add3A_272 = arith.addi %mul3A_270, %add3A_271 : i32
      %mul3A_273 = arith.constant 16 : i32
      %mul3A_274 = arith.muli %add3A_272, %mul3A_273 : i32
      %add3A_275 = arith.addi %mul3A_2, %mul3A_274 : i32
      %add3A_276 = arith.constant 4 : i32
      %add3A_277 = arith.addi %add3A_275, %add3A_276 : i32
      %dma_start3A_278 = arith.constant 0 : i32
      %dma_start3A_279 = arith.constant 0 : i32
      %dma_start3A_280 = arith.constant 0 : i32
      %dma_start3A_281 = tpu.memref_slice %arg6[%dma_start3A_278, %dma_start3A_279, %dma_start3A_280] : memref<2x800x32xf32, #tpu.memory_space<vmem>> -> memref<1x800x32xf32, #tpu.memory_space<vmem>>
      %dma_start3A_282 = tpu.memref_squeeze %dma_start3A_281 : memref<1x800x32xf32, #tpu.memory_space<vmem>> -> memref<800x32xf32, #tpu.memory_space<vmem>>
      %dma_start3A_283 = arith.constant 200 : i32
      %dma_start3A_284 = arith.constant 0 : i32
      %dma_start3A_285 = tpu.memref_slice %dma_start3A_282[%dma_start3A_283, %dma_start3A_284] : memref<800x32xf32, #tpu.memory_space<vmem>> -> memref<50x32xf32, #tpu.memory_space<vmem>>
      %dma_start3A_286 = arith.constant 0 : i32
      %dma_start3A_287 = arith.constant 0 : i32
      %dma_start3A_288 = tpu.memref_slice %arg4[%add3A_277, %dma_start3A_286, %dma_start3A_287] : memref<16384x50x32xf32, #tpu.memory_space<hbm>> -> memref<1x50x32xf32, #tpu.memory_space<hbm>>
      %dma_start3A_289 = tpu.memref_squeeze %dma_start3A_288 : memref<1x50x32xf32, #tpu.memory_space<hbm>> -> memref<50x32xf32, #tpu.memory_space<hbm>>
      %dma_start3A_290 = arith.constant 0 : i32
      %dma_start3A_291 = arith.constant 0 : i32
      %dma_start3A_292 = tpu.memref_slice %arg4[%add3A_277, %dma_start3A_290, %dma_start3A_291] : memref<16384x50x32xf32, #tpu.memory_space<hbm>> -> memref<1x50x32xf32, #tpu.memory_space<hbm>>
      %dma_start3A_293 = tpu.memref_squeeze %dma_start3A_292 : memref<1x50x32xf32, #tpu.memory_space<hbm>> -> memref<50x32xf32, #tpu.memory_space<hbm>>
      %dma_start3A_294 = arith.constant 0 : i32
      %dma_start3A_295 = arith.constant 0 : i32
      %dma_start3A_296 = tpu.memref_slice %arg6[%dma_start3A_278, %dma_start3A_294, %dma_start3A_295] : memref<2x800x32xf32, #tpu.memory_space<vmem>> -> memref<1x800x32xf32, #tpu.memory_space<vmem>>
      %dma_start3A_297 = tpu.memref_squeeze %dma_start3A_296 : memref<1x800x32xf32, #tpu.memory_space<vmem>> -> memref<800x32xf32, #tpu.memory_space<vmem>>
      %dma_start3A_298 = arith.constant 200 : i32
      %dma_start3A_299 = arith.constant 0 : i32
      %dma_start3A_300 = tpu.memref_slice %dma_start3A_297[%dma_start3A_298, %dma_start3A_299] : memref<800x32xf32, #tpu.memory_space<vmem>> -> memref<50x32xf32, #tpu.memory_space<vmem>>
      tpu.enqueue_dma source(%dma_start3A_300 : memref<50x32xf32, #tpu.memory_space<vmem>>) target(%dma_start3A_293 : memref<50x32xf32, #tpu.memory_space<hbm>>) target_semaphore(%arg10 : memref<!tpu.dma_semaphore, #tpu.memory_space<semaphore_mem>>)
      %mul3A_301 = arith.constant 2 : i32
      %mul3A_302 = arith.muli %mul3A_80, %mul3A_301 : i32
      %add3A_303 = arith.constant 0 : i32
      %add3A_304 = arith.addi %mul3A_302, %add3A_303 : i32
      %mul3A_305 = arith.constant 16 : i32
      %mul3A_306 = arith.muli %add3A_304, %mul3A_305 : i32
      %add3A_307 = arith.addi %mul3A_2, %mul3A_306 : i32
      %add3A_308 = arith.constant 5 : i32
      %add3A_309 = arith.addi %add3A_307, %add3A_308 : i32
      %dma_start3A_310 = arith.constant 0 : i32
      %dma_start3A_311 = arith.constant 0 : i32
      %dma_start3A_312 = arith.constant 0 : i32
      %dma_start3A_313 = tpu.memref_slice %arg6[%dma_start3A_310, %dma_start3A_311, %dma_start3A_312] : memref<2x800x32xf32, #tpu.memory_space<vmem>> -> memref<1x800x32xf32, #tpu.memory_space<vmem>>
      %dma_start3A_314 = tpu.memref_squeeze %dma_start3A_313 : memref<1x800x32xf32, #tpu.memory_space<vmem>> -> memref<800x32xf32, #tpu.memory_space<vmem>>
      %dma_start3A_315 = arith.constant 250 : i32
      %dma_start3A_316 = arith.constant 0 : i32
      %dma_start3A_317 = tpu.memref_slice %dma_start3A_314[%dma_start3A_315, %dma_start3A_316] : memref<800x32xf32, #tpu.memory_space<vmem>> -> memref<50x32xf32, #tpu.memory_space<vmem>>
      %dma_start3A_318 = arith.constant 0 : i32
      %dma_start3A_319 = arith.constant 0 : i32
      %dma_start3A_320 = tpu.memref_slice %arg4[%add3A_309, %dma_start3A_318, %dma_start3A_319] : memref<16384x50x32xf32, #tpu.memory_space<hbm>> -> memref<1x50x32xf32, #tpu.memory_space<hbm>>
      %dma_start3A_321 = tpu.memref_squeeze %dma_start3A_320 : memref<1x50x32xf32, #tpu.memory_space<hbm>> -> memref<50x32xf32, #tpu.memory_space<hbm>>
      %dma_start3A_322 = arith.constant 0 : i32
      %dma_start3A_323 = arith.constant 0 : i32
      %dma_start3A_324 = tpu.memref_slice %arg4[%add3A_309, %dma_start3A_322, %dma_start3A_323] : memref<16384x50x32xf32, #tpu.memory_space<hbm>> -> memref<1x50x32xf32, #tpu.memory_space<hbm>>
      %dma_start3A_325 = tpu.memref_squeeze %dma_start3A_324 : memref<1x50x32xf32, #tpu.memory_space<hbm>> -> memref<50x32xf32, #tpu.memory_space<hbm>>
      %dma_start3A_326 = arith.constant 0 : i32
      %dma_start3A_327 = arith.constant 0 : i32
      %dma_start3A_328 = tpu.memref_slice %arg6[%dma_start3A_310, %dma_start3A_326, %dma_start3A_327] : memref<2x800x32xf32, #tpu.memory_space<vmem>> -> memref<1x800x32xf32, #tpu.memory_space<vmem>>
      %dma_start3A_329 = tpu.memref_squeeze %dma_start3A_328 : memref<1x800x32xf32, #tpu.memory_space<vmem>> -> memref<800x32xf32, #tpu.memory_space<vmem>>
      %dma_start3A_330 = arith.constant 250 : i32
      %dma_start3A_331 = arith.constant 0 : i32
      %dma_start3A_332 = tpu.memref_slice %dma_start3A_329[%dma_start3A_330, %dma_start3A_331] : memref<800x32xf32, #tpu.memory_space<vmem>> -> memref<50x32xf32, #tpu.memory_space<vmem>>
      tpu.enqueue_dma source(%dma_start3A_332 : memref<50x32xf32, #tpu.memory_space<vmem>>) target(%dma_start3A_325 : memref<50x32xf32, #tpu.memory_space<hbm>>) target_semaphore(%arg10 : memref<!tpu.dma_semaphore, #tpu.memory_space<semaphore_mem>>)
      %mul3A_333 = arith.constant 2 : i32
      %mul3A_334 = arith.muli %mul3A_80, %mul3A_333 : i32
      %add3A_335 = arith.constant 0 : i32
      %add3A_336 = arith.addi %mul3A_334, %add3A_335 : i32
      %mul3A_337 = arith.constant 16 : i32
      %mul3A_338 = arith.muli %add3A_336, %mul3A_337 : i32
      %add3A_339 = arith.addi %mul3A_2, %mul3A_338 : i32
      %add3A_340 = arith.constant 6 : i32
      %add3A_341 = arith.addi %add3A_339, %add3A_340 : i32
      %dma_start3A_342 = arith.constant 0 : i32
      %dma_start3A_343 = arith.constant 0 : i32
      %dma_start3A_344 = arith.constant 0 : i32
      %dma_start3A_345 = tpu.memref_slice %arg6[%dma_start3A_342, %dma_start3A_343, %dma_start3A_344] : memref<2x800x32xf32, #tpu.memory_space<vmem>> -> memref<1x800x32xf32, #tpu.memory_space<vmem>>
      %dma_start3A_346 = tpu.memref_squeeze %dma_start3A_345 : memref<1x800x32xf32, #tpu.memory_space<vmem>> -> memref<800x32xf32, #tpu.memory_space<vmem>>
      %dma_start3A_347 = arith.constant 300 : i32
      %dma_start3A_348 = arith.constant 0 : i32
      %dma_start3A_349 = tpu.memref_slice %dma_start3A_346[%dma_start3A_347, %dma_start3A_348] : memref<800x32xf32, #tpu.memory_space<vmem>> -> memref<50x32xf32, #tpu.memory_space<vmem>>
      %dma_start3A_350 = arith.constant 0 : i32
      %dma_start3A_351 = arith.constant 0 : i32
      %dma_start3A_352 = tpu.memref_slice %arg4[%add3A_341, %dma_start3A_350, %dma_start3A_351] : memref<16384x50x32xf32, #tpu.memory_space<hbm>> -> memref<1x50x32xf32, #tpu.memory_space<hbm>>
      %dma_start3A_353 = tpu.memref_squeeze %dma_start3A_352 : memref<1x50x32xf32, #tpu.memory_space<hbm>> -> memref<50x32xf32, #tpu.memory_space<hbm>>
      %dma_start3A_354 = arith.constant 0 : i32
      %dma_start3A_355 = arith.constant 0 : i32
      %dma_start3A_356 = tpu.memref_slice %arg4[%add3A_341, %dma_start3A_354, %dma_start3A_355] : memref<16384x50x32xf32, #tpu.memory_space<hbm>> -> memref<1x50x32xf32, #tpu.memory_space<hbm>>
      %dma_start3A_357 = tpu.memref_squeeze %dma_start3A_356 : memref<1x50x32xf32, #tpu.memory_space<hbm>> -> memref<50x32xf32, #tpu.memory_space<hbm>>
      %dma_start3A_358 = arith.constant 0 : i32
      %dma_start3A_359 = arith.constant 0 : i32
      %dma_start3A_360 = tpu.memref_slice %arg6[%dma_start3A_342, %dma_start3A_358, %dma_start3A_359] : memref<2x800x32xf32, #tpu.memory_space<vmem>> -> memref<1x800x32xf32, #tpu.memory_space<vmem>>
      %dma_start3A_361 = tpu.memref_squeeze %dma_start3A_360 : memref<1x800x32xf32, #tpu.memory_space<vmem>> -> memref<800x32xf32, #tpu.memory_space<vmem>>
      %dma_start3A_362 = arith.constant 300 : i32
      %dma_start3A_363 = arith.constant 0 : i32
      %dma_start3A_364 = tpu.memref_slice %dma_start3A_361[%dma_start3A_362, %dma_start3A_363] : memref<800x32xf32, #tpu.memory_space<vmem>> -> memref<50x32xf32, #tpu.memory_space<vmem>>
      tpu.enqueue_dma source(%dma_start3A_364 : memref<50x32xf32, #tpu.memory_space<vmem>>) target(%dma_start3A_357 : memref<50x32xf32, #tpu.memory_space<hbm>>) target_semaphore(%arg10 : memref<!tpu.dma_semaphore, #tpu.memory_space<semaphore_mem>>)
      %mul3A_365 = arith.constant 2 : i32
      %mul3A_366 = arith.muli %mul3A_80, %mul3A_365 : i32
      %add3A_367 = arith.constant 0 : i32
      %add3A_368 = arith.addi %mul3A_366, %add3A_367 : i32
      %mul3A_369 = arith.constant 16 : i32
      %mul3A_370 = arith.muli %add3A_368, %mul3A_369 : i32
      %add3A_371 = arith.addi %mul3A_2, %mul3A_370 : i32
      %add3A_372 = arith.constant 7 : i32
      %add3A_373 = arith.addi %add3A_371, %add3A_372 : i32
      %dma_start3A_374 = arith.constant 0 : i32
      %dma_start3A_375 = arith.constant 0 : i32
      %dma_start3A_376 = arith.constant 0 : i32
      %dma_start3A_377 = tpu.memref_slice %arg6[%dma_start3A_374, %dma_start3A_375, %dma_start3A_376] : memref<2x800x32xf32, #tpu.memory_space<vmem>> -> memref<1x800x32xf32, #tpu.memory_space<vmem>>
      %dma_start3A_378 = tpu.memref_squeeze %dma_start3A_377 : memref<1x800x32xf32, #tpu.memory_space<vmem>> -> memref<800x32xf32, #tpu.memory_space<vmem>>
      %dma_start3A_379 = arith.constant 350 : i32
      %dma_start3A_380 = arith.constant 0 : i32
      %dma_start3A_381 = tpu.memref_slice %dma_start3A_378[%dma_start3A_379, %dma_start3A_380] : memref<800x32xf32, #tpu.memory_space<vmem>> -> memref<50x32xf32, #tpu.memory_space<vmem>>
      %dma_start3A_382 = arith.constant 0 : i32
      %dma_start3A_383 = arith.constant 0 : i32
      %dma_start3A_384 = tpu.memref_slice %arg4[%add3A_373, %dma_start3A_382, %dma_start3A_383] : memref<16384x50x32xf32, #tpu.memory_space<hbm>> -> memref<1x50x32xf32, #tpu.memory_space<hbm>>
      %dma_start3A_385 = tpu.memref_squeeze %dma_start3A_384 : memref<1x50x32xf32, #tpu.memory_space<hbm>> -> memref<50x32xf32, #tpu.memory_space<hbm>>
      %dma_start3A_386 = arith.constant 0 : i32
      %dma_start3A_387 = arith.constant 0 : i32
      %dma_start3A_388 = tpu.memref_slice %arg4[%add3A_373, %dma_start3A_386, %dma_start3A_387] : memref<16384x50x32xf32, #tpu.memory_space<hbm>> -> memref<1x50x32xf32, #tpu.memory_space<hbm>>
      %dma_start3A_389 = tpu.memref_squeeze %dma_start3A_388 : memref<1x50x32xf32, #tpu.memory_space<hbm>> -> memref<50x32xf32, #tpu.memory_space<hbm>>
      %dma_start3A_390 = arith.constant 0 : i32
      %dma_start3A_391 = arith.constant 0 : i32
      %dma_start3A_392 = tpu.memref_slice %arg6[%dma_start3A_374, %dma_start3A_390, %dma_start3A_391] : memref<2x800x32xf32, #tpu.memory_space<vmem>> -> memref<1x800x32xf32, #tpu.memory_space<vmem>>
      %dma_start3A_393 = tpu.memref_squeeze %dma_start3A_392 : memref<1x800x32xf32, #tpu.memory_space<vmem>> -> memref<800x32xf32, #tpu.memory_space<vmem>>
      %dma_start3A_394 = arith.constant 350 : i32
      %dma_start3A_395 = arith.constant 0 : i32
      %dma_start3A_396 = tpu.memref_slice %dma_start3A_393[%dma_start3A_394, %dma_start3A_395] : memref<800x32xf32, #tpu.memory_space<vmem>> -> memref<50x32xf32, #tpu.memory_space<vmem>>
      tpu.enqueue_dma source(%dma_start3A_396 : memref<50x32xf32, #tpu.memory_space<vmem>>) target(%dma_start3A_389 : memref<50x32xf32, #tpu.memory_space<hbm>>) target_semaphore(%arg10 : memref<!tpu.dma_semaphore, #tpu.memory_space<semaphore_mem>>)
      %mul3A_397 = arith.constant 2 : i32
      %mul3A_398 = arith.muli %mul3A_80, %mul3A_397 : i32
      %add3A_399 = arith.constant 0 : i32
      %add3A_400 = arith.addi %mul3A_398, %add3A_399 : i32
      %mul3A_401 = arith.constant 16 : i32
      %mul3A_402 = arith.muli %add3A_400, %mul3A_401 : i32
      %add3A_403 = arith.addi %mul3A_2, %mul3A_402 : i32
      %add3A_404 = arith.constant 8 : i32
      %add3A_405 = arith.addi %add3A_403, %add3A_404 : i32
      %dma_start3A_406 = arith.constant 0 : i32
      %dma_start3A_407 = arith.constant 0 : i32
      %dma_start3A_408 = arith.constant 0 : i32
      %dma_start3A_409 = tpu.memref_slice %arg6[%dma_start3A_406, %dma_start3A_407, %dma_start3A_408] : memref<2x800x32xf32, #tpu.memory_space<vmem>> -> memref<1x800x32xf32, #tpu.memory_space<vmem>>
      %dma_start3A_410 = tpu.memref_squeeze %dma_start3A_409 : memref<1x800x32xf32, #tpu.memory_space<vmem>> -> memref<800x32xf32, #tpu.memory_space<vmem>>
      %dma_start3A_411 = arith.constant 400 : i32
      %dma_start3A_412 = arith.constant 0 : i32
      %dma_start3A_413 = tpu.memref_slice %dma_start3A_410[%dma_start3A_411, %dma_start3A_412] : memref<800x32xf32, #tpu.memory_space<vmem>> -> memref<50x32xf32, #tpu.memory_space<vmem>>
      %dma_start3A_414 = arith.constant 0 : i32
      %dma_start3A_415 = arith.constant 0 : i32
      %dma_start3A_416 = tpu.memref_slice %arg4[%add3A_405, %dma_start3A_414, %dma_start3A_415] : memref<16384x50x32xf32, #tpu.memory_space<hbm>> -> memref<1x50x32xf32, #tpu.memory_space<hbm>>
      %dma_start3A_417 = tpu.memref_squeeze %dma_start3A_416 : memref<1x50x32xf32, #tpu.memory_space<hbm>> -> memref<50x32xf32, #tpu.memory_space<hbm>>
      %dma_start3A_418 = arith.constant 0 : i32
      %dma_start3A_419 = arith.constant 0 : i32
      %dma_start3A_420 = tpu.memref_slice %arg4[%add3A_405, %dma_start3A_418, %dma_start3A_419] : memref<16384x50x32xf32, #tpu.memory_space<hbm>> -> memref<1x50x32xf32, #tpu.memory_space<hbm>>
      %dma_start3A_421 = tpu.memref_squeeze %dma_start3A_420 : memref<1x50x32xf32, #tpu.memory_space<hbm>> -> memref<50x32xf32, #tpu.memory_space<hbm>>
      %dma_start3A_422 = arith.constant 0 : i32
      %dma_start3A_423 = arith.constant 0 : i32
      %dma_start3A_424 = tpu.memref_slice %arg6[%dma_start3A_406, %dma_start3A_422, %dma_start3A_423] : memref<2x800x32xf32, #tpu.memory_space<vmem>> -> memref<1x800x32xf32, #tpu.memory_space<vmem>>
      %dma_start3A_425 = tpu.memref_squeeze %dma_start3A_424 : memref<1x800x32xf32, #tpu.memory_space<vmem>> -> memref<800x32xf32, #tpu.memory_space<vmem>>
      %dma_start3A_426 = arith.constant 400 : i32
      %dma_start3A_427 = arith.constant 0 : i32
      %dma_start3A_428 = tpu.memref_slice %dma_start3A_425[%dma_start3A_426, %dma_start3A_427] : memref<800x32xf32, #tpu.memory_space<vmem>> -> memref<50x32xf32, #tpu.memory_space<vmem>>
      tpu.enqueue_dma source(%dma_start3A_428 : memref<50x32xf32, #tpu.memory_space<vmem>>) target(%dma_start3A_421 : memref<50x32xf32, #tpu.memory_space<hbm>>) target_semaphore(%arg10 : memref<!tpu.dma_semaphore, #tpu.memory_space<semaphore_mem>>)
      %mul3A_429 = arith.constant 2 : i32
      %mul3A_430 = arith.muli %mul3A_80, %mul3A_429 : i32
      %add3A_431 = arith.constant 0 : i32
      %add3A_432 = arith.addi %mul3A_430, %add3A_431 : i32
      %mul3A_433 = arith.constant 16 : i32
      %mul3A_434 = arith.muli %add3A_432, %mul3A_433 : i32
      %add3A_435 = arith.addi %mul3A_2, %mul3A_434 : i32
      %add3A_436 = arith.constant 9 : i32
      %add3A_437 = arith.addi %add3A_435, %add3A_436 : i32
      %dma_start3A_438 = arith.constant 0 : i32
      %dma_start3A_439 = arith.constant 0 : i32
      %dma_start3A_440 = arith.constant 0 : i32
      %dma_start3A_441 = tpu.memref_slice %arg6[%dma_start3A_438, %dma_start3A_439, %dma_start3A_440] : memref<2x800x32xf32, #tpu.memory_space<vmem>> -> memref<1x800x32xf32, #tpu.memory_space<vmem>>
      %dma_start3A_442 = tpu.memref_squeeze %dma_start3A_441 : memref<1x800x32xf32, #tpu.memory_space<vmem>> -> memref<800x32xf32, #tpu.memory_space<vmem>>
      %dma_start3A_443 = arith.constant 450 : i32
      %dma_start3A_444 = arith.constant 0 : i32
      %dma_start3A_445 = tpu.memref_slice %dma_start3A_442[%dma_start3A_443, %dma_start3A_444] : memref<800x32xf32, #tpu.memory_space<vmem>> -> memref<50x32xf32, #tpu.memory_space<vmem>>
      %dma_start3A_446 = arith.constant 0 : i32
      %dma_start3A_447 = arith.constant 0 : i32
      %dma_start3A_448 = tpu.memref_slice %arg4[%add3A_437, %dma_start3A_446, %dma_start3A_447] : memref<16384x50x32xf32, #tpu.memory_space<hbm>> -> memref<1x50x32xf32, #tpu.memory_space<hbm>>
      %dma_start3A_449 = tpu.memref_squeeze %dma_start3A_448 : memref<1x50x32xf32, #tpu.memory_space<hbm>> -> memref<50x32xf32, #tpu.memory_space<hbm>>
      %dma_start3A_450 = arith.constant 0 : i32
      %dma_start3A_451 = arith.constant 0 : i32
      %dma_start3A_452 = tpu.memref_slice %arg4[%add3A_437, %dma_start3A_450, %dma_start3A_451] : memref<16384x50x32xf32, #tpu.memory_space<hbm>> -> memref<1x50x32xf32, #tpu.memory_space<hbm>>
      %dma_start3A_453 = tpu.memref_squeeze %dma_start3A_452 : memref<1x50x32xf32, #tpu.memory_space<hbm>> -> memref<50x32xf32, #tpu.memory_space<hbm>>
      %dma_start3A_454 = arith.constant 0 : i32
      %dma_start3A_455 = arith.constant 0 : i32
      %dma_start3A_456 = tpu.memref_slice %arg6[%dma_start3A_438, %dma_start3A_454, %dma_start3A_455] : memref<2x800x32xf32, #tpu.memory_space<vmem>> -> memref<1x800x32xf32, #tpu.memory_space<vmem>>
      %dma_start3A_457 = tpu.memref_squeeze %dma_start3A_456 : memref<1x800x32xf32, #tpu.memory_space<vmem>> -> memref<800x32xf32, #tpu.memory_space<vmem>>
      %dma_start3A_458 = arith.constant 450 : i32
      %dma_start3A_459 = arith.constant 0 : i32
      %dma_start3A_460 = tpu.memref_slice %dma_start3A_457[%dma_start3A_458, %dma_start3A_459] : memref<800x32xf32, #tpu.memory_space<vmem>> -> memref<50x32xf32, #tpu.memory_space<vmem>>
      tpu.enqueue_dma source(%dma_start3A_460 : memref<50x32xf32, #tpu.memory_space<vmem>>) target(%dma_start3A_453 : memref<50x32xf32, #tpu.memory_space<hbm>>) target_semaphore(%arg10 : memref<!tpu.dma_semaphore, #tpu.memory_space<semaphore_mem>>)
      %mul3A_461 = arith.constant 2 : i32
      %mul3A_462 = arith.muli %mul3A_80, %mul3A_461 : i32
      %add3A_463 = arith.constant 0 : i32
      %add3A_464 = arith.addi %mul3A_462, %add3A_463 : i32
      %mul3A_465 = arith.constant 16 : i32
      %mul3A_466 = arith.muli %add3A_464, %mul3A_465 : i32
      %add3A_467 = arith.addi %mul3A_2, %mul3A_466 : i32
      %add3A_468 = arith.constant 10 : i32
      %add3A_469 = arith.addi %add3A_467, %add3A_468 : i32
      %dma_start3A_470 = arith.constant 0 : i32
      %dma_start3A_471 = arith.constant 0 : i32
      %dma_start3A_472 = arith.constant 0 : i32
      %dma_start3A_473 = tpu.memref_slice %arg6[%dma_start3A_470, %dma_start3A_471, %dma_start3A_472] : memref<2x800x32xf32, #tpu.memory_space<vmem>> -> memref<1x800x32xf32, #tpu.memory_space<vmem>>
      %dma_start3A_474 = tpu.memref_squeeze %dma_start3A_473 : memref<1x800x32xf32, #tpu.memory_space<vmem>> -> memref<800x32xf32, #tpu.memory_space<vmem>>
      %dma_start3A_475 = arith.constant 500 : i32
      %dma_start3A_476 = arith.constant 0 : i32
      %dma_start3A_477 = tpu.memref_slice %dma_start3A_474[%dma_start3A_475, %dma_start3A_476] : memref<800x32xf32, #tpu.memory_space<vmem>> -> memref<50x32xf32, #tpu.memory_space<vmem>>
      %dma_start3A_478 = arith.constant 0 : i32
      %dma_start3A_479 = arith.constant 0 : i32
      %dma_start3A_480 = tpu.memref_slice %arg4[%add3A_469, %dma_start3A_478, %dma_start3A_479] : memref<16384x50x32xf32, #tpu.memory_space<hbm>> -> memref<1x50x32xf32, #tpu.memory_space<hbm>>
      %dma_start3A_481 = tpu.memref_squeeze %dma_start3A_480 : memref<1x50x32xf32, #tpu.memory_space<hbm>> -> memref<50x32xf32, #tpu.memory_space<hbm>>
      %dma_start3A_482 = arith.constant 0 : i32
      %dma_start3A_483 = arith.constant 0 : i32
      %dma_start3A_484 = tpu.memref_slice %arg4[%add3A_469, %dma_start3A_482, %dma_start3A_483] : memref<16384x50x32xf32, #tpu.memory_space<hbm>> -> memref<1x50x32xf32, #tpu.memory_space<hbm>>
      %dma_start3A_485 = tpu.memref_squeeze %dma_start3A_484 : memref<1x50x32xf32, #tpu.memory_space<hbm>> -> memref<50x32xf32, #tpu.memory_space<hbm>>
      %dma_start3A_486 = arith.constant 0 : i32
      %dma_start3A_487 = arith.constant 0 : i32
      %dma_start3A_488 = tpu.memref_slice %arg6[%dma_start3A_470, %dma_start3A_486, %dma_start3A_487] : memref<2x800x32xf32, #tpu.memory_space<vmem>> -> memref<1x800x32xf32, #tpu.memory_space<vmem>>
      %dma_start3A_489 = tpu.memref_squeeze %dma_start3A_488 : memref<1x800x32xf32, #tpu.memory_space<vmem>> -> memref<800x32xf32, #tpu.memory_space<vmem>>
      %dma_start3A_490 = arith.constant 500 : i32
      %dma_start3A_491 = arith.constant 0 : i32
      %dma_start3A_492 = tpu.memref_slice %dma_start3A_489[%dma_start3A_490, %dma_start3A_491] : memref<800x32xf32, #tpu.memory_space<vmem>> -> memref<50x32xf32, #tpu.memory_space<vmem>>
      tpu.enqueue_dma source(%dma_start3A_492 : memref<50x32xf32, #tpu.memory_space<vmem>>) target(%dma_start3A_485 : memref<50x32xf32, #tpu.memory_space<hbm>>) target_semaphore(%arg10 : memref<!tpu.dma_semaphore, #tpu.memory_space<semaphore_mem>>)
      %mul3A_493 = arith.constant 2 : i32
      %mul3A_494 = arith.muli %mul3A_80, %mul3A_493 : i32
      %add3A_495 = arith.constant 0 : i32
      %add3A_496 = arith.addi %mul3A_494, %add3A_495 : i32
      %mul3A_497 = arith.constant 16 : i32
      %mul3A_498 = arith.muli %add3A_496, %mul3A_497 : i32
      %add3A_499 = arith.addi %mul3A_2, %mul3A_498 : i32
      %add3A_500 = arith.constant 11 : i32
      %add3A_501 = arith.addi %add3A_499, %add3A_500 : i32
      %dma_start3A_502 = arith.constant 0 : i32
      %dma_start3A_503 = arith.constant 0 : i32
      %dma_start3A_504 = arith.constant 0 : i32
      %dma_start3A_505 = tpu.memref_slice %arg6[%dma_start3A_502, %dma_start3A_503, %dma_start3A_504] : memref<2x800x32xf32, #tpu.memory_space<vmem>> -> memref<1x800x32xf32, #tpu.memory_space<vmem>>
      %dma_start3A_506 = tpu.memref_squeeze %dma_start3A_505 : memref<1x800x32xf32, #tpu.memory_space<vmem>> -> memref<800x32xf32, #tpu.memory_space<vmem>>
      %dma_start3A_507 = arith.constant 550 : i32
      %dma_start3A_508 = arith.constant 0 : i32
      %dma_start3A_509 = tpu.memref_slice %dma_start3A_506[%dma_start3A_507, %dma_start3A_508] : memref<800x32xf32, #tpu.memory_space<vmem>> -> memref<50x32xf32, #tpu.memory_space<vmem>>
      %dma_start3A_510 = arith.constant 0 : i32
      %dma_start3A_511 = arith.constant 0 : i32
      %dma_start3A_512 = tpu.memref_slice %arg4[%add3A_501, %dma_start3A_510, %dma_start3A_511] : memref<16384x50x32xf32, #tpu.memory_space<hbm>> -> memref<1x50x32xf32, #tpu.memory_space<hbm>>
      %dma_start3A_513 = tpu.memref_squeeze %dma_start3A_512 : memref<1x50x32xf32, #tpu.memory_space<hbm>> -> memref<50x32xf32, #tpu.memory_space<hbm>>
      %dma_start3A_514 = arith.constant 0 : i32
      %dma_start3A_515 = arith.constant 0 : i32
      %dma_start3A_516 = tpu.memref_slice %arg4[%add3A_501, %dma_start3A_514, %dma_start3A_515] : memref<16384x50x32xf32, #tpu.memory_space<hbm>> -> memref<1x50x32xf32, #tpu.memory_space<hbm>>
      %dma_start3A_517 = tpu.memref_squeeze %dma_start3A_516 : memref<1x50x32xf32, #tpu.memory_space<hbm>> -> memref<50x32xf32, #tpu.memory_space<hbm>>
      %dma_start3A_518 = arith.constant 0 : i32
      %dma_start3A_519 = arith.constant 0 : i32
      %dma_start3A_520 = tpu.memref_slice %arg6[%dma_start3A_502, %dma_start3A_518, %dma_start3A_519] : memref<2x800x32xf32, #tpu.memory_space<vmem>> -> memref<1x800x32xf32, #tpu.memory_space<vmem>>
      %dma_start3A_521 = tpu.memref_squeeze %dma_start3A_520 : memref<1x800x32xf32, #tpu.memory_space<vmem>> -> memref<800x32xf32, #tpu.memory_space<vmem>>
      %dma_start3A_522 = arith.constant 550 : i32
      %dma_start3A_523 = arith.constant 0 : i32
      %dma_start3A_524 = tpu.memref_slice %dma_start3A_521[%dma_start3A_522, %dma_start3A_523] : memref<800x32xf32, #tpu.memory_space<vmem>> -> memref<50x32xf32, #tpu.memory_space<vmem>>
      tpu.enqueue_dma source(%dma_start3A_524 : memref<50x32xf32, #tpu.memory_space<vmem>>) target(%dma_start3A_517 : memref<50x32xf32, #tpu.memory_space<hbm>>) target_semaphore(%arg10 : memref<!tpu.dma_semaphore, #tpu.memory_space<semaphore_mem>>)
      %mul3A_525 = arith.constant 2 : i32
      %mul3A_526 = arith.muli %mul3A_80, %mul3A_525 : i32
      %add3A_527 = arith.constant 0 : i32
      %add3A_528 = arith.addi %mul3A_526, %add3A_527 : i32
      %mul3A_529 = arith.constant 16 : i32
      %mul3A_530 = arith.muli %add3A_528, %mul3A_529 : i32
      %add3A_531 = arith.addi %mul3A_2, %mul3A_530 : i32
      %add3A_532 = arith.constant 12 : i32
      %add3A_533 = arith.addi %add3A_531, %add3A_532 : i32
      %dma_start3A_534 = arith.constant 0 : i32
      %dma_start3A_535 = arith.constant 0 : i32
      %dma_start3A_536 = arith.constant 0 : i32
      %dma_start3A_537 = tpu.memref_slice %arg6[%dma_start3A_534, %dma_start3A_535, %dma_start3A_536] : memref<2x800x32xf32, #tpu.memory_space<vmem>> -> memref<1x800x32xf32, #tpu.memory_space<vmem>>
      %dma_start3A_538 = tpu.memref_squeeze %dma_start3A_537 : memref<1x800x32xf32, #tpu.memory_space<vmem>> -> memref<800x32xf32, #tpu.memory_space<vmem>>
      %dma_start3A_539 = arith.constant 600 : i32
      %dma_start3A_540 = arith.constant 0 : i32
      %dma_start3A_541 = tpu.memref_slice %dma_start3A_538[%dma_start3A_539, %dma_start3A_540] : memref<800x32xf32, #tpu.memory_space<vmem>> -> memref<50x32xf32, #tpu.memory_space<vmem>>
      %dma_start3A_542 = arith.constant 0 : i32
      %dma_start3A_543 = arith.constant 0 : i32
      %dma_start3A_544 = tpu.memref_slice %arg4[%add3A_533, %dma_start3A_542, %dma_start3A_543] : memref<16384x50x32xf32, #tpu.memory_space<hbm>> -> memref<1x50x32xf32, #tpu.memory_space<hbm>>
      %dma_start3A_545 = tpu.memref_squeeze %dma_start3A_544 : memref<1x50x32xf32, #tpu.memory_space<hbm>> -> memref<50x32xf32, #tpu.memory_space<hbm>>
      %dma_start3A_546 = arith.constant 0 : i32
      %dma_start3A_547 = arith.constant 0 : i32
      %dma_start3A_548 = tpu.memref_slice %arg4[%add3A_533, %dma_start3A_546, %dma_start3A_547] : memref<16384x50x32xf32, #tpu.memory_space<hbm>> -> memref<1x50x32xf32, #tpu.memory_space<hbm>>
      %dma_start3A_549 = tpu.memref_squeeze %dma_start3A_548 : memref<1x50x32xf32, #tpu.memory_space<hbm>> -> memref<50x32xf32, #tpu.memory_space<hbm>>
      %dma_start3A_550 = arith.constant 0 : i32
      %dma_start3A_551 = arith.constant 0 : i32
      %dma_start3A_552 = tpu.memref_slice %arg6[%dma_start3A_534, %dma_start3A_550, %dma_start3A_551] : memref<2x800x32xf32, #tpu.memory_space<vmem>> -> memref<1x800x32xf32, #tpu.memory_space<vmem>>
      %dma_start3A_553 = tpu.memref_squeeze %dma_start3A_552 : memref<1x800x32xf32, #tpu.memory_space<vmem>> -> memref<800x32xf32, #tpu.memory_space<vmem>>
      %dma_start3A_554 = arith.constant 600 : i32
      %dma_start3A_555 = arith.constant 0 : i32
      %dma_start3A_556 = tpu.memref_slice %dma_start3A_553[%dma_start3A_554, %dma_start3A_555] : memref<800x32xf32, #tpu.memory_space<vmem>> -> memref<50x32xf32, #tpu.memory_space<vmem>>
      tpu.enqueue_dma source(%dma_start3A_556 : memref<50x32xf32, #tpu.memory_space<vmem>>) target(%dma_start3A_549 : memref<50x32xf32, #tpu.memory_space<hbm>>) target_semaphore(%arg10 : memref<!tpu.dma_semaphore, #tpu.memory_space<semaphore_mem>>)
      %mul3A_557 = arith.constant 2 : i32
      %mul3A_558 = arith.muli %mul3A_80, %mul3A_557 : i32
      %add3A_559 = arith.constant 0 : i32
      %add3A_560 = arith.addi %mul3A_558, %add3A_559 : i32
      %mul3A_561 = arith.constant 16 : i32
      %mul3A_562 = arith.muli %add3A_560, %mul3A_561 : i32
      %add3A_563 = arith.addi %mul3A_2, %mul3A_562 : i32
      %add3A_564 = arith.constant 13 : i32
      %add3A_565 = arith.addi %add3A_563, %add3A_564 : i32
      %dma_start3A_566 = arith.constant 0 : i32
      %dma_start3A_567 = arith.constant 0 : i32
      %dma_start3A_568 = arith.constant 0 : i32
      %dma_start3A_569 = tpu.memref_slice %arg6[%dma_start3A_566, %dma_start3A_567, %dma_start3A_568] : memref<2x800x32xf32, #tpu.memory_space<vmem>> -> memref<1x800x32xf32, #tpu.memory_space<vmem>>
      %dma_start3A_570 = tpu.memref_squeeze %dma_start3A_569 : memref<1x800x32xf32, #tpu.memory_space<vmem>> -> memref<800x32xf32, #tpu.memory_space<vmem>>
      %dma_start3A_571 = arith.constant 650 : i32
      %dma_start3A_572 = arith.constant 0 : i32
      %dma_start3A_573 = tpu.memref_slice %dma_start3A_570[%dma_start3A_571, %dma_start3A_572] : memref<800x32xf32, #tpu.memory_space<vmem>> -> memref<50x32xf32, #tpu.memory_space<vmem>>
      %dma_start3A_574 = arith.constant 0 : i32
      %dma_start3A_575 = arith.constant 0 : i32
      %dma_start3A_576 = tpu.memref_slice %arg4[%add3A_565, %dma_start3A_574, %dma_start3A_575] : memref<16384x50x32xf32, #tpu.memory_space<hbm>> -> memref<1x50x32xf32, #tpu.memory_space<hbm>>
      %dma_start3A_577 = tpu.memref_squeeze %dma_start3A_576 : memref<1x50x32xf32, #tpu.memory_space<hbm>> -> memref<50x32xf32, #tpu.memory_space<hbm>>
      %dma_start3A_578 = arith.constant 0 : i32
      %dma_start3A_579 = arith.constant 0 : i32
      %dma_start3A_580 = tpu.memref_slice %arg4[%add3A_565, %dma_start3A_578, %dma_start3A_579] : memref<16384x50x32xf32, #tpu.memory_space<hbm>> -> memref<1x50x32xf32, #tpu.memory_space<hbm>>
      %dma_start3A_581 = tpu.memref_squeeze %dma_start3A_580 : memref<1x50x32xf32, #tpu.memory_space<hbm>> -> memref<50x32xf32, #tpu.memory_space<hbm>>
      %dma_start3A_582 = arith.constant 0 : i32
      %dma_start3A_583 = arith.constant 0 : i32
      %dma_start3A_584 = tpu.memref_slice %arg6[%dma_start3A_566, %dma_start3A_582, %dma_start3A_583] : memref<2x800x32xf32, #tpu.memory_space<vmem>> -> memref<1x800x32xf32, #tpu.memory_space<vmem>>
      %dma_start3A_585 = tpu.memref_squeeze %dma_start3A_584 : memref<1x800x32xf32, #tpu.memory_space<vmem>> -> memref<800x32xf32, #tpu.memory_space<vmem>>
      %dma_start3A_586 = arith.constant 650 : i32
      %dma_start3A_587 = arith.constant 0 : i32
      %dma_start3A_588 = tpu.memref_slice %dma_start3A_585[%dma_start3A_586, %dma_start3A_587] : memref<800x32xf32, #tpu.memory_space<vmem>> -> memref<50x32xf32, #tpu.memory_space<vmem>>
      tpu.enqueue_dma source(%dma_start3A_588 : memref<50x32xf32, #tpu.memory_space<vmem>>) target(%dma_start3A_581 : memref<50x32xf32, #tpu.memory_space<hbm>>) target_semaphore(%arg10 : memref<!tpu.dma_semaphore, #tpu.memory_space<semaphore_mem>>)
      %mul3A_589 = arith.constant 2 : i32
      %mul3A_590 = arith.muli %mul3A_80, %mul3A_589 : i32
      %add3A_591 = arith.constant 0 : i32
      %add3A_592 = arith.addi %mul3A_590, %add3A_591 : i32
      %mul3A_593 = arith.constant 16 : i32
      %mul3A_594 = arith.muli %add3A_592, %mul3A_593 : i32
      %add3A_595 = arith.addi %mul3A_2, %mul3A_594 : i32
      %add3A_596 = arith.constant 14 : i32
      %add3A_597 = arith.addi %add3A_595, %add3A_596 : i32
      %dma_start3A_598 = arith.constant 0 : i32
      %dma_start3A_599 = arith.constant 0 : i32
      %dma_start3A_600 = arith.constant 0 : i32
      %dma_start3A_601 = tpu.memref_slice %arg6[%dma_start3A_598, %dma_start3A_599, %dma_start3A_600] : memref<2x800x32xf32, #tpu.memory_space<vmem>> -> memref<1x800x32xf32, #tpu.memory_space<vmem>>
      %dma_start3A_602 = tpu.memref_squeeze %dma_start3A_601 : memref<1x800x32xf32, #tpu.memory_space<vmem>> -> memref<800x32xf32, #tpu.memory_space<vmem>>
      %dma_start3A_603 = arith.constant 700 : i32
      %dma_start3A_604 = arith.constant 0 : i32
      %dma_start3A_605 = tpu.memref_slice %dma_start3A_602[%dma_start3A_603, %dma_start3A_604] : memref<800x32xf32, #tpu.memory_space<vmem>> -> memref<50x32xf32, #tpu.memory_space<vmem>>
      %dma_start3A_606 = arith.constant 0 : i32
      %dma_start3A_607 = arith.constant 0 : i32
      %dma_start3A_608 = tpu.memref_slice %arg4[%add3A_597, %dma_start3A_606, %dma_start3A_607] : memref<16384x50x32xf32, #tpu.memory_space<hbm>> -> memref<1x50x32xf32, #tpu.memory_space<hbm>>
      %dma_start3A_609 = tpu.memref_squeeze %dma_start3A_608 : memref<1x50x32xf32, #tpu.memory_space<hbm>> -> memref<50x32xf32, #tpu.memory_space<hbm>>
      %dma_start3A_610 = arith.constant 0 : i32
      %dma_start3A_611 = arith.constant 0 : i32
      %dma_start3A_612 = tpu.memref_slice %arg4[%add3A_597, %dma_start3A_610, %dma_start3A_611] : memref<16384x50x32xf32, #tpu.memory_space<hbm>> -> memref<1x50x32xf32, #tpu.memory_space<hbm>>
      %dma_start3A_613 = tpu.memref_squeeze %dma_start3A_612 : memref<1x50x32xf32, #tpu.memory_space<hbm>> -> memref<50x32xf32, #tpu.memory_space<hbm>>
      %dma_start3A_614 = arith.constant 0 : i32
      %dma_start3A_615 = arith.constant 0 : i32
      %dma_start3A_616 = tpu.memref_slice %arg6[%dma_start3A_598, %dma_start3A_614, %dma_start3A_615] : memref<2x800x32xf32, #tpu.memory_space<vmem>> -> memref<1x800x32xf32, #tpu.memory_space<vmem>>
      %dma_start3A_617 = tpu.memref_squeeze %dma_start3A_616 : memref<1x800x32xf32, #tpu.memory_space<vmem>> -> memref<800x32xf32, #tpu.memory_space<vmem>>
      %dma_start3A_618 = arith.constant 700 : i32
      %dma_start3A_619 = arith.constant 0 : i32
      %dma_start3A_620 = tpu.memref_slice %dma_start3A_617[%dma_start3A_618, %dma_start3A_619] : memref<800x32xf32, #tpu.memory_space<vmem>> -> memref<50x32xf32, #tpu.memory_space<vmem>>
      tpu.enqueue_dma source(%dma_start3A_620 : memref<50x32xf32, #tpu.memory_space<vmem>>) target(%dma_start3A_613 : memref<50x32xf32, #tpu.memory_space<hbm>>) target_semaphore(%arg10 : memref<!tpu.dma_semaphore, #tpu.memory_space<semaphore_mem>>)
      %mul3A_621 = arith.constant 2 : i32
      %mul3A_622 = arith.muli %mul3A_80, %mul3A_621 : i32
      %add3A_623 = arith.constant 0 : i32
      %add3A_624 = arith.addi %mul3A_622, %add3A_623 : i32
      %mul3A_625 = arith.constant 16 : i32
      %mul3A_626 = arith.muli %add3A_624, %mul3A_625 : i32
      %add3A_627 = arith.addi %mul3A_2, %mul3A_626 : i32
      %add3A_628 = arith.constant 15 : i32
      %add3A_629 = arith.addi %add3A_627, %add3A_628 : i32
      %dma_start3A_630 = arith.constant 0 : i32
      %dma_start3A_631 = arith.constant 0 : i32
      %dma_start3A_632 = arith.constant 0 : i32
      %dma_start3A_633 = tpu.memref_slice %arg6[%dma_start3A_630, %dma_start3A_631, %dma_start3A_632] : memref<2x800x32xf32, #tpu.memory_space<vmem>> -> memref<1x800x32xf32, #tpu.memory_space<vmem>>
      %dma_start3A_634 = tpu.memref_squeeze %dma_start3A_633 : memref<1x800x32xf32, #tpu.memory_space<vmem>> -> memref<800x32xf32, #tpu.memory_space<vmem>>
      %dma_start3A_635 = arith.constant 750 : i32
      %dma_start3A_636 = arith.constant 0 : i32
      %dma_start3A_637 = tpu.memref_slice %dma_start3A_634[%dma_start3A_635, %dma_start3A_636] : memref<800x32xf32, #tpu.memory_space<vmem>> -> memref<50x32xf32, #tpu.memory_space<vmem>>
      %dma_start3A_638 = arith.constant 0 : i32
      %dma_start3A_639 = arith.constant 0 : i32
      %dma_start3A_640 = tpu.memref_slice %arg4[%add3A_629, %dma_start3A_638, %dma_start3A_639] : memref<16384x50x32xf32, #tpu.memory_space<hbm>> -> memref<1x50x32xf32, #tpu.memory_space<hbm>>
      %dma_start3A_641 = tpu.memref_squeeze %dma_start3A_640 : memref<1x50x32xf32, #tpu.memory_space<hbm>> -> memref<50x32xf32, #tpu.memory_space<hbm>>
      %dma_start3A_642 = arith.constant 0 : i32
      %dma_start3A_643 = arith.constant 0 : i32
      %dma_start3A_644 = tpu.memref_slice %arg4[%add3A_629, %dma_start3A_642, %dma_start3A_643] : memref<16384x50x32xf32, #tpu.memory_space<hbm>> -> memref<1x50x32xf32, #tpu.memory_space<hbm>>
      %dma_start3A_645 = tpu.memref_squeeze %dma_start3A_644 : memref<1x50x32xf32, #tpu.memory_space<hbm>> -> memref<50x32xf32, #tpu.memory_space<hbm>>
      %dma_start3A_646 = arith.constant 0 : i32
      %dma_start3A_647 = arith.constant 0 : i32
      %dma_start3A_648 = tpu.memref_slice %arg6[%dma_start3A_630, %dma_start3A_646, %dma_start3A_647] : memref<2x800x32xf32, #tpu.memory_space<vmem>> -> memref<1x800x32xf32, #tpu.memory_space<vmem>>
      %dma_start3A_649 = tpu.memref_squeeze %dma_start3A_648 : memref<1x800x32xf32, #tpu.memory_space<vmem>> -> memref<800x32xf32, #tpu.memory_space<vmem>>
      %dma_start3A_650 = arith.constant 750 : i32
      %dma_start3A_651 = arith.constant 0 : i32
      %dma_start3A_652 = tpu.memref_slice %dma_start3A_649[%dma_start3A_650, %dma_start3A_651] : memref<800x32xf32, #tpu.memory_space<vmem>> -> memref<50x32xf32, #tpu.memory_space<vmem>>
      tpu.enqueue_dma source(%dma_start3A_652 : memref<50x32xf32, #tpu.memory_space<vmem>>) target(%dma_start3A_645 : memref<50x32xf32, #tpu.memory_space<hbm>>) target_semaphore(%arg10 : memref<!tpu.dma_semaphore, #tpu.memory_space<semaphore_mem>>)
      %mul3A_653 = arith.constant 2 : i32
      %mul3A_654 = arith.muli %mul3A_80, %mul3A_653 : i32
      %add3A_655 = arith.constant 1 : i32
      %add3A_656 = arith.addi %mul3A_654, %add3A_655 : i32
      %mul3A_657 = arith.constant 16 : i32
      %mul3A_658 = arith.muli %add3A_656, %mul3A_657 : i32
      %add3A_659 = arith.addi %mul3A_2, %mul3A_658 : i32
      %add3A_660 = arith.constant 0 : i32
      %add3A_661 = arith.addi %add3A_659, %add3A_660 : i32
      %dma_start3A_662 = arith.constant 1 : i32
      %dma_start3A_663 = arith.constant 0 : i32
      %dma_start3A_664 = arith.constant 0 : i32
      %dma_start3A_665 = tpu.memref_slice %arg6[%dma_start3A_662, %dma_start3A_663, %dma_start3A_664] : memref<2x800x32xf32, #tpu.memory_space<vmem>> -> memref<1x800x32xf32, #tpu.memory_space<vmem>>
      %dma_start3A_666 = tpu.memref_squeeze %dma_start3A_665 : memref<1x800x32xf32, #tpu.memory_space<vmem>> -> memref<800x32xf32, #tpu.memory_space<vmem>>
      %dma_start3A_667 = arith.constant 0 : i32
      %dma_start3A_668 = arith.constant 0 : i32
      %dma_start3A_669 = tpu.memref_slice %dma_start3A_666[%dma_start3A_667, %dma_start3A_668] : memref<800x32xf32, #tpu.memory_space<vmem>> -> memref<50x32xf32, #tpu.memory_space<vmem>>
      %dma_start3A_670 = arith.constant 0 : i32
      %dma_start3A_671 = arith.constant 0 : i32
      %dma_start3A_672 = tpu.memref_slice %arg4[%add3A_661, %dma_start3A_670, %dma_start3A_671] : memref<16384x50x32xf32, #tpu.memory_space<hbm>> -> memref<1x50x32xf32, #tpu.memory_space<hbm>>
      %dma_start3A_673 = tpu.memref_squeeze %dma_start3A_672 : memref<1x50x32xf32, #tpu.memory_space<hbm>> -> memref<50x32xf32, #tpu.memory_space<hbm>>
      %dma_start3A_674 = arith.constant 0 : i32
      %dma_start3A_675 = arith.constant 0 : i32
      %dma_start3A_676 = tpu.memref_slice %arg4[%add3A_661, %dma_start3A_674, %dma_start3A_675] : memref<16384x50x32xf32, #tpu.memory_space<hbm>> -> memref<1x50x32xf32, #tpu.memory_space<hbm>>
      %dma_start3A_677 = tpu.memref_squeeze %dma_start3A_676 : memref<1x50x32xf32, #tpu.memory_space<hbm>> -> memref<50x32xf32, #tpu.memory_space<hbm>>
      %dma_start3A_678 = arith.constant 0 : i32
      %dma_start3A_679 = arith.constant 0 : i32
      %dma_start3A_680 = tpu.memref_slice %arg6[%dma_start3A_662, %dma_start3A_678, %dma_start3A_679] : memref<2x800x32xf32, #tpu.memory_space<vmem>> -> memref<1x800x32xf32, #tpu.memory_space<vmem>>
      %dma_start3A_681 = tpu.memref_squeeze %dma_start3A_680 : memref<1x800x32xf32, #tpu.memory_space<vmem>> -> memref<800x32xf32, #tpu.memory_space<vmem>>
      %dma_start3A_682 = arith.constant 0 : i32
      %dma_start3A_683 = arith.constant 0 : i32
      %dma_start3A_684 = tpu.memref_slice %dma_start3A_681[%dma_start3A_682, %dma_start3A_683] : memref<800x32xf32, #tpu.memory_space<vmem>> -> memref<50x32xf32, #tpu.memory_space<vmem>>
      tpu.enqueue_dma source(%dma_start3A_684 : memref<50x32xf32, #tpu.memory_space<vmem>>) target(%dma_start3A_677 : memref<50x32xf32, #tpu.memory_space<hbm>>) target_semaphore(%arg10 : memref<!tpu.dma_semaphore, #tpu.memory_space<semaphore_mem>>)
      %mul3A_685 = arith.constant 2 : i32
      %mul3A_686 = arith.muli %mul3A_80, %mul3A_685 : i32
      %add3A_687 = arith.constant 1 : i32
      %add3A_688 = arith.addi %mul3A_686, %add3A_687 : i32
      %mul3A_689 = arith.constant 16 : i32
      %mul3A_690 = arith.muli %add3A_688, %mul3A_689 : i32
      %add3A_691 = arith.addi %mul3A_2, %mul3A_690 : i32
      %add3A_692 = arith.constant 1 : i32
      %add3A_693 = arith.addi %add3A_691, %add3A_692 : i32
      %dma_start3A_694 = arith.constant 1 : i32
      %dma_start3A_695 = arith.constant 0 : i32
      %dma_start3A_696 = arith.constant 0 : i32
      %dma_start3A_697 = tpu.memref_slice %arg6[%dma_start3A_694, %dma_start3A_695, %dma_start3A_696] : memref<2x800x32xf32, #tpu.memory_space<vmem>> -> memref<1x800x32xf32, #tpu.memory_space<vmem>>
      %dma_start3A_698 = tpu.memref_squeeze %dma_start3A_697 : memref<1x800x32xf32, #tpu.memory_space<vmem>> -> memref<800x32xf32, #tpu.memory_space<vmem>>
      %dma_start3A_699 = arith.constant 50 : i32
      %dma_start3A_700 = arith.constant 0 : i32
      %dma_start3A_701 = tpu.memref_slice %dma_start3A_698[%dma_start3A_699, %dma_start3A_700] : memref<800x32xf32, #tpu.memory_space<vmem>> -> memref<50x32xf32, #tpu.memory_space<vmem>>
      %dma_start3A_702 = arith.constant 0 : i32
      %dma_start3A_703 = arith.constant 0 : i32
      %dma_start3A_704 = tpu.memref_slice %arg4[%add3A_693, %dma_start3A_702, %dma_start3A_703] : memref<16384x50x32xf32, #tpu.memory_space<hbm>> -> memref<1x50x32xf32, #tpu.memory_space<hbm>>
      %dma_start3A_705 = tpu.memref_squeeze %dma_start3A_704 : memref<1x50x32xf32, #tpu.memory_space<hbm>> -> memref<50x32xf32, #tpu.memory_space<hbm>>
      %dma_start3A_706 = arith.constant 0 : i32
      %dma_start3A_707 = arith.constant 0 : i32
      %dma_start3A_708 = tpu.memref_slice %arg4[%add3A_693, %dma_start3A_706, %dma_start3A_707] : memref<16384x50x32xf32, #tpu.memory_space<hbm>> -> memref<1x50x32xf32, #tpu.memory_space<hbm>>
      %dma_start3A_709 = tpu.memref_squeeze %dma_start3A_708 : memref<1x50x32xf32, #tpu.memory_space<hbm>> -> memref<50x32xf32, #tpu.memory_space<hbm>>
      %dma_start3A_710 = arith.constant 0 : i32
      %dma_start3A_711 = arith.constant 0 : i32
      %dma_start3A_712 = tpu.memref_slice %arg6[%dma_start3A_694, %dma_start3A_710, %dma_start3A_711] : memref<2x800x32xf32, #tpu.memory_space<vmem>> -> memref<1x800x32xf32, #tpu.memory_space<vmem>>
      %dma_start3A_713 = tpu.memref_squeeze %dma_start3A_712 : memref<1x800x32xf32, #tpu.memory_space<vmem>> -> memref<800x32xf32, #tpu.memory_space<vmem>>
      %dma_start3A_714 = arith.constant 50 : i32
      %dma_start3A_715 = arith.constant 0 : i32
      %dma_start3A_716 = tpu.memref_slice %dma_start3A_713[%dma_start3A_714, %dma_start3A_715] : memref<800x32xf32, #tpu.memory_space<vmem>> -> memref<50x32xf32, #tpu.memory_space<vmem>>
      tpu.enqueue_dma source(%dma_start3A_716 : memref<50x32xf32, #tpu.memory_space<vmem>>) target(%dma_start3A_709 : memref<50x32xf32, #tpu.memory_space<hbm>>) target_semaphore(%arg10 : memref<!tpu.dma_semaphore, #tpu.memory_space<semaphore_mem>>)
      %mul3A_717 = arith.constant 2 : i32
      %mul3A_718 = arith.muli %mul3A_80, %mul3A_717 : i32
      %add3A_719 = arith.constant 1 : i32
      %add3A_720 = arith.addi %mul3A_718, %add3A_719 : i32
      %mul3A_721 = arith.constant 16 : i32
      %mul3A_722 = arith.muli %add3A_720, %mul3A_721 : i32
      %add3A_723 = arith.addi %mul3A_2, %mul3A_722 : i32
      %add3A_724 = arith.constant 2 : i32
      %add3A_725 = arith.addi %add3A_723, %add3A_724 : i32
      %dma_start3A_726 = arith.constant 1 : i32
      %dma_start3A_727 = arith.constant 0 : i32
      %dma_start3A_728 = arith.constant 0 : i32
      %dma_start3A_729 = tpu.memref_slice %arg6[%dma_start3A_726, %dma_start3A_727, %dma_start3A_728] : memref<2x800x32xf32, #tpu.memory_space<vmem>> -> memref<1x800x32xf32, #tpu.memory_space<vmem>>
      %dma_start3A_730 = tpu.memref_squeeze %dma_start3A_729 : memref<1x800x32xf32, #tpu.memory_space<vmem>> -> memref<800x32xf32, #tpu.memory_space<vmem>>
      %dma_start3A_731 = arith.constant 100 : i32
      %dma_start3A_732 = arith.constant 0 : i32
      %dma_start3A_733 = tpu.memref_slice %dma_start3A_730[%dma_start3A_731, %dma_start3A_732] : memref<800x32xf32, #tpu.memory_space<vmem>> -> memref<50x32xf32, #tpu.memory_space<vmem>>
      %dma_start3A_734 = arith.constant 0 : i32
      %dma_start3A_735 = arith.constant 0 : i32
      %dma_start3A_736 = tpu.memref_slice %arg4[%add3A_725, %dma_start3A_734, %dma_start3A_735] : memref<16384x50x32xf32, #tpu.memory_space<hbm>> -> memref<1x50x32xf32, #tpu.memory_space<hbm>>
      %dma_start3A_737 = tpu.memref_squeeze %dma_start3A_736 : memref<1x50x32xf32, #tpu.memory_space<hbm>> -> memref<50x32xf32, #tpu.memory_space<hbm>>
      %dma_start3A_738 = arith.constant 0 : i32
      %dma_start3A_739 = arith.constant 0 : i32
      %dma_start3A_740 = tpu.memref_slice %arg4[%add3A_725, %dma_start3A_738, %dma_start3A_739] : memref<16384x50x32xf32, #tpu.memory_space<hbm>> -> memref<1x50x32xf32, #tpu.memory_space<hbm>>
      %dma_start3A_741 = tpu.memref_squeeze %dma_start3A_740 : memref<1x50x32xf32, #tpu.memory_space<hbm>> -> memref<50x32xf32, #tpu.memory_space<hbm>>
      %dma_start3A_742 = arith.constant 0 : i32
      %dma_start3A_743 = arith.constant 0 : i32
      %dma_start3A_744 = tpu.memref_slice %arg6[%dma_start3A_726, %dma_start3A_742, %dma_start3A_743] : memref<2x800x32xf32, #tpu.memory_space<vmem>> -> memref<1x800x32xf32, #tpu.memory_space<vmem>>
      %dma_start3A_745 = tpu.memref_squeeze %dma_start3A_744 : memref<1x800x32xf32, #tpu.memory_space<vmem>> -> memref<800x32xf32, #tpu.memory_space<vmem>>
      %dma_start3A_746 = arith.constant 100 : i32
      %dma_start3A_747 = arith.constant 0 : i32
      %dma_start3A_748 = tpu.memref_slice %dma_start3A_745[%dma_start3A_746, %dma_start3A_747] : memref<800x32xf32, #tpu.memory_space<vmem>> -> memref<50x32xf32, #tpu.memory_space<vmem>>
      tpu.enqueue_dma source(%dma_start3A_748 : memref<50x32xf32, #tpu.memory_space<vmem>>) target(%dma_start3A_741 : memref<50x32xf32, #tpu.memory_space<hbm>>) target_semaphore(%arg10 : memref<!tpu.dma_semaphore, #tpu.memory_space<semaphore_mem>>)
      %mul3A_749 = arith.constant 2 : i32
      %mul3A_750 = arith.muli %mul3A_80, %mul3A_749 : i32
      %add3A_751 = arith.constant 1 : i32
      %add3A_752 = arith.addi %mul3A_750, %add3A_751 : i32
      %mul3A_753 = arith.constant 16 : i32
      %mul3A_754 = arith.muli %add3A_752, %mul3A_753 : i32
      %add3A_755 = arith.addi %mul3A_2, %mul3A_754 : i32
      %add3A_756 = arith.constant 3 : i32
      %add3A_757 = arith.addi %add3A_755, %add3A_756 : i32
      %dma_start3A_758 = arith.constant 1 : i32
      %dma_start3A_759 = arith.constant 0 : i32
      %dma_start3A_760 = arith.constant 0 : i32
      %dma_start3A_761 = tpu.memref_slice %arg6[%dma_start3A_758, %dma_start3A_759, %dma_start3A_760] : memref<2x800x32xf32, #tpu.memory_space<vmem>> -> memref<1x800x32xf32, #tpu.memory_space<vmem>>
      %dma_start3A_762 = tpu.memref_squeeze %dma_start3A_761 : memref<1x800x32xf32, #tpu.memory_space<vmem>> -> memref<800x32xf32, #tpu.memory_space<vmem>>
      %dma_start3A_763 = arith.constant 150 : i32
      %dma_start3A_764 = arith.constant 0 : i32
      %dma_start3A_765 = tpu.memref_slice %dma_start3A_762[%dma_start3A_763, %dma_start3A_764] : memref<800x32xf32, #tpu.memory_space<vmem>> -> memref<50x32xf32, #tpu.memory_space<vmem>>
      %dma_start3A_766 = arith.constant 0 : i32
      %dma_start3A_767 = arith.constant 0 : i32
      %dma_start3A_768 = tpu.memref_slice %arg4[%add3A_757, %dma_start3A_766, %dma_start3A_767] : memref<16384x50x32xf32, #tpu.memory_space<hbm>> -> memref<1x50x32xf32, #tpu.memory_space<hbm>>
      %dma_start3A_769 = tpu.memref_squeeze %dma_start3A_768 : memref<1x50x32xf32, #tpu.memory_space<hbm>> -> memref<50x32xf32, #tpu.memory_space<hbm>>
      %dma_start3A_770 = arith.constant 0 : i32
      %dma_start3A_771 = arith.constant 0 : i32
      %dma_start3A_772 = tpu.memref_slice %arg4[%add3A_757, %dma_start3A_770, %dma_start3A_771] : memref<16384x50x32xf32, #tpu.memory_space<hbm>> -> memref<1x50x32xf32, #tpu.memory_space<hbm>>
      %dma_start3A_773 = tpu.memref_squeeze %dma_start3A_772 : memref<1x50x32xf32, #tpu.memory_space<hbm>> -> memref<50x32xf32, #tpu.memory_space<hbm>>
      %dma_start3A_774 = arith.constant 0 : i32
      %dma_start3A_775 = arith.constant 0 : i32
      %dma_start3A_776 = tpu.memref_slice %arg6[%dma_start3A_758, %dma_start3A_774, %dma_start3A_775] : memref<2x800x32xf32, #tpu.memory_space<vmem>> -> memref<1x800x32xf32, #tpu.memory_space<vmem>>
      %dma_start3A_777 = tpu.memref_squeeze %dma_start3A_776 : memref<1x800x32xf32, #tpu.memory_space<vmem>> -> memref<800x32xf32, #tpu.memory_space<vmem>>
      %dma_start3A_778 = arith.constant 150 : i32
      %dma_start3A_779 = arith.constant 0 : i32
      %dma_start3A_780 = tpu.memref_slice %dma_start3A_777[%dma_start3A_778, %dma_start3A_779] : memref<800x32xf32, #tpu.memory_space<vmem>> -> memref<50x32xf32, #tpu.memory_space<vmem>>
      tpu.enqueue_dma source(%dma_start3A_780 : memref<50x32xf32, #tpu.memory_space<vmem>>) target(%dma_start3A_773 : memref<50x32xf32, #tpu.memory_space<hbm>>) target_semaphore(%arg10 : memref<!tpu.dma_semaphore, #tpu.memory_space<semaphore_mem>>)
      %mul3A_781 = arith.constant 2 : i32
      %mul3A_782 = arith.muli %mul3A_80, %mul3A_781 : i32
      %add3A_783 = arith.constant 1 : i32
      %add3A_784 = arith.addi %mul3A_782, %add3A_783 : i32
      %mul3A_785 = arith.constant 16 : i32
      %mul3A_786 = arith.muli %add3A_784, %mul3A_785 : i32
      %add3A_787 = arith.addi %mul3A_2, %mul3A_786 : i32
      %add3A_788 = arith.constant 4 : i32
      %add3A_789 = arith.addi %add3A_787, %add3A_788 : i32
      %dma_start3A_790 = arith.constant 1 : i32
      %dma_start3A_791 = arith.constant 0 : i32
      %dma_start3A_792 = arith.constant 0 : i32
      %dma_start3A_793 = tpu.memref_slice %arg6[%dma_start3A_790, %dma_start3A_791, %dma_start3A_792] : memref<2x800x32xf32, #tpu.memory_space<vmem>> -> memref<1x800x32xf32, #tpu.memory_space<vmem>>
      %dma_start3A_794 = tpu.memref_squeeze %dma_start3A_793 : memref<1x800x32xf32, #tpu.memory_space<vmem>> -> memref<800x32xf32, #tpu.memory_space<vmem>>
      %dma_start3A_795 = arith.constant 200 : i32
      %dma_start3A_796 = arith.constant 0 : i32
      %dma_start3A_797 = tpu.memref_slice %dma_start3A_794[%dma_start3A_795, %dma_start3A_796] : memref<800x32xf32, #tpu.memory_space<vmem>> -> memref<50x32xf32, #tpu.memory_space<vmem>>
      %dma_start3A_798 = arith.constant 0 : i32
      %dma_start3A_799 = arith.constant 0 : i32
      %dma_start3A_800 = tpu.memref_slice %arg4[%add3A_789, %dma_start3A_798, %dma_start3A_799] : memref<16384x50x32xf32, #tpu.memory_space<hbm>> -> memref<1x50x32xf32, #tpu.memory_space<hbm>>
      %dma_start3A_801 = tpu.memref_squeeze %dma_start3A_800 : memref<1x50x32xf32, #tpu.memory_space<hbm>> -> memref<50x32xf32, #tpu.memory_space<hbm>>
      %dma_start3A_802 = arith.constant 0 : i32
      %dma_start3A_803 = arith.constant 0 : i32
      %dma_start3A_804 = tpu.memref_slice %arg4[%add3A_789, %dma_start3A_802, %dma_start3A_803] : memref<16384x50x32xf32, #tpu.memory_space<hbm>> -> memref<1x50x32xf32, #tpu.memory_space<hbm>>
      %dma_start3A_805 = tpu.memref_squeeze %dma_start3A_804 : memref<1x50x32xf32, #tpu.memory_space<hbm>> -> memref<50x32xf32, #tpu.memory_space<hbm>>
      %dma_start3A_806 = arith.constant 0 : i32
      %dma_start3A_807 = arith.constant 0 : i32
      %dma_start3A_808 = tpu.memref_slice %arg6[%dma_start3A_790, %dma_start3A_806, %dma_start3A_807] : memref<2x800x32xf32, #tpu.memory_space<vmem>> -> memref<1x800x32xf32, #tpu.memory_space<vmem>>
      %dma_start3A_809 = tpu.memref_squeeze %dma_start3A_808 : memref<1x800x32xf32, #tpu.memory_space<vmem>> -> memref<800x32xf32, #tpu.memory_space<vmem>>
      %dma_start3A_810 = arith.constant 200 : i32
      %dma_start3A_811 = arith.constant 0 : i32
      %dma_start3A_812 = tpu.memref_slice %dma_start3A_809[%dma_start3A_810, %dma_start3A_811] : memref<800x32xf32, #tpu.memory_space<vmem>> -> memref<50x32xf32, #tpu.memory_space<vmem>>
      tpu.enqueue_dma source(%dma_start3A_812 : memref<50x32xf32, #tpu.memory_space<vmem>>) target(%dma_start3A_805 : memref<50x32xf32, #tpu.memory_space<hbm>>) target_semaphore(%arg10 : memref<!tpu.dma_semaphore, #tpu.memory_space<semaphore_mem>>)
      %mul3A_813 = arith.constant 2 : i32
      %mul3A_814 = arith.muli %mul3A_80, %mul3A_813 : i32
      %add3A_815 = arith.constant 1 : i32
      %add3A_816 = arith.addi %mul3A_814, %add3A_815 : i32
      %mul3A_817 = arith.constant 16 : i32
      %mul3A_818 = arith.muli %add3A_816, %mul3A_817 : i32
      %add3A_819 = arith.addi %mul3A_2, %mul3A_818 : i32
      %add3A_820 = arith.constant 5 : i32
      %add3A_821 = arith.addi %add3A_819, %add3A_820 : i32
      %dma_start3A_822 = arith.constant 1 : i32
      %dma_start3A_823 = arith.constant 0 : i32
      %dma_start3A_824 = arith.constant 0 : i32
      %dma_start3A_825 = tpu.memref_slice %arg6[%dma_start3A_822, %dma_start3A_823, %dma_start3A_824] : memref<2x800x32xf32, #tpu.memory_space<vmem>> -> memref<1x800x32xf32, #tpu.memory_space<vmem>>
      %dma_start3A_826 = tpu.memref_squeeze %dma_start3A_825 : memref<1x800x32xf32, #tpu.memory_space<vmem>> -> memref<800x32xf32, #tpu.memory_space<vmem>>
      %dma_start3A_827 = arith.constant 250 : i32
      %dma_start3A_828 = arith.constant 0 : i32
      %dma_start3A_829 = tpu.memref_slice %dma_start3A_826[%dma_start3A_827, %dma_start3A_828] : memref<800x32xf32, #tpu.memory_space<vmem>> -> memref<50x32xf32, #tpu.memory_space<vmem>>
      %dma_start3A_830 = arith.constant 0 : i32
      %dma_start3A_831 = arith.constant 0 : i32
      %dma_start3A_832 = tpu.memref_slice %arg4[%add3A_821, %dma_start3A_830, %dma_start3A_831] : memref<16384x50x32xf32, #tpu.memory_space<hbm>> -> memref<1x50x32xf32, #tpu.memory_space<hbm>>
      %dma_start3A_833 = tpu.memref_squeeze %dma_start3A_832 : memref<1x50x32xf32, #tpu.memory_space<hbm>> -> memref<50x32xf32, #tpu.memory_space<hbm>>
      %dma_start3A_834 = arith.constant 0 : i32
      %dma_start3A_835 = arith.constant 0 : i32
      %dma_start3A_836 = tpu.memref_slice %arg4[%add3A_821, %dma_start3A_834, %dma_start3A_835] : memref<16384x50x32xf32, #tpu.memory_space<hbm>> -> memref<1x50x32xf32, #tpu.memory_space<hbm>>
      %dma_start3A_837 = tpu.memref_squeeze %dma_start3A_836 : memref<1x50x32xf32, #tpu.memory_space<hbm>> -> memref<50x32xf32, #tpu.memory_space<hbm>>
      %dma_start3A_838 = arith.constant 0 : i32
      %dma_start3A_839 = arith.constant 0 : i32
      %dma_start3A_840 = tpu.memref_slice %arg6[%dma_start3A_822, %dma_start3A_838, %dma_start3A_839] : memref<2x800x32xf32, #tpu.memory_space<vmem>> -> memref<1x800x32xf32, #tpu.memory_space<vmem>>
      %dma_start3A_841 = tpu.memref_squeeze %dma_start3A_840 : memref<1x800x32xf32, #tpu.memory_space<vmem>> -> memref<800x32xf32, #tpu.memory_space<vmem>>
      %dma_start3A_842 = arith.constant 250 : i32
      %dma_start3A_843 = arith.constant 0 : i32
      %dma_start3A_844 = tpu.memref_slice %dma_start3A_841[%dma_start3A_842, %dma_start3A_843] : memref<800x32xf32, #tpu.memory_space<vmem>> -> memref<50x32xf32, #tpu.memory_space<vmem>>
      tpu.enqueue_dma source(%dma_start3A_844 : memref<50x32xf32, #tpu.memory_space<vmem>>) target(%dma_start3A_837 : memref<50x32xf32, #tpu.memory_space<hbm>>) target_semaphore(%arg10 : memref<!tpu.dma_semaphore, #tpu.memory_space<semaphore_mem>>)
      %mul3A_845 = arith.constant 2 : i32
      %mul3A_846 = arith.muli %mul3A_80, %mul3A_845 : i32
      %add3A_847 = arith.constant 1 : i32
      %add3A_848 = arith.addi %mul3A_846, %add3A_847 : i32
      %mul3A_849 = arith.constant 16 : i32
      %mul3A_850 = arith.muli %add3A_848, %mul3A_849 : i32
      %add3A_851 = arith.addi %mul3A_2, %mul3A_850 : i32
      %add3A_852 = arith.constant 6 : i32
      %add3A_853 = arith.addi %add3A_851, %add3A_852 : i32
      %dma_start3A_854 = arith.constant 1 : i32
      %dma_start3A_855 = arith.constant 0 : i32
      %dma_start3A_856 = arith.constant 0 : i32
      %dma_start3A_857 = tpu.memref_slice %arg6[%dma_start3A_854, %dma_start3A_855, %dma_start3A_856] : memref<2x800x32xf32, #tpu.memory_space<vmem>> -> memref<1x800x32xf32, #tpu.memory_space<vmem>>
      %dma_start3A_858 = tpu.memref_squeeze %dma_start3A_857 : memref<1x800x32xf32, #tpu.memory_space<vmem>> -> memref<800x32xf32, #tpu.memory_space<vmem>>
      %dma_start3A_859 = arith.constant 300 : i32
      %dma_start3A_860 = arith.constant 0 : i32
      %dma_start3A_861 = tpu.memref_slice %dma_start3A_858[%dma_start3A_859, %dma_start3A_860] : memref<800x32xf32, #tpu.memory_space<vmem>> -> memref<50x32xf32, #tpu.memory_space<vmem>>
      %dma_start3A_862 = arith.constant 0 : i32
      %dma_start3A_863 = arith.constant 0 : i32
      %dma_start3A_864 = tpu.memref_slice %arg4[%add3A_853, %dma_start3A_862, %dma_start3A_863] : memref<16384x50x32xf32, #tpu.memory_space<hbm>> -> memref<1x50x32xf32, #tpu.memory_space<hbm>>
      %dma_start3A_865 = tpu.memref_squeeze %dma_start3A_864 : memref<1x50x32xf32, #tpu.memory_space<hbm>> -> memref<50x32xf32, #tpu.memory_space<hbm>>
      %dma_start3A_866 = arith.constant 0 : i32
      %dma_start3A_867 = arith.constant 0 : i32
      %dma_start3A_868 = tpu.memref_slice %arg4[%add3A_853, %dma_start3A_866, %dma_start3A_867] : memref<16384x50x32xf32, #tpu.memory_space<hbm>> -> memref<1x50x32xf32, #tpu.memory_space<hbm>>
      %dma_start3A_869 = tpu.memref_squeeze %dma_start3A_868 : memref<1x50x32xf32, #tpu.memory_space<hbm>> -> memref<50x32xf32, #tpu.memory_space<hbm>>
      %dma_start3A_870 = arith.constant 0 : i32
      %dma_start3A_871 = arith.constant 0 : i32
      %dma_start3A_872 = tpu.memref_slice %arg6[%dma_start3A_854, %dma_start3A_870, %dma_start3A_871] : memref<2x800x32xf32, #tpu.memory_space<vmem>> -> memref<1x800x32xf32, #tpu.memory_space<vmem>>
      %dma_start3A_873 = tpu.memref_squeeze %dma_start3A_872 : memref<1x800x32xf32, #tpu.memory_space<vmem>> -> memref<800x32xf32, #tpu.memory_space<vmem>>
      %dma_start3A_874 = arith.constant 300 : i32
      %dma_start3A_875 = arith.constant 0 : i32
      %dma_start3A_876 = tpu.memref_slice %dma_start3A_873[%dma_start3A_874, %dma_start3A_875] : memref<800x32xf32, #tpu.memory_space<vmem>> -> memref<50x32xf32, #tpu.memory_space<vmem>>
      tpu.enqueue_dma source(%dma_start3A_876 : memref<50x32xf32, #tpu.memory_space<vmem>>) target(%dma_start3A_869 : memref<50x32xf32, #tpu.memory_space<hbm>>) target_semaphore(%arg10 : memref<!tpu.dma_semaphore, #tpu.memory_space<semaphore_mem>>)
      %mul3A_877 = arith.constant 2 : i32
      %mul3A_878 = arith.muli %mul3A_80, %mul3A_877 : i32
      %add3A_879 = arith.constant 1 : i32
      %add3A_880 = arith.addi %mul3A_878, %add3A_879 : i32
      %mul3A_881 = arith.constant 16 : i32
      %mul3A_882 = arith.muli %add3A_880, %mul3A_881 : i32
      %add3A_883 = arith.addi %mul3A_2, %mul3A_882 : i32
      %add3A_884 = arith.constant 7 : i32
      %add3A_885 = arith.addi %add3A_883, %add3A_884 : i32
      %dma_start3A_886 = arith.constant 1 : i32
      %dma_start3A_887 = arith.constant 0 : i32
      %dma_start3A_888 = arith.constant 0 : i32
      %dma_start3A_889 = tpu.memref_slice %arg6[%dma_start3A_886, %dma_start3A_887, %dma_start3A_888] : memref<2x800x32xf32, #tpu.memory_space<vmem>> -> memref<1x800x32xf32, #tpu.memory_space<vmem>>
      %dma_start3A_890 = tpu.memref_squeeze %dma_start3A_889 : memref<1x800x32xf32, #tpu.memory_space<vmem>> -> memref<800x32xf32, #tpu.memory_space<vmem>>
      %dma_start3A_891 = arith.constant 350 : i32
      %dma_start3A_892 = arith.constant 0 : i32
      %dma_start3A_893 = tpu.memref_slice %dma_start3A_890[%dma_start3A_891, %dma_start3A_892] : memref<800x32xf32, #tpu.memory_space<vmem>> -> memref<50x32xf32, #tpu.memory_space<vmem>>
      %dma_start3A_894 = arith.constant 0 : i32
      %dma_start3A_895 = arith.constant 0 : i32
      %dma_start3A_896 = tpu.memref_slice %arg4[%add3A_885, %dma_start3A_894, %dma_start3A_895] : memref<16384x50x32xf32, #tpu.memory_space<hbm>> -> memref<1x50x32xf32, #tpu.memory_space<hbm>>
      %dma_start3A_897 = tpu.memref_squeeze %dma_start3A_896 : memref<1x50x32xf32, #tpu.memory_space<hbm>> -> memref<50x32xf32, #tpu.memory_space<hbm>>
      %dma_start3A_898 = arith.constant 0 : i32
      %dma_start3A_899 = arith.constant 0 : i32
      %dma_start3A_900 = tpu.memref_slice %arg4[%add3A_885, %dma_start3A_898, %dma_start3A_899] : memref<16384x50x32xf32, #tpu.memory_space<hbm>> -> memref<1x50x32xf32, #tpu.memory_space<hbm>>
      %dma_start3A_901 = tpu.memref_squeeze %dma_start3A_900 : memref<1x50x32xf32, #tpu.memory_space<hbm>> -> memref<50x32xf32, #tpu.memory_space<hbm>>
      %dma_start3A_902 = arith.constant 0 : i32
      %dma_start3A_903 = arith.constant 0 : i32
      %dma_start3A_904 = tpu.memref_slice %arg6[%dma_start3A_886, %dma_start3A_902, %dma_start3A_903] : memref<2x800x32xf32, #tpu.memory_space<vmem>> -> memref<1x800x32xf32, #tpu.memory_space<vmem>>
      %dma_start3A_905 = tpu.memref_squeeze %dma_start3A_904 : memref<1x800x32xf32, #tpu.memory_space<vmem>> -> memref<800x32xf32, #tpu.memory_space<vmem>>
      %dma_start3A_906 = arith.constant 350 : i32
      %dma_start3A_907 = arith.constant 0 : i32
      %dma_start3A_908 = tpu.memref_slice %dma_start3A_905[%dma_start3A_906, %dma_start3A_907] : memref<800x32xf32, #tpu.memory_space<vmem>> -> memref<50x32xf32, #tpu.memory_space<vmem>>
      tpu.enqueue_dma source(%dma_start3A_908 : memref<50x32xf32, #tpu.memory_space<vmem>>) target(%dma_start3A_901 : memref<50x32xf32, #tpu.memory_space<hbm>>) target_semaphore(%arg10 : memref<!tpu.dma_semaphore, #tpu.memory_space<semaphore_mem>>)
      %mul3A_909 = arith.constant 2 : i32
      %mul3A_910 = arith.muli %mul3A_80, %mul3A_909 : i32
      %add3A_911 = arith.constant 1 : i32
      %add3A_912 = arith.addi %mul3A_910, %add3A_911 : i32
      %mul3A_913 = arith.constant 16 : i32
      %mul3A_914 = arith.muli %add3A_912, %mul3A_913 : i32
      %add3A_915 = arith.addi %mul3A_2, %mul3A_914 : i32
      %add3A_916 = arith.constant 8 : i32
      %add3A_917 = arith.addi %add3A_915, %add3A_916 : i32
      %dma_start3A_918 = arith.constant 1 : i32
      %dma_start3A_919 = arith.constant 0 : i32
      %dma_start3A_920 = arith.constant 0 : i32
      %dma_start3A_921 = tpu.memref_slice %arg6[%dma_start3A_918, %dma_start3A_919, %dma_start3A_920] : memref<2x800x32xf32, #tpu.memory_space<vmem>> -> memref<1x800x32xf32, #tpu.memory_space<vmem>>
      %dma_start3A_922 = tpu.memref_squeeze %dma_start3A_921 : memref<1x800x32xf32, #tpu.memory_space<vmem>> -> memref<800x32xf32, #tpu.memory_space<vmem>>
      %dma_start3A_923 = arith.constant 400 : i32
      %dma_start3A_924 = arith.constant 0 : i32
      %dma_start3A_925 = tpu.memref_slice %dma_start3A_922[%dma_start3A_923, %dma_start3A_924] : memref<800x32xf32, #tpu.memory_space<vmem>> -> memref<50x32xf32, #tpu.memory_space<vmem>>
      %dma_start3A_926 = arith.constant 0 : i32
      %dma_start3A_927 = arith.constant 0 : i32
      %dma_start3A_928 = tpu.memref_slice %arg4[%add3A_917, %dma_start3A_926, %dma_start3A_927] : memref<16384x50x32xf32, #tpu.memory_space<hbm>> -> memref<1x50x32xf32, #tpu.memory_space<hbm>>
      %dma_start3A_929 = tpu.memref_squeeze %dma_start3A_928 : memref<1x50x32xf32, #tpu.memory_space<hbm>> -> memref<50x32xf32, #tpu.memory_space<hbm>>
      %dma_start3A_930 = arith.constant 0 : i32
      %dma_start3A_931 = arith.constant 0 : i32
      %dma_start3A_932 = tpu.memref_slice %arg4[%add3A_917, %dma_start3A_930, %dma_start3A_931] : memref<16384x50x32xf32, #tpu.memory_space<hbm>> -> memref<1x50x32xf32, #tpu.memory_space<hbm>>
      %dma_start3A_933 = tpu.memref_squeeze %dma_start3A_932 : memref<1x50x32xf32, #tpu.memory_space<hbm>> -> memref<50x32xf32, #tpu.memory_space<hbm>>
      %dma_start3A_934 = arith.constant 0 : i32
      %dma_start3A_935 = arith.constant 0 : i32
      %dma_start3A_936 = tpu.memref_slice %arg6[%dma_start3A_918, %dma_start3A_934, %dma_start3A_935] : memref<2x800x32xf32, #tpu.memory_space<vmem>> -> memref<1x800x32xf32, #tpu.memory_space<vmem>>
      %dma_start3A_937 = tpu.memref_squeeze %dma_start3A_936 : memref<1x800x32xf32, #tpu.memory_space<vmem>> -> memref<800x32xf32, #tpu.memory_space<vmem>>
      %dma_start3A_938 = arith.constant 400 : i32
      %dma_start3A_939 = arith.constant 0 : i32
      %dma_start3A_940 = tpu.memref_slice %dma_start3A_937[%dma_start3A_938, %dma_start3A_939] : memref<800x32xf32, #tpu.memory_space<vmem>> -> memref<50x32xf32, #tpu.memory_space<vmem>>
      tpu.enqueue_dma source(%dma_start3A_940 : memref<50x32xf32, #tpu.memory_space<vmem>>) target(%dma_start3A_933 : memref<50x32xf32, #tpu.memory_space<hbm>>) target_semaphore(%arg10 : memref<!tpu.dma_semaphore, #tpu.memory_space<semaphore_mem>>)
      %mul3A_941 = arith.constant 2 : i32
      %mul3A_942 = arith.muli %mul3A_80, %mul3A_941 : i32
      %add3A_943 = arith.constant 1 : i32
      %add3A_944 = arith.addi %mul3A_942, %add3A_943 : i32
      %mul3A_945 = arith.constant 16 : i32
      %mul3A_946 = arith.muli %add3A_944, %mul3A_945 : i32
      %add3A_947 = arith.addi %mul3A_2, %mul3A_946 : i32
      %add3A_948 = arith.constant 9 : i32
      %add3A_949 = arith.addi %add3A_947, %add3A_948 : i32
      %dma_start3A_950 = arith.constant 1 : i32
      %dma_start3A_951 = arith.constant 0 : i32
      %dma_start3A_952 = arith.constant 0 : i32
      %dma_start3A_953 = tpu.memref_slice %arg6[%dma_start3A_950, %dma_start3A_951, %dma_start3A_952] : memref<2x800x32xf32, #tpu.memory_space<vmem>> -> memref<1x800x32xf32, #tpu.memory_space<vmem>>
      %dma_start3A_954 = tpu.memref_squeeze %dma_start3A_953 : memref<1x800x32xf32, #tpu.memory_space<vmem>> -> memref<800x32xf32, #tpu.memory_space<vmem>>
      %dma_start3A_955 = arith.constant 450 : i32
      %dma_start3A_956 = arith.constant 0 : i32
      %dma_start3A_957 = tpu.memref_slice %dma_start3A_954[%dma_start3A_955, %dma_start3A_956] : memref<800x32xf32, #tpu.memory_space<vmem>> -> memref<50x32xf32, #tpu.memory_space<vmem>>
      %dma_start3A_958 = arith.constant 0 : i32
      %dma_start3A_959 = arith.constant 0 : i32
      %dma_start3A_960 = tpu.memref_slice %arg4[%add3A_949, %dma_start3A_958, %dma_start3A_959] : memref<16384x50x32xf32, #tpu.memory_space<hbm>> -> memref<1x50x32xf32, #tpu.memory_space<hbm>>
      %dma_start3A_961 = tpu.memref_squeeze %dma_start3A_960 : memref<1x50x32xf32, #tpu.memory_space<hbm>> -> memref<50x32xf32, #tpu.memory_space<hbm>>
      %dma_start3A_962 = arith.constant 0 : i32
      %dma_start3A_963 = arith.constant 0 : i32
      %dma_start3A_964 = tpu.memref_slice %arg4[%add3A_949, %dma_start3A_962, %dma_start3A_963] : memref<16384x50x32xf32, #tpu.memory_space<hbm>> -> memref<1x50x32xf32, #tpu.memory_space<hbm>>
      %dma_start3A_965 = tpu.memref_squeeze %dma_start3A_964 : memref<1x50x32xf32, #tpu.memory_space<hbm>> -> memref<50x32xf32, #tpu.memory_space<hbm>>
      %dma_start3A_966 = arith.constant 0 : i32
      %dma_start3A_967 = arith.constant 0 : i32
      %dma_start3A_968 = tpu.memref_slice %arg6[%dma_start3A_950, %dma_start3A_966, %dma_start3A_967] : memref<2x800x32xf32, #tpu.memory_space<vmem>> -> memref<1x800x32xf32, #tpu.memory_space<vmem>>
      %dma_start3A_969 = tpu.memref_squeeze %dma_start3A_968 : memref<1x800x32xf32, #tpu.memory_space<vmem>> -> memref<800x32xf32, #tpu.memory_space<vmem>>
      %dma_start3A_970 = arith.constant 450 : i32
      %dma_start3A_971 = arith.constant 0 : i32
      %dma_start3A_972 = tpu.memref_slice %dma_start3A_969[%dma_start3A_970, %dma_start3A_971] : memref<800x32xf32, #tpu.memory_space<vmem>> -> memref<50x32xf32, #tpu.memory_space<vmem>>
      tpu.enqueue_dma source(%dma_start3A_972 : memref<50x32xf32, #tpu.memory_space<vmem>>) target(%dma_start3A_965 : memref<50x32xf32, #tpu.memory_space<hbm>>) target_semaphore(%arg10 : memref<!tpu.dma_semaphore, #tpu.memory_space<semaphore_mem>>)
      %mul3A_973 = arith.constant 2 : i32
      %mul3A_974 = arith.muli %mul3A_80, %mul3A_973 : i32
      %add3A_975 = arith.constant 1 : i32
      %add3A_976 = arith.addi %mul3A_974, %add3A_975 : i32
      %mul3A_977 = arith.constant 16 : i32
      %mul3A_978 = arith.muli %add3A_976, %mul3A_977 : i32
      %add3A_979 = arith.addi %mul3A_2, %mul3A_978 : i32
      %add3A_980 = arith.constant 10 : i32
      %add3A_981 = arith.addi %add3A_979, %add3A_980 : i32
      %dma_start3A_982 = arith.constant 1 : i32
      %dma_start3A_983 = arith.constant 0 : i32
      %dma_start3A_984 = arith.constant 0 : i32
      %dma_start3A_985 = tpu.memref_slice %arg6[%dma_start3A_982, %dma_start3A_983, %dma_start3A_984] : memref<2x800x32xf32, #tpu.memory_space<vmem>> -> memref<1x800x32xf32, #tpu.memory_space<vmem>>
      %dma_start3A_986 = tpu.memref_squeeze %dma_start3A_985 : memref<1x800x32xf32, #tpu.memory_space<vmem>> -> memref<800x32xf32, #tpu.memory_space<vmem>>
      %dma_start3A_987 = arith.constant 500 : i32
      %dma_start3A_988 = arith.constant 0 : i32
      %dma_start3A_989 = tpu.memref_slice %dma_start3A_986[%dma_start3A_987, %dma_start3A_988] : memref<800x32xf32, #tpu.memory_space<vmem>> -> memref<50x32xf32, #tpu.memory_space<vmem>>
      %dma_start3A_990 = arith.constant 0 : i32
      %dma_start3A_991 = arith.constant 0 : i32
      %dma_start3A_992 = tpu.memref_slice %arg4[%add3A_981, %dma_start3A_990, %dma_start3A_991] : memref<16384x50x32xf32, #tpu.memory_space<hbm>> -> memref<1x50x32xf32, #tpu.memory_space<hbm>>
      %dma_start3A_993 = tpu.memref_squeeze %dma_start3A_992 : memref<1x50x32xf32, #tpu.memory_space<hbm>> -> memref<50x32xf32, #tpu.memory_space<hbm>>
      %dma_start3A_994 = arith.constant 0 : i32
      %dma_start3A_995 = arith.constant 0 : i32
      %dma_start3A_996 = tpu.memref_slice %arg4[%add3A_981, %dma_start3A_994, %dma_start3A_995] : memref<16384x50x32xf32, #tpu.memory_space<hbm>> -> memref<1x50x32xf32, #tpu.memory_space<hbm>>
      %dma_start3A_997 = tpu.memref_squeeze %dma_start3A_996 : memref<1x50x32xf32, #tpu.memory_space<hbm>> -> memref<50x32xf32, #tpu.memory_space<hbm>>
      %dma_start3A_998 = arith.constant 0 : i32
      %dma_start3A_999 = arith.constant 0 : i32
      %dma_start3A_1000 = tpu.memref_slice %arg6[%dma_start3A_982, %dma_start3A_998, %dma_start3A_999] : memref<2x800x32xf32, #tpu.memory_space<vmem>> -> memref<1x800x32xf32, #tpu.memory_space<vmem>>
      %dma_start3A_1001 = tpu.memref_squeeze %dma_start3A_1000 : memref<1x800x32xf32, #tpu.memory_space<vmem>> -> memref<800x32xf32, #tpu.memory_space<vmem>>
      %dma_start3A_1002 = arith.constant 500 : i32
      %dma_start3A_1003 = arith.constant 0 : i32
      %dma_start3A_1004 = tpu.memref_slice %dma_start3A_1001[%dma_start3A_1002, %dma_start3A_1003] : memref<800x32xf32, #tpu.memory_space<vmem>> -> memref<50x32xf32, #tpu.memory_space<vmem>>
      tpu.enqueue_dma source(%dma_start3A_1004 : memref<50x32xf32, #tpu.memory_space<vmem>>) target(%dma_start3A_997 : memref<50x32xf32, #tpu.memory_space<hbm>>) target_semaphore(%arg10 : memref<!tpu.dma_semaphore, #tpu.memory_space<semaphore_mem>>)
      %mul3A_1005 = arith.constant 2 : i32
      %mul3A_1006 = arith.muli %mul3A_80, %mul3A_1005 : i32
      %add3A_1007 = arith.constant 1 : i32
      %add3A_1008 = arith.addi %mul3A_1006, %add3A_1007 : i32
      %mul3A_1009 = arith.constant 16 : i32
      %mul3A_1010 = arith.muli %add3A_1008, %mul3A_1009 : i32
      %add3A_1011 = arith.addi %mul3A_2, %mul3A_1010 : i32
      %add3A_1012 = arith.constant 11 : i32
      %add3A_1013 = arith.addi %add3A_1011, %add3A_1012 : i32
      %dma_start3A_1014 = arith.constant 1 : i32
      %dma_start3A_1015 = arith.constant 0 : i32
      %dma_start3A_1016 = arith.constant 0 : i32
      %dma_start3A_1017 = tpu.memref_slice %arg6[%dma_start3A_1014, %dma_start3A_1015, %dma_start3A_1016] : memref<2x800x32xf32, #tpu.memory_space<vmem>> -> memref<1x800x32xf32, #tpu.memory_space<vmem>>
      %dma_start3A_1018 = tpu.memref_squeeze %dma_start3A_1017 : memref<1x800x32xf32, #tpu.memory_space<vmem>> -> memref<800x32xf32, #tpu.memory_space<vmem>>
      %dma_start3A_1019 = arith.constant 550 : i32
      %dma_start3A_1020 = arith.constant 0 : i32
      %dma_start3A_1021 = tpu.memref_slice %dma_start3A_1018[%dma_start3A_1019, %dma_start3A_1020] : memref<800x32xf32, #tpu.memory_space<vmem>> -> memref<50x32xf32, #tpu.memory_space<vmem>>
      %dma_start3A_1022 = arith.constant 0 : i32
      %dma_start3A_1023 = arith.constant 0 : i32
      %dma_start3A_1024 = tpu.memref_slice %arg4[%add3A_1013, %dma_start3A_1022, %dma_start3A_1023] : memref<16384x50x32xf32, #tpu.memory_space<hbm>> -> memref<1x50x32xf32, #tpu.memory_space<hbm>>
      %dma_start3A_1025 = tpu.memref_squeeze %dma_start3A_1024 : memref<1x50x32xf32, #tpu.memory_space<hbm>> -> memref<50x32xf32, #tpu.memory_space<hbm>>
      %dma_start3A_1026 = arith.constant 0 : i32
      %dma_start3A_1027 = arith.constant 0 : i32
      %dma_start3A_1028 = tpu.memref_slice %arg4[%add3A_1013, %dma_start3A_1026, %dma_start3A_1027] : memref<16384x50x32xf32, #tpu.memory_space<hbm>> -> memref<1x50x32xf32, #tpu.memory_space<hbm>>
      %dma_start3A_1029 = tpu.memref_squeeze %dma_start3A_1028 : memref<1x50x32xf32, #tpu.memory_space<hbm>> -> memref<50x32xf32, #tpu.memory_space<hbm>>
      %dma_start3A_1030 = arith.constant 0 : i32
      %dma_start3A_1031 = arith.constant 0 : i32
      %dma_start3A_1032 = tpu.memref_slice %arg6[%dma_start3A_1014, %dma_start3A_1030, %dma_start3A_1031] : memref<2x800x32xf32, #tpu.memory_space<vmem>> -> memref<1x800x32xf32, #tpu.memory_space<vmem>>
      %dma_start3A_1033 = tpu.memref_squeeze %dma_start3A_1032 : memref<1x800x32xf32, #tpu.memory_space<vmem>> -> memref<800x32xf32, #tpu.memory_space<vmem>>
      %dma_start3A_1034 = arith.constant 550 : i32
      %dma_start3A_1035 = arith.constant 0 : i32
      %dma_start3A_1036 = tpu.memref_slice %dma_start3A_1033[%dma_start3A_1034, %dma_start3A_1035] : memref<800x32xf32, #tpu.memory_space<vmem>> -> memref<50x32xf32, #tpu.memory_space<vmem>>
      tpu.enqueue_dma source(%dma_start3A_1036 : memref<50x32xf32, #tpu.memory_space<vmem>>) target(%dma_start3A_1029 : memref<50x32xf32, #tpu.memory_space<hbm>>) target_semaphore(%arg10 : memref<!tpu.dma_semaphore, #tpu.memory_space<semaphore_mem>>)
      %mul3A_1037 = arith.constant 2 : i32
      %mul3A_1038 = arith.muli %mul3A_80, %mul3A_1037 : i32
      %add3A_1039 = arith.constant 1 : i32
      %add3A_1040 = arith.addi %mul3A_1038, %add3A_1039 : i32
      %mul3A_1041 = arith.constant 16 : i32
      %mul3A_1042 = arith.muli %add3A_1040, %mul3A_1041 : i32
      %add3A_1043 = arith.addi %mul3A_2, %mul3A_1042 : i32
      %add3A_1044 = arith.constant 12 : i32
      %add3A_1045 = arith.addi %add3A_1043, %add3A_1044 : i32
      %dma_start3A_1046 = arith.constant 1 : i32
      %dma_start3A_1047 = arith.constant 0 : i32
      %dma_start3A_1048 = arith.constant 0 : i32
      %dma_start3A_1049 = tpu.memref_slice %arg6[%dma_start3A_1046, %dma_start3A_1047, %dma_start3A_1048] : memref<2x800x32xf32, #tpu.memory_space<vmem>> -> memref<1x800x32xf32, #tpu.memory_space<vmem>>
      %dma_start3A_1050 = tpu.memref_squeeze %dma_start3A_1049 : memref<1x800x32xf32, #tpu.memory_space<vmem>> -> memref<800x32xf32, #tpu.memory_space<vmem>>
      %dma_start3A_1051 = arith.constant 600 : i32
      %dma_start3A_1052 = arith.constant 0 : i32
      %dma_start3A_1053 = tpu.memref_slice %dma_start3A_1050[%dma_start3A_1051, %dma_start3A_1052] : memref<800x32xf32, #tpu.memory_space<vmem>> -> memref<50x32xf32, #tpu.memory_space<vmem>>
      %dma_start3A_1054 = arith.constant 0 : i32
      %dma_start3A_1055 = arith.constant 0 : i32
      %dma_start3A_1056 = tpu.memref_slice %arg4[%add3A_1045, %dma_start3A_1054, %dma_start3A_1055] : memref<16384x50x32xf32, #tpu.memory_space<hbm>> -> memref<1x50x32xf32, #tpu.memory_space<hbm>>
      %dma_start3A_1057 = tpu.memref_squeeze %dma_start3A_1056 : memref<1x50x32xf32, #tpu.memory_space<hbm>> -> memref<50x32xf32, #tpu.memory_space<hbm>>
      %dma_start3A_1058 = arith.constant 0 : i32
      %dma_start3A_1059 = arith.constant 0 : i32
      %dma_start3A_1060 = tpu.memref_slice %arg4[%add3A_1045, %dma_start3A_1058, %dma_start3A_1059] : memref<16384x50x32xf32, #tpu.memory_space<hbm>> -> memref<1x50x32xf32, #tpu.memory_space<hbm>>
      %dma_start3A_1061 = tpu.memref_squeeze %dma_start3A_1060 : memref<1x50x32xf32, #tpu.memory_space<hbm>> -> memref<50x32xf32, #tpu.memory_space<hbm>>
      %dma_start3A_1062 = arith.constant 0 : i32
      %dma_start3A_1063 = arith.constant 0 : i32
      %dma_start3A_1064 = tpu.memref_slice %arg6[%dma_start3A_1046, %dma_start3A_1062, %dma_start3A_1063] : memref<2x800x32xf32, #tpu.memory_space<vmem>> -> memref<1x800x32xf32, #tpu.memory_space<vmem>>
      %dma_start3A_1065 = tpu.memref_squeeze %dma_start3A_1064 : memref<1x800x32xf32, #tpu.memory_space<vmem>> -> memref<800x32xf32, #tpu.memory_space<vmem>>
      %dma_start3A_1066 = arith.constant 600 : i32
      %dma_start3A_1067 = arith.constant 0 : i32
      %dma_start3A_1068 = tpu.memref_slice %dma_start3A_1065[%dma_start3A_1066, %dma_start3A_1067] : memref<800x32xf32, #tpu.memory_space<vmem>> -> memref<50x32xf32, #tpu.memory_space<vmem>>
      tpu.enqueue_dma source(%dma_start3A_1068 : memref<50x32xf32, #tpu.memory_space<vmem>>) target(%dma_start3A_1061 : memref<50x32xf32, #tpu.memory_space<hbm>>) target_semaphore(%arg10 : memref<!tpu.dma_semaphore, #tpu.memory_space<semaphore_mem>>)
      %mul3A_1069 = arith.constant 2 : i32
      %mul3A_1070 = arith.muli %mul3A_80, %mul3A_1069 : i32
      %add3A_1071 = arith.constant 1 : i32
      %add3A_1072 = arith.addi %mul3A_1070, %add3A_1071 : i32
      %mul3A_1073 = arith.constant 16 : i32
      %mul3A_1074 = arith.muli %add3A_1072, %mul3A_1073 : i32
      %add3A_1075 = arith.addi %mul3A_2, %mul3A_1074 : i32
      %add3A_1076 = arith.constant 13 : i32
      %add3A_1077 = arith.addi %add3A_1075, %add3A_1076 : i32
      %dma_start3A_1078 = arith.constant 1 : i32
      %dma_start3A_1079 = arith.constant 0 : i32
      %dma_start3A_1080 = arith.constant 0 : i32
      %dma_start3A_1081 = tpu.memref_slice %arg6[%dma_start3A_1078, %dma_start3A_1079, %dma_start3A_1080] : memref<2x800x32xf32, #tpu.memory_space<vmem>> -> memref<1x800x32xf32, #tpu.memory_space<vmem>>
      %dma_start3A_1082 = tpu.memref_squeeze %dma_start3A_1081 : memref<1x800x32xf32, #tpu.memory_space<vmem>> -> memref<800x32xf32, #tpu.memory_space<vmem>>
      %dma_start3A_1083 = arith.constant 650 : i32
      %dma_start3A_1084 = arith.constant 0 : i32
      %dma_start3A_1085 = tpu.memref_slice %dma_start3A_1082[%dma_start3A_1083, %dma_start3A_1084] : memref<800x32xf32, #tpu.memory_space<vmem>> -> memref<50x32xf32, #tpu.memory_space<vmem>>
      %dma_start3A_1086 = arith.constant 0 : i32
      %dma_start3A_1087 = arith.constant 0 : i32
      %dma_start3A_1088 = tpu.memref_slice %arg4[%add3A_1077, %dma_start3A_1086, %dma_start3A_1087] : memref<16384x50x32xf32, #tpu.memory_space<hbm>> -> memref<1x50x32xf32, #tpu.memory_space<hbm>>
      %dma_start3A_1089 = tpu.memref_squeeze %dma_start3A_1088 : memref<1x50x32xf32, #tpu.memory_space<hbm>> -> memref<50x32xf32, #tpu.memory_space<hbm>>
      %dma_start3A_1090 = arith.constant 0 : i32
      %dma_start3A_1091 = arith.constant 0 : i32
      %dma_start3A_1092 = tpu.memref_slice %arg4[%add3A_1077, %dma_start3A_1090, %dma_start3A_1091] : memref<16384x50x32xf32, #tpu.memory_space<hbm>> -> memref<1x50x32xf32, #tpu.memory_space<hbm>>
      %dma_start3A_1093 = tpu.memref_squeeze %dma_start3A_1092 : memref<1x50x32xf32, #tpu.memory_space<hbm>> -> memref<50x32xf32, #tpu.memory_space<hbm>>
      %dma_start3A_1094 = arith.constant 0 : i32
      %dma_start3A_1095 = arith.constant 0 : i32
      %dma_start3A_1096 = tpu.memref_slice %arg6[%dma_start3A_1078, %dma_start3A_1094, %dma_start3A_1095] : memref<2x800x32xf32, #tpu.memory_space<vmem>> -> memref<1x800x32xf32, #tpu.memory_space<vmem>>
      %dma_start3A_1097 = tpu.memref_squeeze %dma_start3A_1096 : memref<1x800x32xf32, #tpu.memory_space<vmem>> -> memref<800x32xf32, #tpu.memory_space<vmem>>
      %dma_start3A_1098 = arith.constant 650 : i32
      %dma_start3A_1099 = arith.constant 0 : i32
      %dma_start3A_1100 = tpu.memref_slice %dma_start3A_1097[%dma_start3A_1098, %dma_start3A_1099] : memref<800x32xf32, #tpu.memory_space<vmem>> -> memref<50x32xf32, #tpu.memory_space<vmem>>
      tpu.enqueue_dma source(%dma_start3A_1100 : memref<50x32xf32, #tpu.memory_space<vmem>>) target(%dma_start3A_1093 : memref<50x32xf32, #tpu.memory_space<hbm>>) target_semaphore(%arg10 : memref<!tpu.dma_semaphore, #tpu.memory_space<semaphore_mem>>)
      %mul3A_1101 = arith.constant 2 : i32
      %mul3A_1102 = arith.muli %mul3A_80, %mul3A_1101 : i32
      %add3A_1103 = arith.constant 1 : i32
      %add3A_1104 = arith.addi %mul3A_1102, %add3A_1103 : i32
      %mul3A_1105 = arith.constant 16 : i32
      %mul3A_1106 = arith.muli %add3A_1104, %mul3A_1105 : i32
      %add3A_1107 = arith.addi %mul3A_2, %mul3A_1106 : i32
      %add3A_1108 = arith.constant 14 : i32
      %add3A_1109 = arith.addi %add3A_1107, %add3A_1108 : i32
      %dma_start3A_1110 = arith.constant 1 : i32
      %dma_start3A_1111 = arith.constant 0 : i32
      %dma_start3A_1112 = arith.constant 0 : i32
      %dma_start3A_1113 = tpu.memref_slice %arg6[%dma_start3A_1110, %dma_start3A_1111, %dma_start3A_1112] : memref<2x800x32xf32, #tpu.memory_space<vmem>> -> memref<1x800x32xf32, #tpu.memory_space<vmem>>
      %dma_start3A_1114 = tpu.memref_squeeze %dma_start3A_1113 : memref<1x800x32xf32, #tpu.memory_space<vmem>> -> memref<800x32xf32, #tpu.memory_space<vmem>>
      %dma_start3A_1115 = arith.constant 700 : i32
      %dma_start3A_1116 = arith.constant 0 : i32
      %dma_start3A_1117 = tpu.memref_slice %dma_start3A_1114[%dma_start3A_1115, %dma_start3A_1116] : memref<800x32xf32, #tpu.memory_space<vmem>> -> memref<50x32xf32, #tpu.memory_space<vmem>>
      %dma_start3A_1118 = arith.constant 0 : i32
      %dma_start3A_1119 = arith.constant 0 : i32
      %dma_start3A_1120 = tpu.memref_slice %arg4[%add3A_1109, %dma_start3A_1118, %dma_start3A_1119] : memref<16384x50x32xf32, #tpu.memory_space<hbm>> -> memref<1x50x32xf32, #tpu.memory_space<hbm>>
      %dma_start3A_1121 = tpu.memref_squeeze %dma_start3A_1120 : memref<1x50x32xf32, #tpu.memory_space<hbm>> -> memref<50x32xf32, #tpu.memory_space<hbm>>
      %dma_start3A_1122 = arith.constant 0 : i32
      %dma_start3A_1123 = arith.constant 0 : i32
      %dma_start3A_1124 = tpu.memref_slice %arg4[%add3A_1109, %dma_start3A_1122, %dma_start3A_1123] : memref<16384x50x32xf32, #tpu.memory_space<hbm>> -> memref<1x50x32xf32, #tpu.memory_space<hbm>>
      %dma_start3A_1125 = tpu.memref_squeeze %dma_start3A_1124 : memref<1x50x32xf32, #tpu.memory_space<hbm>> -> memref<50x32xf32, #tpu.memory_space<hbm>>
      %dma_start3A_1126 = arith.constant 0 : i32
      %dma_start3A_1127 = arith.constant 0 : i32
      %dma_start3A_1128 = tpu.memref_slice %arg6[%dma_start3A_1110, %dma_start3A_1126, %dma_start3A_1127] : memref<2x800x32xf32, #tpu.memory_space<vmem>> -> memref<1x800x32xf32, #tpu.memory_space<vmem>>
      %dma_start3A_1129 = tpu.memref_squeeze %dma_start3A_1128 : memref<1x800x32xf32, #tpu.memory_space<vmem>> -> memref<800x32xf32, #tpu.memory_space<vmem>>
      %dma_start3A_1130 = arith.constant 700 : i32
      %dma_start3A_1131 = arith.constant 0 : i32
      %dma_start3A_1132 = tpu.memref_slice %dma_start3A_1129[%dma_start3A_1130, %dma_start3A_1131] : memref<800x32xf32, #tpu.memory_space<vmem>> -> memref<50x32xf32, #tpu.memory_space<vmem>>
      tpu.enqueue_dma source(%dma_start3A_1132 : memref<50x32xf32, #tpu.memory_space<vmem>>) target(%dma_start3A_1125 : memref<50x32xf32, #tpu.memory_space<hbm>>) target_semaphore(%arg10 : memref<!tpu.dma_semaphore, #tpu.memory_space<semaphore_mem>>)
      %mul3A_1133 = arith.constant 2 : i32
      %mul3A_1134 = arith.muli %mul3A_80, %mul3A_1133 : i32
      %add3A_1135 = arith.constant 1 : i32
      %add3A_1136 = arith.addi %mul3A_1134, %add3A_1135 : i32
      %mul3A_1137 = arith.constant 16 : i32
      %mul3A_1138 = arith.muli %add3A_1136, %mul3A_1137 : i32
      %add3A_1139 = arith.addi %mul3A_2, %mul3A_1138 : i32
      %add3A_1140 = arith.constant 15 : i32
      %add3A_1141 = arith.addi %add3A_1139, %add3A_1140 : i32
      %dma_start3A_1142 = arith.constant 1 : i32
      %dma_start3A_1143 = arith.constant 0 : i32
      %dma_start3A_1144 = arith.constant 0 : i32
      %dma_start3A_1145 = tpu.memref_slice %arg6[%dma_start3A_1142, %dma_start3A_1143, %dma_start3A_1144] : memref<2x800x32xf32, #tpu.memory_space<vmem>> -> memref<1x800x32xf32, #tpu.memory_space<vmem>>
      %dma_start3A_1146 = tpu.memref_squeeze %dma_start3A_1145 : memref<1x800x32xf32, #tpu.memory_space<vmem>> -> memref<800x32xf32, #tpu.memory_space<vmem>>
      %dma_start3A_1147 = arith.constant 750 : i32
      %dma_start3A_1148 = arith.constant 0 : i32
      %dma_start3A_1149 = tpu.memref_slice %dma_start3A_1146[%dma_start3A_1147, %dma_start3A_1148] : memref<800x32xf32, #tpu.memory_space<vmem>> -> memref<50x32xf32, #tpu.memory_space<vmem>>
      %dma_start3A_1150 = arith.constant 0 : i32
      %dma_start3A_1151 = arith.constant 0 : i32
      %dma_start3A_1152 = tpu.memref_slice %arg4[%add3A_1141, %dma_start3A_1150, %dma_start3A_1151] : memref<16384x50x32xf32, #tpu.memory_space<hbm>> -> memref<1x50x32xf32, #tpu.memory_space<hbm>>
      %dma_start3A_1153 = tpu.memref_squeeze %dma_start3A_1152 : memref<1x50x32xf32, #tpu.memory_space<hbm>> -> memref<50x32xf32, #tpu.memory_space<hbm>>
      %dma_start3A_1154 = arith.constant 0 : i32
      %dma_start3A_1155 = arith.constant 0 : i32
      %dma_start3A_1156 = tpu.memref_slice %arg4[%add3A_1141, %dma_start3A_1154, %dma_start3A_1155] : memref<16384x50x32xf32, #tpu.memory_space<hbm>> -> memref<1x50x32xf32, #tpu.memory_space<hbm>>
      %dma_start3A_1157 = tpu.memref_squeeze %dma_start3A_1156 : memref<1x50x32xf32, #tpu.memory_space<hbm>> -> memref<50x32xf32, #tpu.memory_space<hbm>>
      %dma_start3A_1158 = arith.constant 0 : i32
      %dma_start3A_1159 = arith.constant 0 : i32
      %dma_start3A_1160 = tpu.memref_slice %arg6[%dma_start3A_1142, %dma_start3A_1158, %dma_start3A_1159] : memref<2x800x32xf32, #tpu.memory_space<vmem>> -> memref<1x800x32xf32, #tpu.memory_space<vmem>>
      %dma_start3A_1161 = tpu.memref_squeeze %dma_start3A_1160 : memref<1x800x32xf32, #tpu.memory_space<vmem>> -> memref<800x32xf32, #tpu.memory_space<vmem>>
      %dma_start3A_1162 = arith.constant 750 : i32
      %dma_start3A_1163 = arith.constant 0 : i32
      %dma_start3A_1164 = tpu.memref_slice %dma_start3A_1161[%dma_start3A_1162, %dma_start3A_1163] : memref<800x32xf32, #tpu.memory_space<vmem>> -> memref<50x32xf32, #tpu.memory_space<vmem>>
      tpu.enqueue_dma source(%dma_start3A_1164 : memref<50x32xf32, #tpu.memory_space<vmem>>) target(%dma_start3A_1157 : memref<50x32xf32, #tpu.memory_space<hbm>>) target_semaphore(%arg10 : memref<!tpu.dma_semaphore, #tpu.memory_space<semaphore_mem>>)
      %lt3A = arith.constant 7 : i32
      %lt3A_1165 = arith.cmpi slt, %scan3A_78, %lt3A : i32
      %convert_element_type3A_1166 = arith.extui %lt3A_1165 : i1 to i32
      %cond3A_1167 = arith.constant 0 : i32
      %cond3A_1168 = arith.cmpi ne, %convert_element_type3A_1166, %cond3A_1167 : i32
      scf.if %cond3A_1168 {
        %dma_wait3A_2217 = arith.constant 0 : i32
        %dma_wait3A_2218 = arith.constant 0 : i32
        %dma_wait3A_2219 = arith.constant 0 : i32
        %dma_wait3A_2220 = arith.constant 0 : i32
        %dma_wait3A_2221 = tpu.memref_slice %arg6[%dma_wait3A_2218, %dma_wait3A_2219, %dma_wait3A_2220] : memref<2x800x32xf32, #tpu.memory_space<vmem>> -> memref<1x800x32xf32, #tpu.memory_space<vmem>>
        %dma_wait3A_2222 = tpu.memref_squeeze %dma_wait3A_2221 : memref<1x800x32xf32, #tpu.memory_space<vmem>> -> memref<800x32xf32, #tpu.memory_space<vmem>>
        %dma_wait3A_2223 = arith.constant 0 : i32
        %dma_wait3A_2224 = tpu.memref_slice %arg5[%dma_wait3A_2217, %dma_wait3A_2223] : memref<32x800xi32, #tpu.memory_space<vmem>> -> memref<1x800xi32, #tpu.memory_space<vmem>>
        %dma_wait3A_2225 = tpu.memref_squeeze %dma_wait3A_2224 : memref<1x800xi32, #tpu.memory_space<vmem>> -> memref<800xi32, #tpu.memory_space<vmem>>
        %dma_wait3A_2226 = arith.constant 0 : i32
        %dma_wait3A_2227 = arith.constant 0 : i32
        %dma_wait3A_2228 = tpu.memref_slice %arg2[%dma_wait3A_2226, %dma_wait3A_2227] : memref<1000000x32xf32, #tpu.memory_space<hbm>> -> memref<1000000x32xf32, #tpu.memory_space<hbm>>
        tpu.wait_indirect_dma semaphore(%arg10 : memref<!tpu.dma_semaphore, #tpu.memory_space<semaphore_mem>>) src(%dma_wait3A_2228 : memref<1000000x32xf32, #tpu.memory_space<hbm>>) dst(%dma_wait3A_2222 : memref<800x32xf32, #tpu.memory_space<vmem>>)
        %dma_wait3A_2229 = arith.constant 1 : i32
        %dma_wait3A_2230 = arith.constant 1 : i32
        %dma_wait3A_2231 = arith.constant 0 : i32
        %dma_wait3A_2232 = arith.constant 0 : i32
        %dma_wait3A_2233 = tpu.memref_slice %arg6[%dma_wait3A_2230, %dma_wait3A_2231, %dma_wait3A_2232] : memref<2x800x32xf32, #tpu.memory_space<vmem>> -> memref<1x800x32xf32, #tpu.memory_space<vmem>>
        %dma_wait3A_2234 = tpu.memref_squeeze %dma_wait3A_2233 : memref<1x800x32xf32, #tpu.memory_space<vmem>> -> memref<800x32xf32, #tpu.memory_space<vmem>>
        %dma_wait3A_2235 = arith.constant 0 : i32
        %dma_wait3A_2236 = tpu.memref_slice %arg5[%dma_wait3A_2229, %dma_wait3A_2235] : memref<32x800xi32, #tpu.memory_space<vmem>> -> memref<1x800xi32, #tpu.memory_space<vmem>>
        %dma_wait3A_2237 = tpu.memref_squeeze %dma_wait3A_2236 : memref<1x800xi32, #tpu.memory_space<vmem>> -> memref<800xi32, #tpu.memory_space<vmem>>
        %dma_wait3A_2238 = arith.constant 0 : i32
        %dma_wait3A_2239 = arith.constant 0 : i32
        %dma_wait3A_2240 = tpu.memref_slice %arg2[%dma_wait3A_2238, %dma_wait3A_2239] : memref<1000000x32xf32, #tpu.memory_space<hbm>> -> memref<1000000x32xf32, #tpu.memory_space<hbm>>
        tpu.wait_indirect_dma semaphore(%arg10 : memref<!tpu.dma_semaphore, #tpu.memory_space<semaphore_mem>>) src(%dma_wait3A_2240 : memref<1000000x32xf32, #tpu.memory_space<hbm>>) dst(%dma_wait3A_2234 : memref<800x32xf32, #tpu.memory_space<vmem>>)
        %add3A_2241 = arith.constant 2 : i32
        %add3A_2242 = arith.addi %mul3A_80, %add3A_2241 : i32
        %mul3A_2243 = arith.constant 2 : i32
        %mul3A_2244 = arith.muli %add3A_2242, %mul3A_2243 : i32
        %add3A_2245 = arith.constant 0 : i32
        %add3A_2246 = arith.addi %mul3A_2244, %add3A_2245 : i32
        %dma_start3A_2247 = arith.constant 0 : i32
        %dma_start3A_2248 = arith.constant 0 : i32
        %dma_start3A_2249 = arith.constant 0 : i32
        %dma_start3A_2250 = tpu.memref_slice %arg6[%dma_start3A_2247, %dma_start3A_2248, %dma_start3A_2249] : memref<2x800x32xf32, #tpu.memory_space<vmem>> -> memref<1x800x32xf32, #tpu.memory_space<vmem>>
        %dma_start3A_2251 = tpu.memref_squeeze %dma_start3A_2250 : memref<1x800x32xf32, #tpu.memory_space<vmem>> -> memref<800x32xf32, #tpu.memory_space<vmem>>
        %dma_start3A_2252 = arith.constant 0 : i32
        %dma_start3A_2253 = tpu.memref_slice %arg5[%add3A_2246, %dma_start3A_2252] : memref<32x800xi32, #tpu.memory_space<vmem>> -> memref<1x800xi32, #tpu.memory_space<vmem>>
        %dma_start3A_2254 = tpu.memref_squeeze %dma_start3A_2253 : memref<1x800xi32, #tpu.memory_space<vmem>> -> memref<800xi32, #tpu.memory_space<vmem>>
        %dma_start3A_2255 = arith.constant 0 : i32
        %dma_start3A_2256 = arith.constant 0 : i32
        %dma_start3A_2257 = tpu.memref_slice %arg2[%dma_start3A_2255, %dma_start3A_2256] : memref<1000000x32xf32, #tpu.memory_space<hbm>> -> memref<1000000x32xf32, #tpu.memory_space<hbm>>
        tpu.enqueue_indirect_dma source(%dma_start3A_2257 : memref<1000000x32xf32, #tpu.memory_space<hbm>>) target(%dma_start3A_2251 : memref<800x32xf32, #tpu.memory_space<vmem>>) offsets(%dma_start3A_2254 : memref<800xi32, #tpu.memory_space<vmem>>) semaphore(%arg8 : memref<!tpu.dma_semaphore, #tpu.memory_space<semaphore_mem>>)
        %mul3A_2258 = arith.constant 2 : i32
        %mul3A_2259 = arith.muli %add3A_2242, %mul3A_2258 : i32
        %add3A_2260 = arith.constant 1 : i32
        %add3A_2261 = arith.addi %mul3A_2259, %add3A_2260 : i32
        %dma_start3A_2262 = arith.constant 1 : i32
        %dma_start3A_2263 = arith.constant 0 : i32
        %dma_start3A_2264 = arith.constant 0 : i32
        %dma_start3A_2265 = tpu.memref_slice %arg6[%dma_start3A_2262, %dma_start3A_2263, %dma_start3A_2264] : memref<2x800x32xf32, #tpu.memory_space<vmem>> -> memref<1x800x32xf32, #tpu.memory_space<vmem>>
        %dma_start3A_2266 = tpu.memref_squeeze %dma_start3A_2265 : memref<1x800x32xf32, #tpu.memory_space<vmem>> -> memref<800x32xf32, #tpu.memory_space<vmem>>
        %dma_start3A_2267 = arith.constant 0 : i32
        %dma_start3A_2268 = tpu.memref_slice %arg5[%add3A_2261, %dma_start3A_2267] : memref<32x800xi32, #tpu.memory_space<vmem>> -> memref<1x800xi32, #tpu.memory_space<vmem>>
        %dma_start3A_2269 = tpu.memref_squeeze %dma_start3A_2268 : memref<1x800xi32, #tpu.memory_space<vmem>> -> memref<800xi32, #tpu.memory_space<vmem>>
        %dma_start3A_2270 = arith.constant 0 : i32
        %dma_start3A_2271 = arith.constant 0 : i32
        %dma_start3A_2272 = tpu.memref_slice %arg2[%dma_start3A_2270, %dma_start3A_2271] : memref<1000000x32xf32, #tpu.memory_space<hbm>> -> memref<1000000x32xf32, #tpu.memory_space<hbm>>
        tpu.enqueue_indirect_dma source(%dma_start3A_2272 : memref<1000000x32xf32, #tpu.memory_space<hbm>>) target(%dma_start3A_2266 : memref<800x32xf32, #tpu.memory_space<vmem>>) offsets(%dma_start3A_2269 : memref<800xi32, #tpu.memory_space<vmem>>) semaphore(%arg8 : memref<!tpu.dma_semaphore, #tpu.memory_space<semaphore_mem>>)
      } else {
      }
      %dma_wait3A_1169 = arith.constant 0 : i32
      %dma_wait3A_1170 = arith.constant 0 : i32
      %dma_wait3A_1171 = arith.constant 0 : i32
      %dma_wait3A_1172 = arith.constant 0 : i32
      %dma_wait3A_1173 = tpu.memref_slice %arg7[%dma_wait3A_1170, %dma_wait3A_1171, %dma_wait3A_1172] : memref<2x800x32xf32, #tpu.memory_space<vmem>> -> memref<1x800x32xf32, #tpu.memory_space<vmem>>
      %dma_wait3A_1174 = tpu.memref_squeeze %dma_wait3A_1173 : memref<1x800x32xf32, #tpu.memory_space<vmem>> -> memref<800x32xf32, #tpu.memory_space<vmem>>
      %dma_wait3A_1175 = arith.constant 0 : i32
      %dma_wait3A_1176 = tpu.memref_slice %arg5[%dma_wait3A_1169, %dma_wait3A_1175] : memref<32x800xi32, #tpu.memory_space<vmem>> -> memref<1x800xi32, #tpu.memory_space<vmem>>
      %dma_wait3A_1177 = tpu.memref_squeeze %dma_wait3A_1176 : memref<1x800xi32, #tpu.memory_space<vmem>> -> memref<800xi32, #tpu.memory_space<vmem>>
      %dma_wait3A_1178 = arith.constant 0 : i32
      %dma_wait3A_1179 = arith.constant 0 : i32
      %dma_wait3A_1180 = tpu.memref_slice %arg2[%dma_wait3A_1178, %dma_wait3A_1179] : memref<1000000x32xf32, #tpu.memory_space<hbm>> -> memref<1000000x32xf32, #tpu.memory_space<hbm>>
      tpu.wait_indirect_dma semaphore(%arg9 : memref<!tpu.dma_semaphore, #tpu.memory_space<semaphore_mem>>) src(%dma_wait3A_1180 : memref<1000000x32xf32, #tpu.memory_space<hbm>>) dst(%dma_wait3A_1174 : memref<800x32xf32, #tpu.memory_space<vmem>>)
      %dma_wait3A_1181 = arith.constant 1 : i32
      %dma_wait3A_1182 = arith.constant 1 : i32
      %dma_wait3A_1183 = arith.constant 0 : i32
      %dma_wait3A_1184 = arith.constant 0 : i32
      %dma_wait3A_1185 = tpu.memref_slice %arg7[%dma_wait3A_1182, %dma_wait3A_1183, %dma_wait3A_1184] : memref<2x800x32xf32, #tpu.memory_space<vmem>> -> memref<1x800x32xf32, #tpu.memory_space<vmem>>
      %dma_wait3A_1186 = tpu.memref_squeeze %dma_wait3A_1185 : memref<1x800x32xf32, #tpu.memory_space<vmem>> -> memref<800x32xf32, #tpu.memory_space<vmem>>
      %dma_wait3A_1187 = arith.constant 0 : i32
      %dma_wait3A_1188 = tpu.memref_slice %arg5[%dma_wait3A_1181, %dma_wait3A_1187] : memref<32x800xi32, #tpu.memory_space<vmem>> -> memref<1x800xi32, #tpu.memory_space<vmem>>
      %dma_wait3A_1189 = tpu.memref_squeeze %dma_wait3A_1188 : memref<1x800xi32, #tpu.memory_space<vmem>> -> memref<800xi32, #tpu.memory_space<vmem>>
      %dma_wait3A_1190 = arith.constant 0 : i32
      %dma_wait3A_1191 = arith.constant 0 : i32
      %dma_wait3A_1192 = tpu.memref_slice %arg2[%dma_wait3A_1190, %dma_wait3A_1191] : memref<1000000x32xf32, #tpu.memory_space<hbm>> -> memref<1000000x32xf32, #tpu.memory_space<hbm>>
      tpu.wait_indirect_dma semaphore(%arg9 : memref<!tpu.dma_semaphore, #tpu.memory_space<semaphore_mem>>) src(%dma_wait3A_1192 : memref<1000000x32xf32, #tpu.memory_space<hbm>>) dst(%dma_wait3A_1186 : memref<800x32xf32, #tpu.memory_space<vmem>>)
      %mul3A_1193 = arith.constant 2 : i32
      %mul3A_1194 = arith.muli %add3A_84, %mul3A_1193 : i32
      %add3A_1195 = arith.constant 0 : i32
      %add3A_1196 = arith.addi %mul3A_1194, %add3A_1195 : i32
      %mul3A_1197 = arith.constant 16 : i32
      %mul3A_1198 = arith.muli %add3A_1196, %mul3A_1197 : i32
      %add3A_1199 = arith.addi %mul3A_2, %mul3A_1198 : i32
      %add3A_1200 = arith.constant 0 : i32
      %add3A_1201 = arith.addi %add3A_1199, %add3A_1200 : i32
      %dma_start3A_1202 = arith.constant 0 : i32
      %dma_start3A_1203 = arith.constant 0 : i32
      %dma_start3A_1204 = arith.constant 0 : i32
      %dma_start3A_1205 = tpu.memref_slice %arg7[%dma_start3A_1202, %dma_start3A_1203, %dma_start3A_1204] : memref<2x800x32xf32, #tpu.memory_space<vmem>> -> memref<1x800x32xf32, #tpu.memory_space<vmem>>
      %dma_start3A_1206 = tpu.memref_squeeze %dma_start3A_1205 : memref<1x800x32xf32, #tpu.memory_space<vmem>> -> memref<800x32xf32, #tpu.memory_space<vmem>>
      %dma_start3A_1207 = arith.constant 0 : i32
      %dma_start3A_1208 = arith.constant 0 : i32
      %dma_start3A_1209 = tpu.memref_slice %dma_start3A_1206[%dma_start3A_1207, %dma_start3A_1208] : memref<800x32xf32, #tpu.memory_space<vmem>> -> memref<50x32xf32, #tpu.memory_space<vmem>>
      %dma_start3A_1210 = arith.constant 0 : i32
      %dma_start3A_1211 = arith.constant 0 : i32
      %dma_start3A_1212 = tpu.memref_slice %arg4[%add3A_1201, %dma_start3A_1210, %dma_start3A_1211] : memref<16384x50x32xf32, #tpu.memory_space<hbm>> -> memref<1x50x32xf32, #tpu.memory_space<hbm>>
      %dma_start3A_1213 = tpu.memref_squeeze %dma_start3A_1212 : memref<1x50x32xf32, #tpu.memory_space<hbm>> -> memref<50x32xf32, #tpu.memory_space<hbm>>
      %dma_start3A_1214 = arith.constant 0 : i32
      %dma_start3A_1215 = arith.constant 0 : i32
      %dma_start3A_1216 = tpu.memref_slice %arg4[%add3A_1201, %dma_start3A_1214, %dma_start3A_1215] : memref<16384x50x32xf32, #tpu.memory_space<hbm>> -> memref<1x50x32xf32, #tpu.memory_space<hbm>>
      %dma_start3A_1217 = tpu.memref_squeeze %dma_start3A_1216 : memref<1x50x32xf32, #tpu.memory_space<hbm>> -> memref<50x32xf32, #tpu.memory_space<hbm>>
      %dma_start3A_1218 = arith.constant 0 : i32
      %dma_start3A_1219 = arith.constant 0 : i32
      %dma_start3A_1220 = tpu.memref_slice %arg7[%dma_start3A_1202, %dma_start3A_1218, %dma_start3A_1219] : memref<2x800x32xf32, #tpu.memory_space<vmem>> -> memref<1x800x32xf32, #tpu.memory_space<vmem>>
      %dma_start3A_1221 = tpu.memref_squeeze %dma_start3A_1220 : memref<1x800x32xf32, #tpu.memory_space<vmem>> -> memref<800x32xf32, #tpu.memory_space<vmem>>
      %dma_start3A_1222 = arith.constant 0 : i32
      %dma_start3A_1223 = arith.constant 0 : i32
      %dma_start3A_1224 = tpu.memref_slice %dma_start3A_1221[%dma_start3A_1222, %dma_start3A_1223] : memref<800x32xf32, #tpu.memory_space<vmem>> -> memref<50x32xf32, #tpu.memory_space<vmem>>
      tpu.enqueue_dma source(%dma_start3A_1224 : memref<50x32xf32, #tpu.memory_space<vmem>>) target(%dma_start3A_1217 : memref<50x32xf32, #tpu.memory_space<hbm>>) target_semaphore(%arg11 : memref<!tpu.dma_semaphore, #tpu.memory_space<semaphore_mem>>)
      %mul3A_1225 = arith.constant 2 : i32
      %mul3A_1226 = arith.muli %add3A_84, %mul3A_1225 : i32
      %add3A_1227 = arith.constant 0 : i32
      %add3A_1228 = arith.addi %mul3A_1226, %add3A_1227 : i32
      %mul3A_1229 = arith.constant 16 : i32
      %mul3A_1230 = arith.muli %add3A_1228, %mul3A_1229 : i32
      %add3A_1231 = arith.addi %mul3A_2, %mul3A_1230 : i32
      %add3A_1232 = arith.constant 1 : i32
      %add3A_1233 = arith.addi %add3A_1231, %add3A_1232 : i32
      %dma_start3A_1234 = arith.constant 0 : i32
      %dma_start3A_1235 = arith.constant 0 : i32
      %dma_start3A_1236 = arith.constant 0 : i32
      %dma_start3A_1237 = tpu.memref_slice %arg7[%dma_start3A_1234, %dma_start3A_1235, %dma_start3A_1236] : memref<2x800x32xf32, #tpu.memory_space<vmem>> -> memref<1x800x32xf32, #tpu.memory_space<vmem>>
      %dma_start3A_1238 = tpu.memref_squeeze %dma_start3A_1237 : memref<1x800x32xf32, #tpu.memory_space<vmem>> -> memref<800x32xf32, #tpu.memory_space<vmem>>
      %dma_start3A_1239 = arith.constant 50 : i32
      %dma_start3A_1240 = arith.constant 0 : i32
      %dma_start3A_1241 = tpu.memref_slice %dma_start3A_1238[%dma_start3A_1239, %dma_start3A_1240] : memref<800x32xf32, #tpu.memory_space<vmem>> -> memref<50x32xf32, #tpu.memory_space<vmem>>
      %dma_start3A_1242 = arith.constant 0 : i32
      %dma_start3A_1243 = arith.constant 0 : i32
      %dma_start3A_1244 = tpu.memref_slice %arg4[%add3A_1233, %dma_start3A_1242, %dma_start3A_1243] : memref<16384x50x32xf32, #tpu.memory_space<hbm>> -> memref<1x50x32xf32, #tpu.memory_space<hbm>>
      %dma_start3A_1245 = tpu.memref_squeeze %dma_start3A_1244 : memref<1x50x32xf32, #tpu.memory_space<hbm>> -> memref<50x32xf32, #tpu.memory_space<hbm>>
      %dma_start3A_1246 = arith.constant 0 : i32
      %dma_start3A_1247 = arith.constant 0 : i32
      %dma_start3A_1248 = tpu.memref_slice %arg4[%add3A_1233, %dma_start3A_1246, %dma_start3A_1247] : memref<16384x50x32xf32, #tpu.memory_space<hbm>> -> memref<1x50x32xf32, #tpu.memory_space<hbm>>
      %dma_start3A_1249 = tpu.memref_squeeze %dma_start3A_1248 : memref<1x50x32xf32, #tpu.memory_space<hbm>> -> memref<50x32xf32, #tpu.memory_space<hbm>>
      %dma_start3A_1250 = arith.constant 0 : i32
      %dma_start3A_1251 = arith.constant 0 : i32
      %dma_start3A_1252 = tpu.memref_slice %arg7[%dma_start3A_1234, %dma_start3A_1250, %dma_start3A_1251] : memref<2x800x32xf32, #tpu.memory_space<vmem>> -> memref<1x800x32xf32, #tpu.memory_space<vmem>>
      %dma_start3A_1253 = tpu.memref_squeeze %dma_start3A_1252 : memref<1x800x32xf32, #tpu.memory_space<vmem>> -> memref<800x32xf32, #tpu.memory_space<vmem>>
      %dma_start3A_1254 = arith.constant 50 : i32
      %dma_start3A_1255 = arith.constant 0 : i32
      %dma_start3A_1256 = tpu.memref_slice %dma_start3A_1253[%dma_start3A_1254, %dma_start3A_1255] : memref<800x32xf32, #tpu.memory_space<vmem>> -> memref<50x32xf32, #tpu.memory_space<vmem>>
      tpu.enqueue_dma source(%dma_start3A_1256 : memref<50x32xf32, #tpu.memory_space<vmem>>) target(%dma_start3A_1249 : memref<50x32xf32, #tpu.memory_space<hbm>>) target_semaphore(%arg11 : memref<!tpu.dma_semaphore, #tpu.memory_space<semaphore_mem>>)
      %mul3A_1257 = arith.constant 2 : i32
      %mul3A_1258 = arith.muli %add3A_84, %mul3A_1257 : i32
      %add3A_1259 = arith.constant 0 : i32
      %add3A_1260 = arith.addi %mul3A_1258, %add3A_1259 : i32
      %mul3A_1261 = arith.constant 16 : i32
      %mul3A_1262 = arith.muli %add3A_1260, %mul3A_1261 : i32
      %add3A_1263 = arith.addi %mul3A_2, %mul3A_1262 : i32
      %add3A_1264 = arith.constant 2 : i32
      %add3A_1265 = arith.addi %add3A_1263, %add3A_1264 : i32
      %dma_start3A_1266 = arith.constant 0 : i32
      %dma_start3A_1267 = arith.constant 0 : i32
      %dma_start3A_1268 = arith.constant 0 : i32
      %dma_start3A_1269 = tpu.memref_slice %arg7[%dma_start3A_1266, %dma_start3A_1267, %dma_start3A_1268] : memref<2x800x32xf32, #tpu.memory_space<vmem>> -> memref<1x800x32xf32, #tpu.memory_space<vmem>>
      %dma_start3A_1270 = tpu.memref_squeeze %dma_start3A_1269 : memref<1x800x32xf32, #tpu.memory_space<vmem>> -> memref<800x32xf32, #tpu.memory_space<vmem>>
      %dma_start3A_1271 = arith.constant 100 : i32
      %dma_start3A_1272 = arith.constant 0 : i32
      %dma_start3A_1273 = tpu.memref_slice %dma_start3A_1270[%dma_start3A_1271, %dma_start3A_1272] : memref<800x32xf32, #tpu.memory_space<vmem>> -> memref<50x32xf32, #tpu.memory_space<vmem>>
      %dma_start3A_1274 = arith.constant 0 : i32
      %dma_start3A_1275 = arith.constant 0 : i32
      %dma_start3A_1276 = tpu.memref_slice %arg4[%add3A_1265, %dma_start3A_1274, %dma_start3A_1275] : memref<16384x50x32xf32, #tpu.memory_space<hbm>> -> memref<1x50x32xf32, #tpu.memory_space<hbm>>
      %dma_start3A_1277 = tpu.memref_squeeze %dma_start3A_1276 : memref<1x50x32xf32, #tpu.memory_space<hbm>> -> memref<50x32xf32, #tpu.memory_space<hbm>>
      %dma_start3A_1278 = arith.constant 0 : i32
      %dma_start3A_1279 = arith.constant 0 : i32
      %dma_start3A_1280 = tpu.memref_slice %arg4[%add3A_1265, %dma_start3A_1278, %dma_start3A_1279] : memref<16384x50x32xf32, #tpu.memory_space<hbm>> -> memref<1x50x32xf32, #tpu.memory_space<hbm>>
      %dma_start3A_1281 = tpu.memref_squeeze %dma_start3A_1280 : memref<1x50x32xf32, #tpu.memory_space<hbm>> -> memref<50x32xf32, #tpu.memory_space<hbm>>
      %dma_start3A_1282 = arith.constant 0 : i32
      %dma_start3A_1283 = arith.constant 0 : i32
      %dma_start3A_1284 = tpu.memref_slice %arg7[%dma_start3A_1266, %dma_start3A_1282, %dma_start3A_1283] : memref<2x800x32xf32, #tpu.memory_space<vmem>> -> memref<1x800x32xf32, #tpu.memory_space<vmem>>
      %dma_start3A_1285 = tpu.memref_squeeze %dma_start3A_1284 : memref<1x800x32xf32, #tpu.memory_space<vmem>> -> memref<800x32xf32, #tpu.memory_space<vmem>>
      %dma_start3A_1286 = arith.constant 100 : i32
      %dma_start3A_1287 = arith.constant 0 : i32
      %dma_start3A_1288 = tpu.memref_slice %dma_start3A_1285[%dma_start3A_1286, %dma_start3A_1287] : memref<800x32xf32, #tpu.memory_space<vmem>> -> memref<50x32xf32, #tpu.memory_space<vmem>>
      tpu.enqueue_dma source(%dma_start3A_1288 : memref<50x32xf32, #tpu.memory_space<vmem>>) target(%dma_start3A_1281 : memref<50x32xf32, #tpu.memory_space<hbm>>) target_semaphore(%arg11 : memref<!tpu.dma_semaphore, #tpu.memory_space<semaphore_mem>>)
      %mul3A_1289 = arith.constant 2 : i32
      %mul3A_1290 = arith.muli %add3A_84, %mul3A_1289 : i32
      %add3A_1291 = arith.constant 0 : i32
      %add3A_1292 = arith.addi %mul3A_1290, %add3A_1291 : i32
      %mul3A_1293 = arith.constant 16 : i32
      %mul3A_1294 = arith.muli %add3A_1292, %mul3A_1293 : i32
      %add3A_1295 = arith.addi %mul3A_2, %mul3A_1294 : i32
      %add3A_1296 = arith.constant 3 : i32
      %add3A_1297 = arith.addi %add3A_1295, %add3A_1296 : i32
      %dma_start3A_1298 = arith.constant 0 : i32
      %dma_start3A_1299 = arith.constant 0 : i32
      %dma_start3A_1300 = arith.constant 0 : i32
      %dma_start3A_1301 = tpu.memref_slice %arg7[%dma_start3A_1298, %dma_start3A_1299, %dma_start3A_1300] : memref<2x800x32xf32, #tpu.memory_space<vmem>> -> memref<1x800x32xf32, #tpu.memory_space<vmem>>
      %dma_start3A_1302 = tpu.memref_squeeze %dma_start3A_1301 : memref<1x800x32xf32, #tpu.memory_space<vmem>> -> memref<800x32xf32, #tpu.memory_space<vmem>>
      %dma_start3A_1303 = arith.constant 150 : i32
      %dma_start3A_1304 = arith.constant 0 : i32
      %dma_start3A_1305 = tpu.memref_slice %dma_start3A_1302[%dma_start3A_1303, %dma_start3A_1304] : memref<800x32xf32, #tpu.memory_space<vmem>> -> memref<50x32xf32, #tpu.memory_space<vmem>>
      %dma_start3A_1306 = arith.constant 0 : i32
      %dma_start3A_1307 = arith.constant 0 : i32
      %dma_start3A_1308 = tpu.memref_slice %arg4[%add3A_1297, %dma_start3A_1306, %dma_start3A_1307] : memref<16384x50x32xf32, #tpu.memory_space<hbm>> -> memref<1x50x32xf32, #tpu.memory_space<hbm>>
      %dma_start3A_1309 = tpu.memref_squeeze %dma_start3A_1308 : memref<1x50x32xf32, #tpu.memory_space<hbm>> -> memref<50x32xf32, #tpu.memory_space<hbm>>
      %dma_start3A_1310 = arith.constant 0 : i32
      %dma_start3A_1311 = arith.constant 0 : i32
      %dma_start3A_1312 = tpu.memref_slice %arg4[%add3A_1297, %dma_start3A_1310, %dma_start3A_1311] : memref<16384x50x32xf32, #tpu.memory_space<hbm>> -> memref<1x50x32xf32, #tpu.memory_space<hbm>>
      %dma_start3A_1313 = tpu.memref_squeeze %dma_start3A_1312 : memref<1x50x32xf32, #tpu.memory_space<hbm>> -> memref<50x32xf32, #tpu.memory_space<hbm>>
      %dma_start3A_1314 = arith.constant 0 : i32
      %dma_start3A_1315 = arith.constant 0 : i32
      %dma_start3A_1316 = tpu.memref_slice %arg7[%dma_start3A_1298, %dma_start3A_1314, %dma_start3A_1315] : memref<2x800x32xf32, #tpu.memory_space<vmem>> -> memref<1x800x32xf32, #tpu.memory_space<vmem>>
      %dma_start3A_1317 = tpu.memref_squeeze %dma_start3A_1316 : memref<1x800x32xf32, #tpu.memory_space<vmem>> -> memref<800x32xf32, #tpu.memory_space<vmem>>
      %dma_start3A_1318 = arith.constant 150 : i32
      %dma_start3A_1319 = arith.constant 0 : i32
      %dma_start3A_1320 = tpu.memref_slice %dma_start3A_1317[%dma_start3A_1318, %dma_start3A_1319] : memref<800x32xf32, #tpu.memory_space<vmem>> -> memref<50x32xf32, #tpu.memory_space<vmem>>
      tpu.enqueue_dma source(%dma_start3A_1320 : memref<50x32xf32, #tpu.memory_space<vmem>>) target(%dma_start3A_1313 : memref<50x32xf32, #tpu.memory_space<hbm>>) target_semaphore(%arg11 : memref<!tpu.dma_semaphore, #tpu.memory_space<semaphore_mem>>)
      %mul3A_1321 = arith.constant 2 : i32
      %mul3A_1322 = arith.muli %add3A_84, %mul3A_1321 : i32
      %add3A_1323 = arith.constant 0 : i32
      %add3A_1324 = arith.addi %mul3A_1322, %add3A_1323 : i32
      %mul3A_1325 = arith.constant 16 : i32
      %mul3A_1326 = arith.muli %add3A_1324, %mul3A_1325 : i32
      %add3A_1327 = arith.addi %mul3A_2, %mul3A_1326 : i32
      %add3A_1328 = arith.constant 4 : i32
      %add3A_1329 = arith.addi %add3A_1327, %add3A_1328 : i32
      %dma_start3A_1330 = arith.constant 0 : i32
      %dma_start3A_1331 = arith.constant 0 : i32
      %dma_start3A_1332 = arith.constant 0 : i32
      %dma_start3A_1333 = tpu.memref_slice %arg7[%dma_start3A_1330, %dma_start3A_1331, %dma_start3A_1332] : memref<2x800x32xf32, #tpu.memory_space<vmem>> -> memref<1x800x32xf32, #tpu.memory_space<vmem>>
      %dma_start3A_1334 = tpu.memref_squeeze %dma_start3A_1333 : memref<1x800x32xf32, #tpu.memory_space<vmem>> -> memref<800x32xf32, #tpu.memory_space<vmem>>
      %dma_start3A_1335 = arith.constant 200 : i32
      %dma_start3A_1336 = arith.constant 0 : i32
      %dma_start3A_1337 = tpu.memref_slice %dma_start3A_1334[%dma_start3A_1335, %dma_start3A_1336] : memref<800x32xf32, #tpu.memory_space<vmem>> -> memref<50x32xf32, #tpu.memory_space<vmem>>
      %dma_start3A_1338 = arith.constant 0 : i32
      %dma_start3A_1339 = arith.constant 0 : i32
      %dma_start3A_1340 = tpu.memref_slice %arg4[%add3A_1329, %dma_start3A_1338, %dma_start3A_1339] : memref<16384x50x32xf32, #tpu.memory_space<hbm>> -> memref<1x50x32xf32, #tpu.memory_space<hbm>>
      %dma_start3A_1341 = tpu.memref_squeeze %dma_start3A_1340 : memref<1x50x32xf32, #tpu.memory_space<hbm>> -> memref<50x32xf32, #tpu.memory_space<hbm>>
      %dma_start3A_1342 = arith.constant 0 : i32
      %dma_start3A_1343 = arith.constant 0 : i32
      %dma_start3A_1344 = tpu.memref_slice %arg4[%add3A_1329, %dma_start3A_1342, %dma_start3A_1343] : memref<16384x50x32xf32, #tpu.memory_space<hbm>> -> memref<1x50x32xf32, #tpu.memory_space<hbm>>
      %dma_start3A_1345 = tpu.memref_squeeze %dma_start3A_1344 : memref<1x50x32xf32, #tpu.memory_space<hbm>> -> memref<50x32xf32, #tpu.memory_space<hbm>>
      %dma_start3A_1346 = arith.constant 0 : i32
      %dma_start3A_1347 = arith.constant 0 : i32
      %dma_start3A_1348 = tpu.memref_slice %arg7[%dma_start3A_1330, %dma_start3A_1346, %dma_start3A_1347] : memref<2x800x32xf32, #tpu.memory_space<vmem>> -> memref<1x800x32xf32, #tpu.memory_space<vmem>>
      %dma_start3A_1349 = tpu.memref_squeeze %dma_start3A_1348 : memref<1x800x32xf32, #tpu.memory_space<vmem>> -> memref<800x32xf32, #tpu.memory_space<vmem>>
      %dma_start3A_1350 = arith.constant 200 : i32
      %dma_start3A_1351 = arith.constant 0 : i32
      %dma_start3A_1352 = tpu.memref_slice %dma_start3A_1349[%dma_start3A_1350, %dma_start3A_1351] : memref<800x32xf32, #tpu.memory_space<vmem>> -> memref<50x32xf32, #tpu.memory_space<vmem>>
      tpu.enqueue_dma source(%dma_start3A_1352 : memref<50x32xf32, #tpu.memory_space<vmem>>) target(%dma_start3A_1345 : memref<50x32xf32, #tpu.memory_space<hbm>>) target_semaphore(%arg11 : memref<!tpu.dma_semaphore, #tpu.memory_space<semaphore_mem>>)
      %mul3A_1353 = arith.constant 2 : i32
      %mul3A_1354 = arith.muli %add3A_84, %mul3A_1353 : i32
      %add3A_1355 = arith.constant 0 : i32
      %add3A_1356 = arith.addi %mul3A_1354, %add3A_1355 : i32
      %mul3A_1357 = arith.constant 16 : i32
      %mul3A_1358 = arith.muli %add3A_1356, %mul3A_1357 : i32
      %add3A_1359 = arith.addi %mul3A_2, %mul3A_1358 : i32
      %add3A_1360 = arith.constant 5 : i32
      %add3A_1361 = arith.addi %add3A_1359, %add3A_1360 : i32
      %dma_start3A_1362 = arith.constant 0 : i32
      %dma_start3A_1363 = arith.constant 0 : i32
      %dma_start3A_1364 = arith.constant 0 : i32
      %dma_start3A_1365 = tpu.memref_slice %arg7[%dma_start3A_1362, %dma_start3A_1363, %dma_start3A_1364] : memref<2x800x32xf32, #tpu.memory_space<vmem>> -> memref<1x800x32xf32, #tpu.memory_space<vmem>>
      %dma_start3A_1366 = tpu.memref_squeeze %dma_start3A_1365 : memref<1x800x32xf32, #tpu.memory_space<vmem>> -> memref<800x32xf32, #tpu.memory_space<vmem>>
      %dma_start3A_1367 = arith.constant 250 : i32
      %dma_start3A_1368 = arith.constant 0 : i32
      %dma_start3A_1369 = tpu.memref_slice %dma_start3A_1366[%dma_start3A_1367, %dma_start3A_1368] : memref<800x32xf32, #tpu.memory_space<vmem>> -> memref<50x32xf32, #tpu.memory_space<vmem>>
      %dma_start3A_1370 = arith.constant 0 : i32
      %dma_start3A_1371 = arith.constant 0 : i32
      %dma_start3A_1372 = tpu.memref_slice %arg4[%add3A_1361, %dma_start3A_1370, %dma_start3A_1371] : memref<16384x50x32xf32, #tpu.memory_space<hbm>> -> memref<1x50x32xf32, #tpu.memory_space<hbm>>
      %dma_start3A_1373 = tpu.memref_squeeze %dma_start3A_1372 : memref<1x50x32xf32, #tpu.memory_space<hbm>> -> memref<50x32xf32, #tpu.memory_space<hbm>>
      %dma_start3A_1374 = arith.constant 0 : i32
      %dma_start3A_1375 = arith.constant 0 : i32
      %dma_start3A_1376 = tpu.memref_slice %arg4[%add3A_1361, %dma_start3A_1374, %dma_start3A_1375] : memref<16384x50x32xf32, #tpu.memory_space<hbm>> -> memref<1x50x32xf32, #tpu.memory_space<hbm>>
      %dma_start3A_1377 = tpu.memref_squeeze %dma_start3A_1376 : memref<1x50x32xf32, #tpu.memory_space<hbm>> -> memref<50x32xf32, #tpu.memory_space<hbm>>
      %dma_start3A_1378 = arith.constant 0 : i32
      %dma_start3A_1379 = arith.constant 0 : i32
      %dma_start3A_1380 = tpu.memref_slice %arg7[%dma_start3A_1362, %dma_start3A_1378, %dma_start3A_1379] : memref<2x800x32xf32, #tpu.memory_space<vmem>> -> memref<1x800x32xf32, #tpu.memory_space<vmem>>
      %dma_start3A_1381 = tpu.memref_squeeze %dma_start3A_1380 : memref<1x800x32xf32, #tpu.memory_space<vmem>> -> memref<800x32xf32, #tpu.memory_space<vmem>>
      %dma_start3A_1382 = arith.constant 250 : i32
      %dma_start3A_1383 = arith.constant 0 : i32
      %dma_start3A_1384 = tpu.memref_slice %dma_start3A_1381[%dma_start3A_1382, %dma_start3A_1383] : memref<800x32xf32, #tpu.memory_space<vmem>> -> memref<50x32xf32, #tpu.memory_space<vmem>>
      tpu.enqueue_dma source(%dma_start3A_1384 : memref<50x32xf32, #tpu.memory_space<vmem>>) target(%dma_start3A_1377 : memref<50x32xf32, #tpu.memory_space<hbm>>) target_semaphore(%arg11 : memref<!tpu.dma_semaphore, #tpu.memory_space<semaphore_mem>>)
      %mul3A_1385 = arith.constant 2 : i32
      %mul3A_1386 = arith.muli %add3A_84, %mul3A_1385 : i32
      %add3A_1387 = arith.constant 0 : i32
      %add3A_1388 = arith.addi %mul3A_1386, %add3A_1387 : i32
      %mul3A_1389 = arith.constant 16 : i32
      %mul3A_1390 = arith.muli %add3A_1388, %mul3A_1389 : i32
      %add3A_1391 = arith.addi %mul3A_2, %mul3A_1390 : i32
      %add3A_1392 = arith.constant 6 : i32
      %add3A_1393 = arith.addi %add3A_1391, %add3A_1392 : i32
      %dma_start3A_1394 = arith.constant 0 : i32
      %dma_start3A_1395 = arith.constant 0 : i32
      %dma_start3A_1396 = arith.constant 0 : i32
      %dma_start3A_1397 = tpu.memref_slice %arg7[%dma_start3A_1394, %dma_start3A_1395, %dma_start3A_1396] : memref<2x800x32xf32, #tpu.memory_space<vmem>> -> memref<1x800x32xf32, #tpu.memory_space<vmem>>
      %dma_start3A_1398 = tpu.memref_squeeze %dma_start3A_1397 : memref<1x800x32xf32, #tpu.memory_space<vmem>> -> memref<800x32xf32, #tpu.memory_space<vmem>>
      %dma_start3A_1399 = arith.constant 300 : i32
      %dma_start3A_1400 = arith.constant 0 : i32
      %dma_start3A_1401 = tpu.memref_slice %dma_start3A_1398[%dma_start3A_1399, %dma_start3A_1400] : memref<800x32xf32, #tpu.memory_space<vmem>> -> memref<50x32xf32, #tpu.memory_space<vmem>>
      %dma_start3A_1402 = arith.constant 0 : i32
      %dma_start3A_1403 = arith.constant 0 : i32
      %dma_start3A_1404 = tpu.memref_slice %arg4[%add3A_1393, %dma_start3A_1402, %dma_start3A_1403] : memref<16384x50x32xf32, #tpu.memory_space<hbm>> -> memref<1x50x32xf32, #tpu.memory_space<hbm>>
      %dma_start3A_1405 = tpu.memref_squeeze %dma_start3A_1404 : memref<1x50x32xf32, #tpu.memory_space<hbm>> -> memref<50x32xf32, #tpu.memory_space<hbm>>
      %dma_start3A_1406 = arith.constant 0 : i32
      %dma_start3A_1407 = arith.constant 0 : i32
      %dma_start3A_1408 = tpu.memref_slice %arg4[%add3A_1393, %dma_start3A_1406, %dma_start3A_1407] : memref<16384x50x32xf32, #tpu.memory_space<hbm>> -> memref<1x50x32xf32, #tpu.memory_space<hbm>>
      %dma_start3A_1409 = tpu.memref_squeeze %dma_start3A_1408 : memref<1x50x32xf32, #tpu.memory_space<hbm>> -> memref<50x32xf32, #tpu.memory_space<hbm>>
      %dma_start3A_1410 = arith.constant 0 : i32
      %dma_start3A_1411 = arith.constant 0 : i32
      %dma_start3A_1412 = tpu.memref_slice %arg7[%dma_start3A_1394, %dma_start3A_1410, %dma_start3A_1411] : memref<2x800x32xf32, #tpu.memory_space<vmem>> -> memref<1x800x32xf32, #tpu.memory_space<vmem>>
      %dma_start3A_1413 = tpu.memref_squeeze %dma_start3A_1412 : memref<1x800x32xf32, #tpu.memory_space<vmem>> -> memref<800x32xf32, #tpu.memory_space<vmem>>
      %dma_start3A_1414 = arith.constant 300 : i32
      %dma_start3A_1415 = arith.constant 0 : i32
      %dma_start3A_1416 = tpu.memref_slice %dma_start3A_1413[%dma_start3A_1414, %dma_start3A_1415] : memref<800x32xf32, #tpu.memory_space<vmem>> -> memref<50x32xf32, #tpu.memory_space<vmem>>
      tpu.enqueue_dma source(%dma_start3A_1416 : memref<50x32xf32, #tpu.memory_space<vmem>>) target(%dma_start3A_1409 : memref<50x32xf32, #tpu.memory_space<hbm>>) target_semaphore(%arg11 : memref<!tpu.dma_semaphore, #tpu.memory_space<semaphore_mem>>)
      %mul3A_1417 = arith.constant 2 : i32
      %mul3A_1418 = arith.muli %add3A_84, %mul3A_1417 : i32
      %add3A_1419 = arith.constant 0 : i32
      %add3A_1420 = arith.addi %mul3A_1418, %add3A_1419 : i32
      %mul3A_1421 = arith.constant 16 : i32
      %mul3A_1422 = arith.muli %add3A_1420, %mul3A_1421 : i32
      %add3A_1423 = arith.addi %mul3A_2, %mul3A_1422 : i32
      %add3A_1424 = arith.constant 7 : i32
      %add3A_1425 = arith.addi %add3A_1423, %add3A_1424 : i32
      %dma_start3A_1426 = arith.constant 0 : i32
      %dma_start3A_1427 = arith.constant 0 : i32
      %dma_start3A_1428 = arith.constant 0 : i32
      %dma_start3A_1429 = tpu.memref_slice %arg7[%dma_start3A_1426, %dma_start3A_1427, %dma_start3A_1428] : memref<2x800x32xf32, #tpu.memory_space<vmem>> -> memref<1x800x32xf32, #tpu.memory_space<vmem>>
      %dma_start3A_1430 = tpu.memref_squeeze %dma_start3A_1429 : memref<1x800x32xf32, #tpu.memory_space<vmem>> -> memref<800x32xf32, #tpu.memory_space<vmem>>
      %dma_start3A_1431 = arith.constant 350 : i32
      %dma_start3A_1432 = arith.constant 0 : i32
      %dma_start3A_1433 = tpu.memref_slice %dma_start3A_1430[%dma_start3A_1431, %dma_start3A_1432] : memref<800x32xf32, #tpu.memory_space<vmem>> -> memref<50x32xf32, #tpu.memory_space<vmem>>
      %dma_start3A_1434 = arith.constant 0 : i32
      %dma_start3A_1435 = arith.constant 0 : i32
      %dma_start3A_1436 = tpu.memref_slice %arg4[%add3A_1425, %dma_start3A_1434, %dma_start3A_1435] : memref<16384x50x32xf32, #tpu.memory_space<hbm>> -> memref<1x50x32xf32, #tpu.memory_space<hbm>>
      %dma_start3A_1437 = tpu.memref_squeeze %dma_start3A_1436 : memref<1x50x32xf32, #tpu.memory_space<hbm>> -> memref<50x32xf32, #tpu.memory_space<hbm>>
      %dma_start3A_1438 = arith.constant 0 : i32
      %dma_start3A_1439 = arith.constant 0 : i32
      %dma_start3A_1440 = tpu.memref_slice %arg4[%add3A_1425, %dma_start3A_1438, %dma_start3A_1439] : memref<16384x50x32xf32, #tpu.memory_space<hbm>> -> memref<1x50x32xf32, #tpu.memory_space<hbm>>
      %dma_start3A_1441 = tpu.memref_squeeze %dma_start3A_1440 : memref<1x50x32xf32, #tpu.memory_space<hbm>> -> memref<50x32xf32, #tpu.memory_space<hbm>>
      %dma_start3A_1442 = arith.constant 0 : i32
      %dma_start3A_1443 = arith.constant 0 : i32
      %dma_start3A_1444 = tpu.memref_slice %arg7[%dma_start3A_1426, %dma_start3A_1442, %dma_start3A_1443] : memref<2x800x32xf32, #tpu.memory_space<vmem>> -> memref<1x800x32xf32, #tpu.memory_space<vmem>>
      %dma_start3A_1445 = tpu.memref_squeeze %dma_start3A_1444 : memref<1x800x32xf32, #tpu.memory_space<vmem>> -> memref<800x32xf32, #tpu.memory_space<vmem>>
      %dma_start3A_1446 = arith.constant 350 : i32
      %dma_start3A_1447 = arith.constant 0 : i32
      %dma_start3A_1448 = tpu.memref_slice %dma_start3A_1445[%dma_start3A_1446, %dma_start3A_1447] : memref<800x32xf32, #tpu.memory_space<vmem>> -> memref<50x32xf32, #tpu.memory_space<vmem>>
      tpu.enqueue_dma source(%dma_start3A_1448 : memref<50x32xf32, #tpu.memory_space<vmem>>) target(%dma_start3A_1441 : memref<50x32xf32, #tpu.memory_space<hbm>>) target_semaphore(%arg11 : memref<!tpu.dma_semaphore, #tpu.memory_space<semaphore_mem>>)
      %mul3A_1449 = arith.constant 2 : i32
      %mul3A_1450 = arith.muli %add3A_84, %mul3A_1449 : i32
      %add3A_1451 = arith.constant 0 : i32
      %add3A_1452 = arith.addi %mul3A_1450, %add3A_1451 : i32
      %mul3A_1453 = arith.constant 16 : i32
      %mul3A_1454 = arith.muli %add3A_1452, %mul3A_1453 : i32
      %add3A_1455 = arith.addi %mul3A_2, %mul3A_1454 : i32
      %add3A_1456 = arith.constant 8 : i32
      %add3A_1457 = arith.addi %add3A_1455, %add3A_1456 : i32
      %dma_start3A_1458 = arith.constant 0 : i32
      %dma_start3A_1459 = arith.constant 0 : i32
      %dma_start3A_1460 = arith.constant 0 : i32
      %dma_start3A_1461 = tpu.memref_slice %arg7[%dma_start3A_1458, %dma_start3A_1459, %dma_start3A_1460] : memref<2x800x32xf32, #tpu.memory_space<vmem>> -> memref<1x800x32xf32, #tpu.memory_space<vmem>>
      %dma_start3A_1462 = tpu.memref_squeeze %dma_start3A_1461 : memref<1x800x32xf32, #tpu.memory_space<vmem>> -> memref<800x32xf32, #tpu.memory_space<vmem>>
      %dma_start3A_1463 = arith.constant 400 : i32
      %dma_start3A_1464 = arith.constant 0 : i32
      %dma_start3A_1465 = tpu.memref_slice %dma_start3A_1462[%dma_start3A_1463, %dma_start3A_1464] : memref<800x32xf32, #tpu.memory_space<vmem>> -> memref<50x32xf32, #tpu.memory_space<vmem>>
      %dma_start3A_1466 = arith.constant 0 : i32
      %dma_start3A_1467 = arith.constant 0 : i32
      %dma_start3A_1468 = tpu.memref_slice %arg4[%add3A_1457, %dma_start3A_1466, %dma_start3A_1467] : memref<16384x50x32xf32, #tpu.memory_space<hbm>> -> memref<1x50x32xf32, #tpu.memory_space<hbm>>
      %dma_start3A_1469 = tpu.memref_squeeze %dma_start3A_1468 : memref<1x50x32xf32, #tpu.memory_space<hbm>> -> memref<50x32xf32, #tpu.memory_space<hbm>>
      %dma_start3A_1470 = arith.constant 0 : i32
      %dma_start3A_1471 = arith.constant 0 : i32
      %dma_start3A_1472 = tpu.memref_slice %arg4[%add3A_1457, %dma_start3A_1470, %dma_start3A_1471] : memref<16384x50x32xf32, #tpu.memory_space<hbm>> -> memref<1x50x32xf32, #tpu.memory_space<hbm>>
      %dma_start3A_1473 = tpu.memref_squeeze %dma_start3A_1472 : memref<1x50x32xf32, #tpu.memory_space<hbm>> -> memref<50x32xf32, #tpu.memory_space<hbm>>
      %dma_start3A_1474 = arith.constant 0 : i32
      %dma_start3A_1475 = arith.constant 0 : i32
      %dma_start3A_1476 = tpu.memref_slice %arg7[%dma_start3A_1458, %dma_start3A_1474, %dma_start3A_1475] : memref<2x800x32xf32, #tpu.memory_space<vmem>> -> memref<1x800x32xf32, #tpu.memory_space<vmem>>
      %dma_start3A_1477 = tpu.memref_squeeze %dma_start3A_1476 : memref<1x800x32xf32, #tpu.memory_space<vmem>> -> memref<800x32xf32, #tpu.memory_space<vmem>>
      %dma_start3A_1478 = arith.constant 400 : i32
      %dma_start3A_1479 = arith.constant 0 : i32
      %dma_start3A_1480 = tpu.memref_slice %dma_start3A_1477[%dma_start3A_1478, %dma_start3A_1479] : memref<800x32xf32, #tpu.memory_space<vmem>> -> memref<50x32xf32, #tpu.memory_space<vmem>>
      tpu.enqueue_dma source(%dma_start3A_1480 : memref<50x32xf32, #tpu.memory_space<vmem>>) target(%dma_start3A_1473 : memref<50x32xf32, #tpu.memory_space<hbm>>) target_semaphore(%arg11 : memref<!tpu.dma_semaphore, #tpu.memory_space<semaphore_mem>>)
      %mul3A_1481 = arith.constant 2 : i32
      %mul3A_1482 = arith.muli %add3A_84, %mul3A_1481 : i32
      %add3A_1483 = arith.constant 0 : i32
      %add3A_1484 = arith.addi %mul3A_1482, %add3A_1483 : i32
      %mul3A_1485 = arith.constant 16 : i32
      %mul3A_1486 = arith.muli %add3A_1484, %mul3A_1485 : i32
      %add3A_1487 = arith.addi %mul3A_2, %mul3A_1486 : i32
      %add3A_1488 = arith.constant 9 : i32
      %add3A_1489 = arith.addi %add3A_1487, %add3A_1488 : i32
      %dma_start3A_1490 = arith.constant 0 : i32
      %dma_start3A_1491 = arith.constant 0 : i32
      %dma_start3A_1492 = arith.constant 0 : i32
      %dma_start3A_1493 = tpu.memref_slice %arg7[%dma_start3A_1490, %dma_start3A_1491, %dma_start3A_1492] : memref<2x800x32xf32, #tpu.memory_space<vmem>> -> memref<1x800x32xf32, #tpu.memory_space<vmem>>
      %dma_start3A_1494 = tpu.memref_squeeze %dma_start3A_1493 : memref<1x800x32xf32, #tpu.memory_space<vmem>> -> memref<800x32xf32, #tpu.memory_space<vmem>>
      %dma_start3A_1495 = arith.constant 450 : i32
      %dma_start3A_1496 = arith.constant 0 : i32
      %dma_start3A_1497 = tpu.memref_slice %dma_start3A_1494[%dma_start3A_1495, %dma_start3A_1496] : memref<800x32xf32, #tpu.memory_space<vmem>> -> memref<50x32xf32, #tpu.memory_space<vmem>>
      %dma_start3A_1498 = arith.constant 0 : i32
      %dma_start3A_1499 = arith.constant 0 : i32
      %dma_start3A_1500 = tpu.memref_slice %arg4[%add3A_1489, %dma_start3A_1498, %dma_start3A_1499] : memref<16384x50x32xf32, #tpu.memory_space<hbm>> -> memref<1x50x32xf32, #tpu.memory_space<hbm>>
      %dma_start3A_1501 = tpu.memref_squeeze %dma_start3A_1500 : memref<1x50x32xf32, #tpu.memory_space<hbm>> -> memref<50x32xf32, #tpu.memory_space<hbm>>
      %dma_start3A_1502 = arith.constant 0 : i32
      %dma_start3A_1503 = arith.constant 0 : i32
      %dma_start3A_1504 = tpu.memref_slice %arg4[%add3A_1489, %dma_start3A_1502, %dma_start3A_1503] : memref<16384x50x32xf32, #tpu.memory_space<hbm>> -> memref<1x50x32xf32, #tpu.memory_space<hbm>>
      %dma_start3A_1505 = tpu.memref_squeeze %dma_start3A_1504 : memref<1x50x32xf32, #tpu.memory_space<hbm>> -> memref<50x32xf32, #tpu.memory_space<hbm>>
      %dma_start3A_1506 = arith.constant 0 : i32
      %dma_start3A_1507 = arith.constant 0 : i32
      %dma_start3A_1508 = tpu.memref_slice %arg7[%dma_start3A_1490, %dma_start3A_1506, %dma_start3A_1507] : memref<2x800x32xf32, #tpu.memory_space<vmem>> -> memref<1x800x32xf32, #tpu.memory_space<vmem>>
      %dma_start3A_1509 = tpu.memref_squeeze %dma_start3A_1508 : memref<1x800x32xf32, #tpu.memory_space<vmem>> -> memref<800x32xf32, #tpu.memory_space<vmem>>
      %dma_start3A_1510 = arith.constant 450 : i32
      %dma_start3A_1511 = arith.constant 0 : i32
      %dma_start3A_1512 = tpu.memref_slice %dma_start3A_1509[%dma_start3A_1510, %dma_start3A_1511] : memref<800x32xf32, #tpu.memory_space<vmem>> -> memref<50x32xf32, #tpu.memory_space<vmem>>
      tpu.enqueue_dma source(%dma_start3A_1512 : memref<50x32xf32, #tpu.memory_space<vmem>>) target(%dma_start3A_1505 : memref<50x32xf32, #tpu.memory_space<hbm>>) target_semaphore(%arg11 : memref<!tpu.dma_semaphore, #tpu.memory_space<semaphore_mem>>)
      %mul3A_1513 = arith.constant 2 : i32
      %mul3A_1514 = arith.muli %add3A_84, %mul3A_1513 : i32
      %add3A_1515 = arith.constant 0 : i32
      %add3A_1516 = arith.addi %mul3A_1514, %add3A_1515 : i32
      %mul3A_1517 = arith.constant 16 : i32
      %mul3A_1518 = arith.muli %add3A_1516, %mul3A_1517 : i32
      %add3A_1519 = arith.addi %mul3A_2, %mul3A_1518 : i32
      %add3A_1520 = arith.constant 10 : i32
      %add3A_1521 = arith.addi %add3A_1519, %add3A_1520 : i32
      %dma_start3A_1522 = arith.constant 0 : i32
      %dma_start3A_1523 = arith.constant 0 : i32
      %dma_start3A_1524 = arith.constant 0 : i32
      %dma_start3A_1525 = tpu.memref_slice %arg7[%dma_start3A_1522, %dma_start3A_1523, %dma_start3A_1524] : memref<2x800x32xf32, #tpu.memory_space<vmem>> -> memref<1x800x32xf32, #tpu.memory_space<vmem>>
      %dma_start3A_1526 = tpu.memref_squeeze %dma_start3A_1525 : memref<1x800x32xf32, #tpu.memory_space<vmem>> -> memref<800x32xf32, #tpu.memory_space<vmem>>
      %dma_start3A_1527 = arith.constant 500 : i32
      %dma_start3A_1528 = arith.constant 0 : i32
      %dma_start3A_1529 = tpu.memref_slice %dma_start3A_1526[%dma_start3A_1527, %dma_start3A_1528] : memref<800x32xf32, #tpu.memory_space<vmem>> -> memref<50x32xf32, #tpu.memory_space<vmem>>
      %dma_start3A_1530 = arith.constant 0 : i32
      %dma_start3A_1531 = arith.constant 0 : i32
      %dma_start3A_1532 = tpu.memref_slice %arg4[%add3A_1521, %dma_start3A_1530, %dma_start3A_1531] : memref<16384x50x32xf32, #tpu.memory_space<hbm>> -> memref<1x50x32xf32, #tpu.memory_space<hbm>>
      %dma_start3A_1533 = tpu.memref_squeeze %dma_start3A_1532 : memref<1x50x32xf32, #tpu.memory_space<hbm>> -> memref<50x32xf32, #tpu.memory_space<hbm>>
      %dma_start3A_1534 = arith.constant 0 : i32
      %dma_start3A_1535 = arith.constant 0 : i32
      %dma_start3A_1536 = tpu.memref_slice %arg4[%add3A_1521, %dma_start3A_1534, %dma_start3A_1535] : memref<16384x50x32xf32, #tpu.memory_space<hbm>> -> memref<1x50x32xf32, #tpu.memory_space<hbm>>
      %dma_start3A_1537 = tpu.memref_squeeze %dma_start3A_1536 : memref<1x50x32xf32, #tpu.memory_space<hbm>> -> memref<50x32xf32, #tpu.memory_space<hbm>>
      %dma_start3A_1538 = arith.constant 0 : i32
      %dma_start3A_1539 = arith.constant 0 : i32
      %dma_start3A_1540 = tpu.memref_slice %arg7[%dma_start3A_1522, %dma_start3A_1538, %dma_start3A_1539] : memref<2x800x32xf32, #tpu.memory_space<vmem>> -> memref<1x800x32xf32, #tpu.memory_space<vmem>>
      %dma_start3A_1541 = tpu.memref_squeeze %dma_start3A_1540 : memref<1x800x32xf32, #tpu.memory_space<vmem>> -> memref<800x32xf32, #tpu.memory_space<vmem>>
      %dma_start3A_1542 = arith.constant 500 : i32
      %dma_start3A_1543 = arith.constant 0 : i32
      %dma_start3A_1544 = tpu.memref_slice %dma_start3A_1541[%dma_start3A_1542, %dma_start3A_1543] : memref<800x32xf32, #tpu.memory_space<vmem>> -> memref<50x32xf32, #tpu.memory_space<vmem>>
      tpu.enqueue_dma source(%dma_start3A_1544 : memref<50x32xf32, #tpu.memory_space<vmem>>) target(%dma_start3A_1537 : memref<50x32xf32, #tpu.memory_space<hbm>>) target_semaphore(%arg11 : memref<!tpu.dma_semaphore, #tpu.memory_space<semaphore_mem>>)
      %mul3A_1545 = arith.constant 2 : i32
      %mul3A_1546 = arith.muli %add3A_84, %mul3A_1545 : i32
      %add3A_1547 = arith.constant 0 : i32
      %add3A_1548 = arith.addi %mul3A_1546, %add3A_1547 : i32
      %mul3A_1549 = arith.constant 16 : i32
      %mul3A_1550 = arith.muli %add3A_1548, %mul3A_1549 : i32
      %add3A_1551 = arith.addi %mul3A_2, %mul3A_1550 : i32
      %add3A_1552 = arith.constant 11 : i32
      %add3A_1553 = arith.addi %add3A_1551, %add3A_1552 : i32
      %dma_start3A_1554 = arith.constant 0 : i32
      %dma_start3A_1555 = arith.constant 0 : i32
      %dma_start3A_1556 = arith.constant 0 : i32
      %dma_start3A_1557 = tpu.memref_slice %arg7[%dma_start3A_1554, %dma_start3A_1555, %dma_start3A_1556] : memref<2x800x32xf32, #tpu.memory_space<vmem>> -> memref<1x800x32xf32, #tpu.memory_space<vmem>>
      %dma_start3A_1558 = tpu.memref_squeeze %dma_start3A_1557 : memref<1x800x32xf32, #tpu.memory_space<vmem>> -> memref<800x32xf32, #tpu.memory_space<vmem>>
      %dma_start3A_1559 = arith.constant 550 : i32
      %dma_start3A_1560 = arith.constant 0 : i32
      %dma_start3A_1561 = tpu.memref_slice %dma_start3A_1558[%dma_start3A_1559, %dma_start3A_1560] : memref<800x32xf32, #tpu.memory_space<vmem>> -> memref<50x32xf32, #tpu.memory_space<vmem>>
      %dma_start3A_1562 = arith.constant 0 : i32
      %dma_start3A_1563 = arith.constant 0 : i32
      %dma_start3A_1564 = tpu.memref_slice %arg4[%add3A_1553, %dma_start3A_1562, %dma_start3A_1563] : memref<16384x50x32xf32, #tpu.memory_space<hbm>> -> memref<1x50x32xf32, #tpu.memory_space<hbm>>
      %dma_start3A_1565 = tpu.memref_squeeze %dma_start3A_1564 : memref<1x50x32xf32, #tpu.memory_space<hbm>> -> memref<50x32xf32, #tpu.memory_space<hbm>>
      %dma_start3A_1566 = arith.constant 0 : i32
      %dma_start3A_1567 = arith.constant 0 : i32
      %dma_start3A_1568 = tpu.memref_slice %arg4[%add3A_1553, %dma_start3A_1566, %dma_start3A_1567] : memref<16384x50x32xf32, #tpu.memory_space<hbm>> -> memref<1x50x32xf32, #tpu.memory_space<hbm>>
      %dma_start3A_1569 = tpu.memref_squeeze %dma_start3A_1568 : memref<1x50x32xf32, #tpu.memory_space<hbm>> -> memref<50x32xf32, #tpu.memory_space<hbm>>
      %dma_start3A_1570 = arith.constant 0 : i32
      %dma_start3A_1571 = arith.constant 0 : i32
      %dma_start3A_1572 = tpu.memref_slice %arg7[%dma_start3A_1554, %dma_start3A_1570, %dma_start3A_1571] : memref<2x800x32xf32, #tpu.memory_space<vmem>> -> memref<1x800x32xf32, #tpu.memory_space<vmem>>
      %dma_start3A_1573 = tpu.memref_squeeze %dma_start3A_1572 : memref<1x800x32xf32, #tpu.memory_space<vmem>> -> memref<800x32xf32, #tpu.memory_space<vmem>>
      %dma_start3A_1574 = arith.constant 550 : i32
      %dma_start3A_1575 = arith.constant 0 : i32
      %dma_start3A_1576 = tpu.memref_slice %dma_start3A_1573[%dma_start3A_1574, %dma_start3A_1575] : memref<800x32xf32, #tpu.memory_space<vmem>> -> memref<50x32xf32, #tpu.memory_space<vmem>>
      tpu.enqueue_dma source(%dma_start3A_1576 : memref<50x32xf32, #tpu.memory_space<vmem>>) target(%dma_start3A_1569 : memref<50x32xf32, #tpu.memory_space<hbm>>) target_semaphore(%arg11 : memref<!tpu.dma_semaphore, #tpu.memory_space<semaphore_mem>>)
      %mul3A_1577 = arith.constant 2 : i32
      %mul3A_1578 = arith.muli %add3A_84, %mul3A_1577 : i32
      %add3A_1579 = arith.constant 0 : i32
      %add3A_1580 = arith.addi %mul3A_1578, %add3A_1579 : i32
      %mul3A_1581 = arith.constant 16 : i32
      %mul3A_1582 = arith.muli %add3A_1580, %mul3A_1581 : i32
      %add3A_1583 = arith.addi %mul3A_2, %mul3A_1582 : i32
      %add3A_1584 = arith.constant 12 : i32
      %add3A_1585 = arith.addi %add3A_1583, %add3A_1584 : i32
      %dma_start3A_1586 = arith.constant 0 : i32
      %dma_start3A_1587 = arith.constant 0 : i32
      %dma_start3A_1588 = arith.constant 0 : i32
      %dma_start3A_1589 = tpu.memref_slice %arg7[%dma_start3A_1586, %dma_start3A_1587, %dma_start3A_1588] : memref<2x800x32xf32, #tpu.memory_space<vmem>> -> memref<1x800x32xf32, #tpu.memory_space<vmem>>
      %dma_start3A_1590 = tpu.memref_squeeze %dma_start3A_1589 : memref<1x800x32xf32, #tpu.memory_space<vmem>> -> memref<800x32xf32, #tpu.memory_space<vmem>>
      %dma_start3A_1591 = arith.constant 600 : i32
      %dma_start3A_1592 = arith.constant 0 : i32
      %dma_start3A_1593 = tpu.memref_slice %dma_start3A_1590[%dma_start3A_1591, %dma_start3A_1592] : memref<800x32xf32, #tpu.memory_space<vmem>> -> memref<50x32xf32, #tpu.memory_space<vmem>>
      %dma_start3A_1594 = arith.constant 0 : i32
      %dma_start3A_1595 = arith.constant 0 : i32
      %dma_start3A_1596 = tpu.memref_slice %arg4[%add3A_1585, %dma_start3A_1594, %dma_start3A_1595] : memref<16384x50x32xf32, #tpu.memory_space<hbm>> -> memref<1x50x32xf32, #tpu.memory_space<hbm>>
      %dma_start3A_1597 = tpu.memref_squeeze %dma_start3A_1596 : memref<1x50x32xf32, #tpu.memory_space<hbm>> -> memref<50x32xf32, #tpu.memory_space<hbm>>
      %dma_start3A_1598 = arith.constant 0 : i32
      %dma_start3A_1599 = arith.constant 0 : i32
      %dma_start3A_1600 = tpu.memref_slice %arg4[%add3A_1585, %dma_start3A_1598, %dma_start3A_1599] : memref<16384x50x32xf32, #tpu.memory_space<hbm>> -> memref<1x50x32xf32, #tpu.memory_space<hbm>>
      %dma_start3A_1601 = tpu.memref_squeeze %dma_start3A_1600 : memref<1x50x32xf32, #tpu.memory_space<hbm>> -> memref<50x32xf32, #tpu.memory_space<hbm>>
      %dma_start3A_1602 = arith.constant 0 : i32
      %dma_start3A_1603 = arith.constant 0 : i32
      %dma_start3A_1604 = tpu.memref_slice %arg7[%dma_start3A_1586, %dma_start3A_1602, %dma_start3A_1603] : memref<2x800x32xf32, #tpu.memory_space<vmem>> -> memref<1x800x32xf32, #tpu.memory_space<vmem>>
      %dma_start3A_1605 = tpu.memref_squeeze %dma_start3A_1604 : memref<1x800x32xf32, #tpu.memory_space<vmem>> -> memref<800x32xf32, #tpu.memory_space<vmem>>
      %dma_start3A_1606 = arith.constant 600 : i32
      %dma_start3A_1607 = arith.constant 0 : i32
      %dma_start3A_1608 = tpu.memref_slice %dma_start3A_1605[%dma_start3A_1606, %dma_start3A_1607] : memref<800x32xf32, #tpu.memory_space<vmem>> -> memref<50x32xf32, #tpu.memory_space<vmem>>
      tpu.enqueue_dma source(%dma_start3A_1608 : memref<50x32xf32, #tpu.memory_space<vmem>>) target(%dma_start3A_1601 : memref<50x32xf32, #tpu.memory_space<hbm>>) target_semaphore(%arg11 : memref<!tpu.dma_semaphore, #tpu.memory_space<semaphore_mem>>)
      %mul3A_1609 = arith.constant 2 : i32
      %mul3A_1610 = arith.muli %add3A_84, %mul3A_1609 : i32
      %add3A_1611 = arith.constant 0 : i32
      %add3A_1612 = arith.addi %mul3A_1610, %add3A_1611 : i32
      %mul3A_1613 = arith.constant 16 : i32
      %mul3A_1614 = arith.muli %add3A_1612, %mul3A_1613 : i32
      %add3A_1615 = arith.addi %mul3A_2, %mul3A_1614 : i32
      %add3A_1616 = arith.constant 13 : i32
      %add3A_1617 = arith.addi %add3A_1615, %add3A_1616 : i32
      %dma_start3A_1618 = arith.constant 0 : i32
      %dma_start3A_1619 = arith.constant 0 : i32
      %dma_start3A_1620 = arith.constant 0 : i32
      %dma_start3A_1621 = tpu.memref_slice %arg7[%dma_start3A_1618, %dma_start3A_1619, %dma_start3A_1620] : memref<2x800x32xf32, #tpu.memory_space<vmem>> -> memref<1x800x32xf32, #tpu.memory_space<vmem>>
      %dma_start3A_1622 = tpu.memref_squeeze %dma_start3A_1621 : memref<1x800x32xf32, #tpu.memory_space<vmem>> -> memref<800x32xf32, #tpu.memory_space<vmem>>
      %dma_start3A_1623 = arith.constant 650 : i32
      %dma_start3A_1624 = arith.constant 0 : i32
      %dma_start3A_1625 = tpu.memref_slice %dma_start3A_1622[%dma_start3A_1623, %dma_start3A_1624] : memref<800x32xf32, #tpu.memory_space<vmem>> -> memref<50x32xf32, #tpu.memory_space<vmem>>
      %dma_start3A_1626 = arith.constant 0 : i32
      %dma_start3A_1627 = arith.constant 0 : i32
      %dma_start3A_1628 = tpu.memref_slice %arg4[%add3A_1617, %dma_start3A_1626, %dma_start3A_1627] : memref<16384x50x32xf32, #tpu.memory_space<hbm>> -> memref<1x50x32xf32, #tpu.memory_space<hbm>>
      %dma_start3A_1629 = tpu.memref_squeeze %dma_start3A_1628 : memref<1x50x32xf32, #tpu.memory_space<hbm>> -> memref<50x32xf32, #tpu.memory_space<hbm>>
      %dma_start3A_1630 = arith.constant 0 : i32
      %dma_start3A_1631 = arith.constant 0 : i32
      %dma_start3A_1632 = tpu.memref_slice %arg4[%add3A_1617, %dma_start3A_1630, %dma_start3A_1631] : memref<16384x50x32xf32, #tpu.memory_space<hbm>> -> memref<1x50x32xf32, #tpu.memory_space<hbm>>
      %dma_start3A_1633 = tpu.memref_squeeze %dma_start3A_1632 : memref<1x50x32xf32, #tpu.memory_space<hbm>> -> memref<50x32xf32, #tpu.memory_space<hbm>>
      %dma_start3A_1634 = arith.constant 0 : i32
      %dma_start3A_1635 = arith.constant 0 : i32
      %dma_start3A_1636 = tpu.memref_slice %arg7[%dma_start3A_1618, %dma_start3A_1634, %dma_start3A_1635] : memref<2x800x32xf32, #tpu.memory_space<vmem>> -> memref<1x800x32xf32, #tpu.memory_space<vmem>>
      %dma_start3A_1637 = tpu.memref_squeeze %dma_start3A_1636 : memref<1x800x32xf32, #tpu.memory_space<vmem>> -> memref<800x32xf32, #tpu.memory_space<vmem>>
      %dma_start3A_1638 = arith.constant 650 : i32
      %dma_start3A_1639 = arith.constant 0 : i32
      %dma_start3A_1640 = tpu.memref_slice %dma_start3A_1637[%dma_start3A_1638, %dma_start3A_1639] : memref<800x32xf32, #tpu.memory_space<vmem>> -> memref<50x32xf32, #tpu.memory_space<vmem>>
      tpu.enqueue_dma source(%dma_start3A_1640 : memref<50x32xf32, #tpu.memory_space<vmem>>) target(%dma_start3A_1633 : memref<50x32xf32, #tpu.memory_space<hbm>>) target_semaphore(%arg11 : memref<!tpu.dma_semaphore, #tpu.memory_space<semaphore_mem>>)
      %mul3A_1641 = arith.constant 2 : i32
      %mul3A_1642 = arith.muli %add3A_84, %mul3A_1641 : i32
      %add3A_1643 = arith.constant 0 : i32
      %add3A_1644 = arith.addi %mul3A_1642, %add3A_1643 : i32
      %mul3A_1645 = arith.constant 16 : i32
      %mul3A_1646 = arith.muli %add3A_1644, %mul3A_1645 : i32
      %add3A_1647 = arith.addi %mul3A_2, %mul3A_1646 : i32
      %add3A_1648 = arith.constant 14 : i32
      %add3A_1649 = arith.addi %add3A_1647, %add3A_1648 : i32
      %dma_start3A_1650 = arith.constant 0 : i32
      %dma_start3A_1651 = arith.constant 0 : i32
      %dma_start3A_1652 = arith.constant 0 : i32
      %dma_start3A_1653 = tpu.memref_slice %arg7[%dma_start3A_1650, %dma_start3A_1651, %dma_start3A_1652] : memref<2x800x32xf32, #tpu.memory_space<vmem>> -> memref<1x800x32xf32, #tpu.memory_space<vmem>>
      %dma_start3A_1654 = tpu.memref_squeeze %dma_start3A_1653 : memref<1x800x32xf32, #tpu.memory_space<vmem>> -> memref<800x32xf32, #tpu.memory_space<vmem>>
      %dma_start3A_1655 = arith.constant 700 : i32
      %dma_start3A_1656 = arith.constant 0 : i32
      %dma_start3A_1657 = tpu.memref_slice %dma_start3A_1654[%dma_start3A_1655, %dma_start3A_1656] : memref<800x32xf32, #tpu.memory_space<vmem>> -> memref<50x32xf32, #tpu.memory_space<vmem>>
      %dma_start3A_1658 = arith.constant 0 : i32
      %dma_start3A_1659 = arith.constant 0 : i32
      %dma_start3A_1660 = tpu.memref_slice %arg4[%add3A_1649, %dma_start3A_1658, %dma_start3A_1659] : memref<16384x50x32xf32, #tpu.memory_space<hbm>> -> memref<1x50x32xf32, #tpu.memory_space<hbm>>
      %dma_start3A_1661 = tpu.memref_squeeze %dma_start3A_1660 : memref<1x50x32xf32, #tpu.memory_space<hbm>> -> memref<50x32xf32, #tpu.memory_space<hbm>>
      %dma_start3A_1662 = arith.constant 0 : i32
      %dma_start3A_1663 = arith.constant 0 : i32
      %dma_start3A_1664 = tpu.memref_slice %arg4[%add3A_1649, %dma_start3A_1662, %dma_start3A_1663] : memref<16384x50x32xf32, #tpu.memory_space<hbm>> -> memref<1x50x32xf32, #tpu.memory_space<hbm>>
      %dma_start3A_1665 = tpu.memref_squeeze %dma_start3A_1664 : memref<1x50x32xf32, #tpu.memory_space<hbm>> -> memref<50x32xf32, #tpu.memory_space<hbm>>
      %dma_start3A_1666 = arith.constant 0 : i32
      %dma_start3A_1667 = arith.constant 0 : i32
      %dma_start3A_1668 = tpu.memref_slice %arg7[%dma_start3A_1650, %dma_start3A_1666, %dma_start3A_1667] : memref<2x800x32xf32, #tpu.memory_space<vmem>> -> memref<1x800x32xf32, #tpu.memory_space<vmem>>
      %dma_start3A_1669 = tpu.memref_squeeze %dma_start3A_1668 : memref<1x800x32xf32, #tpu.memory_space<vmem>> -> memref<800x32xf32, #tpu.memory_space<vmem>>
      %dma_start3A_1670 = arith.constant 700 : i32
      %dma_start3A_1671 = arith.constant 0 : i32
      %dma_start3A_1672 = tpu.memref_slice %dma_start3A_1669[%dma_start3A_1670, %dma_start3A_1671] : memref<800x32xf32, #tpu.memory_space<vmem>> -> memref<50x32xf32, #tpu.memory_space<vmem>>
      tpu.enqueue_dma source(%dma_start3A_1672 : memref<50x32xf32, #tpu.memory_space<vmem>>) target(%dma_start3A_1665 : memref<50x32xf32, #tpu.memory_space<hbm>>) target_semaphore(%arg11 : memref<!tpu.dma_semaphore, #tpu.memory_space<semaphore_mem>>)
      %mul3A_1673 = arith.constant 2 : i32
      %mul3A_1674 = arith.muli %add3A_84, %mul3A_1673 : i32
      %add3A_1675 = arith.constant 0 : i32
      %add3A_1676 = arith.addi %mul3A_1674, %add3A_1675 : i32
      %mul3A_1677 = arith.constant 16 : i32
      %mul3A_1678 = arith.muli %add3A_1676, %mul3A_1677 : i32
      %add3A_1679 = arith.addi %mul3A_2, %mul3A_1678 : i32
      %add3A_1680 = arith.constant 15 : i32
      %add3A_1681 = arith.addi %add3A_1679, %add3A_1680 : i32
      %dma_start3A_1682 = arith.constant 0 : i32
      %dma_start3A_1683 = arith.constant 0 : i32
      %dma_start3A_1684 = arith.constant 0 : i32
      %dma_start3A_1685 = tpu.memref_slice %arg7[%dma_start3A_1682, %dma_start3A_1683, %dma_start3A_1684] : memref<2x800x32xf32, #tpu.memory_space<vmem>> -> memref<1x800x32xf32, #tpu.memory_space<vmem>>
      %dma_start3A_1686 = tpu.memref_squeeze %dma_start3A_1685 : memref<1x800x32xf32, #tpu.memory_space<vmem>> -> memref<800x32xf32, #tpu.memory_space<vmem>>
      %dma_start3A_1687 = arith.constant 750 : i32
      %dma_start3A_1688 = arith.constant 0 : i32
      %dma_start3A_1689 = tpu.memref_slice %dma_start3A_1686[%dma_start3A_1687, %dma_start3A_1688] : memref<800x32xf32, #tpu.memory_space<vmem>> -> memref<50x32xf32, #tpu.memory_space<vmem>>
      %dma_start3A_1690 = arith.constant 0 : i32
      %dma_start3A_1691 = arith.constant 0 : i32
      %dma_start3A_1692 = tpu.memref_slice %arg4[%add3A_1681, %dma_start3A_1690, %dma_start3A_1691] : memref<16384x50x32xf32, #tpu.memory_space<hbm>> -> memref<1x50x32xf32, #tpu.memory_space<hbm>>
      %dma_start3A_1693 = tpu.memref_squeeze %dma_start3A_1692 : memref<1x50x32xf32, #tpu.memory_space<hbm>> -> memref<50x32xf32, #tpu.memory_space<hbm>>
      %dma_start3A_1694 = arith.constant 0 : i32
      %dma_start3A_1695 = arith.constant 0 : i32
      %dma_start3A_1696 = tpu.memref_slice %arg4[%add3A_1681, %dma_start3A_1694, %dma_start3A_1695] : memref<16384x50x32xf32, #tpu.memory_space<hbm>> -> memref<1x50x32xf32, #tpu.memory_space<hbm>>
      %dma_start3A_1697 = tpu.memref_squeeze %dma_start3A_1696 : memref<1x50x32xf32, #tpu.memory_space<hbm>> -> memref<50x32xf32, #tpu.memory_space<hbm>>
      %dma_start3A_1698 = arith.constant 0 : i32
      %dma_start3A_1699 = arith.constant 0 : i32
      %dma_start3A_1700 = tpu.memref_slice %arg7[%dma_start3A_1682, %dma_start3A_1698, %dma_start3A_1699] : memref<2x800x32xf32, #tpu.memory_space<vmem>> -> memref<1x800x32xf32, #tpu.memory_space<vmem>>
      %dma_start3A_1701 = tpu.memref_squeeze %dma_start3A_1700 : memref<1x800x32xf32, #tpu.memory_space<vmem>> -> memref<800x32xf32, #tpu.memory_space<vmem>>
      %dma_start3A_1702 = arith.constant 750 : i32
      %dma_start3A_1703 = arith.constant 0 : i32
      %dma_start3A_1704 = tpu.memref_slice %dma_start3A_1701[%dma_start3A_1702, %dma_start3A_1703] : memref<800x32xf32, #tpu.memory_space<vmem>> -> memref<50x32xf32, #tpu.memory_space<vmem>>
      tpu.enqueue_dma source(%dma_start3A_1704 : memref<50x32xf32, #tpu.memory_space<vmem>>) target(%dma_start3A_1697 : memref<50x32xf32, #tpu.memory_space<hbm>>) target_semaphore(%arg11 : memref<!tpu.dma_semaphore, #tpu.memory_space<semaphore_mem>>)
      %mul3A_1705 = arith.constant 2 : i32
      %mul3A_1706 = arith.muli %add3A_84, %mul3A_1705 : i32
      %add3A_1707 = arith.constant 1 : i32
      %add3A_1708 = arith.addi %mul3A_1706, %add3A_1707 : i32
      %mul3A_1709 = arith.constant 16 : i32
      %mul3A_1710 = arith.muli %add3A_1708, %mul3A_1709 : i32
      %add3A_1711 = arith.addi %mul3A_2, %mul3A_1710 : i32
      %add3A_1712 = arith.constant 0 : i32
      %add3A_1713 = arith.addi %add3A_1711, %add3A_1712 : i32
      %dma_start3A_1714 = arith.constant 1 : i32
      %dma_start3A_1715 = arith.constant 0 : i32
      %dma_start3A_1716 = arith.constant 0 : i32
      %dma_start3A_1717 = tpu.memref_slice %arg7[%dma_start3A_1714, %dma_start3A_1715, %dma_start3A_1716] : memref<2x800x32xf32, #tpu.memory_space<vmem>> -> memref<1x800x32xf32, #tpu.memory_space<vmem>>
      %dma_start3A_1718 = tpu.memref_squeeze %dma_start3A_1717 : memref<1x800x32xf32, #tpu.memory_space<vmem>> -> memref<800x32xf32, #tpu.memory_space<vmem>>
      %dma_start3A_1719 = arith.constant 0 : i32
      %dma_start3A_1720 = arith.constant 0 : i32
      %dma_start3A_1721 = tpu.memref_slice %dma_start3A_1718[%dma_start3A_1719, %dma_start3A_1720] : memref<800x32xf32, #tpu.memory_space<vmem>> -> memref<50x32xf32, #tpu.memory_space<vmem>>
      %dma_start3A_1722 = arith.constant 0 : i32
      %dma_start3A_1723 = arith.constant 0 : i32
      %dma_start3A_1724 = tpu.memref_slice %arg4[%add3A_1713, %dma_start3A_1722, %dma_start3A_1723] : memref<16384x50x32xf32, #tpu.memory_space<hbm>> -> memref<1x50x32xf32, #tpu.memory_space<hbm>>
      %dma_start3A_1725 = tpu.memref_squeeze %dma_start3A_1724 : memref<1x50x32xf32, #tpu.memory_space<hbm>> -> memref<50x32xf32, #tpu.memory_space<hbm>>
      %dma_start3A_1726 = arith.constant 0 : i32
      %dma_start3A_1727 = arith.constant 0 : i32
      %dma_start3A_1728 = tpu.memref_slice %arg4[%add3A_1713, %dma_start3A_1726, %dma_start3A_1727] : memref<16384x50x32xf32, #tpu.memory_space<hbm>> -> memref<1x50x32xf32, #tpu.memory_space<hbm>>
      %dma_start3A_1729 = tpu.memref_squeeze %dma_start3A_1728 : memref<1x50x32xf32, #tpu.memory_space<hbm>> -> memref<50x32xf32, #tpu.memory_space<hbm>>
      %dma_start3A_1730 = arith.constant 0 : i32
      %dma_start3A_1731 = arith.constant 0 : i32
      %dma_start3A_1732 = tpu.memref_slice %arg7[%dma_start3A_1714, %dma_start3A_1730, %dma_start3A_1731] : memref<2x800x32xf32, #tpu.memory_space<vmem>> -> memref<1x800x32xf32, #tpu.memory_space<vmem>>
      %dma_start3A_1733 = tpu.memref_squeeze %dma_start3A_1732 : memref<1x800x32xf32, #tpu.memory_space<vmem>> -> memref<800x32xf32, #tpu.memory_space<vmem>>
      %dma_start3A_1734 = arith.constant 0 : i32
      %dma_start3A_1735 = arith.constant 0 : i32
      %dma_start3A_1736 = tpu.memref_slice %dma_start3A_1733[%dma_start3A_1734, %dma_start3A_1735] : memref<800x32xf32, #tpu.memory_space<vmem>> -> memref<50x32xf32, #tpu.memory_space<vmem>>
      tpu.enqueue_dma source(%dma_start3A_1736 : memref<50x32xf32, #tpu.memory_space<vmem>>) target(%dma_start3A_1729 : memref<50x32xf32, #tpu.memory_space<hbm>>) target_semaphore(%arg11 : memref<!tpu.dma_semaphore, #tpu.memory_space<semaphore_mem>>)
      %mul3A_1737 = arith.constant 2 : i32
      %mul3A_1738 = arith.muli %add3A_84, %mul3A_1737 : i32
      %add3A_1739 = arith.constant 1 : i32
      %add3A_1740 = arith.addi %mul3A_1738, %add3A_1739 : i32
      %mul3A_1741 = arith.constant 16 : i32
      %mul3A_1742 = arith.muli %add3A_1740, %mul3A_1741 : i32
      %add3A_1743 = arith.addi %mul3A_2, %mul3A_1742 : i32
      %add3A_1744 = arith.constant 1 : i32
      %add3A_1745 = arith.addi %add3A_1743, %add3A_1744 : i32
      %dma_start3A_1746 = arith.constant 1 : i32
      %dma_start3A_1747 = arith.constant 0 : i32
      %dma_start3A_1748 = arith.constant 0 : i32
      %dma_start3A_1749 = tpu.memref_slice %arg7[%dma_start3A_1746, %dma_start3A_1747, %dma_start3A_1748] : memref<2x800x32xf32, #tpu.memory_space<vmem>> -> memref<1x800x32xf32, #tpu.memory_space<vmem>>
      %dma_start3A_1750 = tpu.memref_squeeze %dma_start3A_1749 : memref<1x800x32xf32, #tpu.memory_space<vmem>> -> memref<800x32xf32, #tpu.memory_space<vmem>>
      %dma_start3A_1751 = arith.constant 50 : i32
      %dma_start3A_1752 = arith.constant 0 : i32
      %dma_start3A_1753 = tpu.memref_slice %dma_start3A_1750[%dma_start3A_1751, %dma_start3A_1752] : memref<800x32xf32, #tpu.memory_space<vmem>> -> memref<50x32xf32, #tpu.memory_space<vmem>>
      %dma_start3A_1754 = arith.constant 0 : i32
      %dma_start3A_1755 = arith.constant 0 : i32
      %dma_start3A_1756 = tpu.memref_slice %arg4[%add3A_1745, %dma_start3A_1754, %dma_start3A_1755] : memref<16384x50x32xf32, #tpu.memory_space<hbm>> -> memref<1x50x32xf32, #tpu.memory_space<hbm>>
      %dma_start3A_1757 = tpu.memref_squeeze %dma_start3A_1756 : memref<1x50x32xf32, #tpu.memory_space<hbm>> -> memref<50x32xf32, #tpu.memory_space<hbm>>
      %dma_start3A_1758 = arith.constant 0 : i32
      %dma_start3A_1759 = arith.constant 0 : i32
      %dma_start3A_1760 = tpu.memref_slice %arg4[%add3A_1745, %dma_start3A_1758, %dma_start3A_1759] : memref<16384x50x32xf32, #tpu.memory_space<hbm>> -> memref<1x50x32xf32, #tpu.memory_space<hbm>>
      %dma_start3A_1761 = tpu.memref_squeeze %dma_start3A_1760 : memref<1x50x32xf32, #tpu.memory_space<hbm>> -> memref<50x32xf32, #tpu.memory_space<hbm>>
      %dma_start3A_1762 = arith.constant 0 : i32
      %dma_start3A_1763 = arith.constant 0 : i32
      %dma_start3A_1764 = tpu.memref_slice %arg7[%dma_start3A_1746, %dma_start3A_1762, %dma_start3A_1763] : memref<2x800x32xf32, #tpu.memory_space<vmem>> -> memref<1x800x32xf32, #tpu.memory_space<vmem>>
      %dma_start3A_1765 = tpu.memref_squeeze %dma_start3A_1764 : memref<1x800x32xf32, #tpu.memory_space<vmem>> -> memref<800x32xf32, #tpu.memory_space<vmem>>
      %dma_start3A_1766 = arith.constant 50 : i32
      %dma_start3A_1767 = arith.constant 0 : i32
      %dma_start3A_1768 = tpu.memref_slice %dma_start3A_1765[%dma_start3A_1766, %dma_start3A_1767] : memref<800x32xf32, #tpu.memory_space<vmem>> -> memref<50x32xf32, #tpu.memory_space<vmem>>
      tpu.enqueue_dma source(%dma_start3A_1768 : memref<50x32xf32, #tpu.memory_space<vmem>>) target(%dma_start3A_1761 : memref<50x32xf32, #tpu.memory_space<hbm>>) target_semaphore(%arg11 : memref<!tpu.dma_semaphore, #tpu.memory_space<semaphore_mem>>)
      %mul3A_1769 = arith.constant 2 : i32
      %mul3A_1770 = arith.muli %add3A_84, %mul3A_1769 : i32
      %add3A_1771 = arith.constant 1 : i32
      %add3A_1772 = arith.addi %mul3A_1770, %add3A_1771 : i32
      %mul3A_1773 = arith.constant 16 : i32
      %mul3A_1774 = arith.muli %add3A_1772, %mul3A_1773 : i32
      %add3A_1775 = arith.addi %mul3A_2, %mul3A_1774 : i32
      %add3A_1776 = arith.constant 2 : i32
      %add3A_1777 = arith.addi %add3A_1775, %add3A_1776 : i32
      %dma_start3A_1778 = arith.constant 1 : i32
      %dma_start3A_1779 = arith.constant 0 : i32
      %dma_start3A_1780 = arith.constant 0 : i32
      %dma_start3A_1781 = tpu.memref_slice %arg7[%dma_start3A_1778, %dma_start3A_1779, %dma_start3A_1780] : memref<2x800x32xf32, #tpu.memory_space<vmem>> -> memref<1x800x32xf32, #tpu.memory_space<vmem>>
      %dma_start3A_1782 = tpu.memref_squeeze %dma_start3A_1781 : memref<1x800x32xf32, #tpu.memory_space<vmem>> -> memref<800x32xf32, #tpu.memory_space<vmem>>
      %dma_start3A_1783 = arith.constant 100 : i32
      %dma_start3A_1784 = arith.constant 0 : i32
      %dma_start3A_1785 = tpu.memref_slice %dma_start3A_1782[%dma_start3A_1783, %dma_start3A_1784] : memref<800x32xf32, #tpu.memory_space<vmem>> -> memref<50x32xf32, #tpu.memory_space<vmem>>
      %dma_start3A_1786 = arith.constant 0 : i32
      %dma_start3A_1787 = arith.constant 0 : i32
      %dma_start3A_1788 = tpu.memref_slice %arg4[%add3A_1777, %dma_start3A_1786, %dma_start3A_1787] : memref<16384x50x32xf32, #tpu.memory_space<hbm>> -> memref<1x50x32xf32, #tpu.memory_space<hbm>>
      %dma_start3A_1789 = tpu.memref_squeeze %dma_start3A_1788 : memref<1x50x32xf32, #tpu.memory_space<hbm>> -> memref<50x32xf32, #tpu.memory_space<hbm>>
      %dma_start3A_1790 = arith.constant 0 : i32
      %dma_start3A_1791 = arith.constant 0 : i32
      %dma_start3A_1792 = tpu.memref_slice %arg4[%add3A_1777, %dma_start3A_1790, %dma_start3A_1791] : memref<16384x50x32xf32, #tpu.memory_space<hbm>> -> memref<1x50x32xf32, #tpu.memory_space<hbm>>
      %dma_start3A_1793 = tpu.memref_squeeze %dma_start3A_1792 : memref<1x50x32xf32, #tpu.memory_space<hbm>> -> memref<50x32xf32, #tpu.memory_space<hbm>>
      %dma_start3A_1794 = arith.constant 0 : i32
      %dma_start3A_1795 = arith.constant 0 : i32
      %dma_start3A_1796 = tpu.memref_slice %arg7[%dma_start3A_1778, %dma_start3A_1794, %dma_start3A_1795] : memref<2x800x32xf32, #tpu.memory_space<vmem>> -> memref<1x800x32xf32, #tpu.memory_space<vmem>>
      %dma_start3A_1797 = tpu.memref_squeeze %dma_start3A_1796 : memref<1x800x32xf32, #tpu.memory_space<vmem>> -> memref<800x32xf32, #tpu.memory_space<vmem>>
      %dma_start3A_1798 = arith.constant 100 : i32
      %dma_start3A_1799 = arith.constant 0 : i32
      %dma_start3A_1800 = tpu.memref_slice %dma_start3A_1797[%dma_start3A_1798, %dma_start3A_1799] : memref<800x32xf32, #tpu.memory_space<vmem>> -> memref<50x32xf32, #tpu.memory_space<vmem>>
      tpu.enqueue_dma source(%dma_start3A_1800 : memref<50x32xf32, #tpu.memory_space<vmem>>) target(%dma_start3A_1793 : memref<50x32xf32, #tpu.memory_space<hbm>>) target_semaphore(%arg11 : memref<!tpu.dma_semaphore, #tpu.memory_space<semaphore_mem>>)
      %mul3A_1801 = arith.constant 2 : i32
      %mul3A_1802 = arith.muli %add3A_84, %mul3A_1801 : i32
      %add3A_1803 = arith.constant 1 : i32
      %add3A_1804 = arith.addi %mul3A_1802, %add3A_1803 : i32
      %mul3A_1805 = arith.constant 16 : i32
      %mul3A_1806 = arith.muli %add3A_1804, %mul3A_1805 : i32
      %add3A_1807 = arith.addi %mul3A_2, %mul3A_1806 : i32
      %add3A_1808 = arith.constant 3 : i32
      %add3A_1809 = arith.addi %add3A_1807, %add3A_1808 : i32
      %dma_start3A_1810 = arith.constant 1 : i32
      %dma_start3A_1811 = arith.constant 0 : i32
      %dma_start3A_1812 = arith.constant 0 : i32
      %dma_start3A_1813 = tpu.memref_slice %arg7[%dma_start3A_1810, %dma_start3A_1811, %dma_start3A_1812] : memref<2x800x32xf32, #tpu.memory_space<vmem>> -> memref<1x800x32xf32, #tpu.memory_space<vmem>>
      %dma_start3A_1814 = tpu.memref_squeeze %dma_start3A_1813 : memref<1x800x32xf32, #tpu.memory_space<vmem>> -> memref<800x32xf32, #tpu.memory_space<vmem>>
      %dma_start3A_1815 = arith.constant 150 : i32
      %dma_start3A_1816 = arith.constant 0 : i32
      %dma_start3A_1817 = tpu.memref_slice %dma_start3A_1814[%dma_start3A_1815, %dma_start3A_1816] : memref<800x32xf32, #tpu.memory_space<vmem>> -> memref<50x32xf32, #tpu.memory_space<vmem>>
      %dma_start3A_1818 = arith.constant 0 : i32
      %dma_start3A_1819 = arith.constant 0 : i32
      %dma_start3A_1820 = tpu.memref_slice %arg4[%add3A_1809, %dma_start3A_1818, %dma_start3A_1819] : memref<16384x50x32xf32, #tpu.memory_space<hbm>> -> memref<1x50x32xf32, #tpu.memory_space<hbm>>
      %dma_start3A_1821 = tpu.memref_squeeze %dma_start3A_1820 : memref<1x50x32xf32, #tpu.memory_space<hbm>> -> memref<50x32xf32, #tpu.memory_space<hbm>>
      %dma_start3A_1822 = arith.constant 0 : i32
      %dma_start3A_1823 = arith.constant 0 : i32
      %dma_start3A_1824 = tpu.memref_slice %arg4[%add3A_1809, %dma_start3A_1822, %dma_start3A_1823] : memref<16384x50x32xf32, #tpu.memory_space<hbm>> -> memref<1x50x32xf32, #tpu.memory_space<hbm>>
      %dma_start3A_1825 = tpu.memref_squeeze %dma_start3A_1824 : memref<1x50x32xf32, #tpu.memory_space<hbm>> -> memref<50x32xf32, #tpu.memory_space<hbm>>
      %dma_start3A_1826 = arith.constant 0 : i32
      %dma_start3A_1827 = arith.constant 0 : i32
      %dma_start3A_1828 = tpu.memref_slice %arg7[%dma_start3A_1810, %dma_start3A_1826, %dma_start3A_1827] : memref<2x800x32xf32, #tpu.memory_space<vmem>> -> memref<1x800x32xf32, #tpu.memory_space<vmem>>
      %dma_start3A_1829 = tpu.memref_squeeze %dma_start3A_1828 : memref<1x800x32xf32, #tpu.memory_space<vmem>> -> memref<800x32xf32, #tpu.memory_space<vmem>>
      %dma_start3A_1830 = arith.constant 150 : i32
      %dma_start3A_1831 = arith.constant 0 : i32
      %dma_start3A_1832 = tpu.memref_slice %dma_start3A_1829[%dma_start3A_1830, %dma_start3A_1831] : memref<800x32xf32, #tpu.memory_space<vmem>> -> memref<50x32xf32, #tpu.memory_space<vmem>>
      tpu.enqueue_dma source(%dma_start3A_1832 : memref<50x32xf32, #tpu.memory_space<vmem>>) target(%dma_start3A_1825 : memref<50x32xf32, #tpu.memory_space<hbm>>) target_semaphore(%arg11 : memref<!tpu.dma_semaphore, #tpu.memory_space<semaphore_mem>>)
      %mul3A_1833 = arith.constant 2 : i32
      %mul3A_1834 = arith.muli %add3A_84, %mul3A_1833 : i32
      %add3A_1835 = arith.constant 1 : i32
      %add3A_1836 = arith.addi %mul3A_1834, %add3A_1835 : i32
      %mul3A_1837 = arith.constant 16 : i32
      %mul3A_1838 = arith.muli %add3A_1836, %mul3A_1837 : i32
      %add3A_1839 = arith.addi %mul3A_2, %mul3A_1838 : i32
      %add3A_1840 = arith.constant 4 : i32
      %add3A_1841 = arith.addi %add3A_1839, %add3A_1840 : i32
      %dma_start3A_1842 = arith.constant 1 : i32
      %dma_start3A_1843 = arith.constant 0 : i32
      %dma_start3A_1844 = arith.constant 0 : i32
      %dma_start3A_1845 = tpu.memref_slice %arg7[%dma_start3A_1842, %dma_start3A_1843, %dma_start3A_1844] : memref<2x800x32xf32, #tpu.memory_space<vmem>> -> memref<1x800x32xf32, #tpu.memory_space<vmem>>
      %dma_start3A_1846 = tpu.memref_squeeze %dma_start3A_1845 : memref<1x800x32xf32, #tpu.memory_space<vmem>> -> memref<800x32xf32, #tpu.memory_space<vmem>>
      %dma_start3A_1847 = arith.constant 200 : i32
      %dma_start3A_1848 = arith.constant 0 : i32
      %dma_start3A_1849 = tpu.memref_slice %dma_start3A_1846[%dma_start3A_1847, %dma_start3A_1848] : memref<800x32xf32, #tpu.memory_space<vmem>> -> memref<50x32xf32, #tpu.memory_space<vmem>>
      %dma_start3A_1850 = arith.constant 0 : i32
      %dma_start3A_1851 = arith.constant 0 : i32
      %dma_start3A_1852 = tpu.memref_slice %arg4[%add3A_1841, %dma_start3A_1850, %dma_start3A_1851] : memref<16384x50x32xf32, #tpu.memory_space<hbm>> -> memref<1x50x32xf32, #tpu.memory_space<hbm>>
      %dma_start3A_1853 = tpu.memref_squeeze %dma_start3A_1852 : memref<1x50x32xf32, #tpu.memory_space<hbm>> -> memref<50x32xf32, #tpu.memory_space<hbm>>
      %dma_start3A_1854 = arith.constant 0 : i32
      %dma_start3A_1855 = arith.constant 0 : i32
      %dma_start3A_1856 = tpu.memref_slice %arg4[%add3A_1841, %dma_start3A_1854, %dma_start3A_1855] : memref<16384x50x32xf32, #tpu.memory_space<hbm>> -> memref<1x50x32xf32, #tpu.memory_space<hbm>>
      %dma_start3A_1857 = tpu.memref_squeeze %dma_start3A_1856 : memref<1x50x32xf32, #tpu.memory_space<hbm>> -> memref<50x32xf32, #tpu.memory_space<hbm>>
      %dma_start3A_1858 = arith.constant 0 : i32
      %dma_start3A_1859 = arith.constant 0 : i32
      %dma_start3A_1860 = tpu.memref_slice %arg7[%dma_start3A_1842, %dma_start3A_1858, %dma_start3A_1859] : memref<2x800x32xf32, #tpu.memory_space<vmem>> -> memref<1x800x32xf32, #tpu.memory_space<vmem>>
      %dma_start3A_1861 = tpu.memref_squeeze %dma_start3A_1860 : memref<1x800x32xf32, #tpu.memory_space<vmem>> -> memref<800x32xf32, #tpu.memory_space<vmem>>
      %dma_start3A_1862 = arith.constant 200 : i32
      %dma_start3A_1863 = arith.constant 0 : i32
      %dma_start3A_1864 = tpu.memref_slice %dma_start3A_1861[%dma_start3A_1862, %dma_start3A_1863] : memref<800x32xf32, #tpu.memory_space<vmem>> -> memref<50x32xf32, #tpu.memory_space<vmem>>
      tpu.enqueue_dma source(%dma_start3A_1864 : memref<50x32xf32, #tpu.memory_space<vmem>>) target(%dma_start3A_1857 : memref<50x32xf32, #tpu.memory_space<hbm>>) target_semaphore(%arg11 : memref<!tpu.dma_semaphore, #tpu.memory_space<semaphore_mem>>)
      %mul3A_1865 = arith.constant 2 : i32
      %mul3A_1866 = arith.muli %add3A_84, %mul3A_1865 : i32
      %add3A_1867 = arith.constant 1 : i32
      %add3A_1868 = arith.addi %mul3A_1866, %add3A_1867 : i32
      %mul3A_1869 = arith.constant 16 : i32
      %mul3A_1870 = arith.muli %add3A_1868, %mul3A_1869 : i32
      %add3A_1871 = arith.addi %mul3A_2, %mul3A_1870 : i32
      %add3A_1872 = arith.constant 5 : i32
      %add3A_1873 = arith.addi %add3A_1871, %add3A_1872 : i32
      %dma_start3A_1874 = arith.constant 1 : i32
      %dma_start3A_1875 = arith.constant 0 : i32
      %dma_start3A_1876 = arith.constant 0 : i32
      %dma_start3A_1877 = tpu.memref_slice %arg7[%dma_start3A_1874, %dma_start3A_1875, %dma_start3A_1876] : memref<2x800x32xf32, #tpu.memory_space<vmem>> -> memref<1x800x32xf32, #tpu.memory_space<vmem>>
      %dma_start3A_1878 = tpu.memref_squeeze %dma_start3A_1877 : memref<1x800x32xf32, #tpu.memory_space<vmem>> -> memref<800x32xf32, #tpu.memory_space<vmem>>
      %dma_start3A_1879 = arith.constant 250 : i32
      %dma_start3A_1880 = arith.constant 0 : i32
      %dma_start3A_1881 = tpu.memref_slice %dma_start3A_1878[%dma_start3A_1879, %dma_start3A_1880] : memref<800x32xf32, #tpu.memory_space<vmem>> -> memref<50x32xf32, #tpu.memory_space<vmem>>
      %dma_start3A_1882 = arith.constant 0 : i32
      %dma_start3A_1883 = arith.constant 0 : i32
      %dma_start3A_1884 = tpu.memref_slice %arg4[%add3A_1873, %dma_start3A_1882, %dma_start3A_1883] : memref<16384x50x32xf32, #tpu.memory_space<hbm>> -> memref<1x50x32xf32, #tpu.memory_space<hbm>>
      %dma_start3A_1885 = tpu.memref_squeeze %dma_start3A_1884 : memref<1x50x32xf32, #tpu.memory_space<hbm>> -> memref<50x32xf32, #tpu.memory_space<hbm>>
      %dma_start3A_1886 = arith.constant 0 : i32
      %dma_start3A_1887 = arith.constant 0 : i32
      %dma_start3A_1888 = tpu.memref_slice %arg4[%add3A_1873, %dma_start3A_1886, %dma_start3A_1887] : memref<16384x50x32xf32, #tpu.memory_space<hbm>> -> memref<1x50x32xf32, #tpu.memory_space<hbm>>
      %dma_start3A_1889 = tpu.memref_squeeze %dma_start3A_1888 : memref<1x50x32xf32, #tpu.memory_space<hbm>> -> memref<50x32xf32, #tpu.memory_space<hbm>>
      %dma_start3A_1890 = arith.constant 0 : i32
      %dma_start3A_1891 = arith.constant 0 : i32
      %dma_start3A_1892 = tpu.memref_slice %arg7[%dma_start3A_1874, %dma_start3A_1890, %dma_start3A_1891] : memref<2x800x32xf32, #tpu.memory_space<vmem>> -> memref<1x800x32xf32, #tpu.memory_space<vmem>>
      %dma_start3A_1893 = tpu.memref_squeeze %dma_start3A_1892 : memref<1x800x32xf32, #tpu.memory_space<vmem>> -> memref<800x32xf32, #tpu.memory_space<vmem>>
      %dma_start3A_1894 = arith.constant 250 : i32
      %dma_start3A_1895 = arith.constant 0 : i32
      %dma_start3A_1896 = tpu.memref_slice %dma_start3A_1893[%dma_start3A_1894, %dma_start3A_1895] : memref<800x32xf32, #tpu.memory_space<vmem>> -> memref<50x32xf32, #tpu.memory_space<vmem>>
      tpu.enqueue_dma source(%dma_start3A_1896 : memref<50x32xf32, #tpu.memory_space<vmem>>) target(%dma_start3A_1889 : memref<50x32xf32, #tpu.memory_space<hbm>>) target_semaphore(%arg11 : memref<!tpu.dma_semaphore, #tpu.memory_space<semaphore_mem>>)
      %mul3A_1897 = arith.constant 2 : i32
      %mul3A_1898 = arith.muli %add3A_84, %mul3A_1897 : i32
      %add3A_1899 = arith.constant 1 : i32
      %add3A_1900 = arith.addi %mul3A_1898, %add3A_1899 : i32
      %mul3A_1901 = arith.constant 16 : i32
      %mul3A_1902 = arith.muli %add3A_1900, %mul3A_1901 : i32
      %add3A_1903 = arith.addi %mul3A_2, %mul3A_1902 : i32
      %add3A_1904 = arith.constant 6 : i32
      %add3A_1905 = arith.addi %add3A_1903, %add3A_1904 : i32
      %dma_start3A_1906 = arith.constant 1 : i32
      %dma_start3A_1907 = arith.constant 0 : i32
      %dma_start3A_1908 = arith.constant 0 : i32
      %dma_start3A_1909 = tpu.memref_slice %arg7[%dma_start3A_1906, %dma_start3A_1907, %dma_start3A_1908] : memref<2x800x32xf32, #tpu.memory_space<vmem>> -> memref<1x800x32xf32, #tpu.memory_space<vmem>>
      %dma_start3A_1910 = tpu.memref_squeeze %dma_start3A_1909 : memref<1x800x32xf32, #tpu.memory_space<vmem>> -> memref<800x32xf32, #tpu.memory_space<vmem>>
      %dma_start3A_1911 = arith.constant 300 : i32
      %dma_start3A_1912 = arith.constant 0 : i32
      %dma_start3A_1913 = tpu.memref_slice %dma_start3A_1910[%dma_start3A_1911, %dma_start3A_1912] : memref<800x32xf32, #tpu.memory_space<vmem>> -> memref<50x32xf32, #tpu.memory_space<vmem>>
      %dma_start3A_1914 = arith.constant 0 : i32
      %dma_start3A_1915 = arith.constant 0 : i32
      %dma_start3A_1916 = tpu.memref_slice %arg4[%add3A_1905, %dma_start3A_1914, %dma_start3A_1915] : memref<16384x50x32xf32, #tpu.memory_space<hbm>> -> memref<1x50x32xf32, #tpu.memory_space<hbm>>
      %dma_start3A_1917 = tpu.memref_squeeze %dma_start3A_1916 : memref<1x50x32xf32, #tpu.memory_space<hbm>> -> memref<50x32xf32, #tpu.memory_space<hbm>>
      %dma_start3A_1918 = arith.constant 0 : i32
      %dma_start3A_1919 = arith.constant 0 : i32
      %dma_start3A_1920 = tpu.memref_slice %arg4[%add3A_1905, %dma_start3A_1918, %dma_start3A_1919] : memref<16384x50x32xf32, #tpu.memory_space<hbm>> -> memref<1x50x32xf32, #tpu.memory_space<hbm>>
      %dma_start3A_1921 = tpu.memref_squeeze %dma_start3A_1920 : memref<1x50x32xf32, #tpu.memory_space<hbm>> -> memref<50x32xf32, #tpu.memory_space<hbm>>
      %dma_start3A_1922 = arith.constant 0 : i32
      %dma_start3A_1923 = arith.constant 0 : i32
      %dma_start3A_1924 = tpu.memref_slice %arg7[%dma_start3A_1906, %dma_start3A_1922, %dma_start3A_1923] : memref<2x800x32xf32, #tpu.memory_space<vmem>> -> memref<1x800x32xf32, #tpu.memory_space<vmem>>
      %dma_start3A_1925 = tpu.memref_squeeze %dma_start3A_1924 : memref<1x800x32xf32, #tpu.memory_space<vmem>> -> memref<800x32xf32, #tpu.memory_space<vmem>>
      %dma_start3A_1926 = arith.constant 300 : i32
      %dma_start3A_1927 = arith.constant 0 : i32
      %dma_start3A_1928 = tpu.memref_slice %dma_start3A_1925[%dma_start3A_1926, %dma_start3A_1927] : memref<800x32xf32, #tpu.memory_space<vmem>> -> memref<50x32xf32, #tpu.memory_space<vmem>>
      tpu.enqueue_dma source(%dma_start3A_1928 : memref<50x32xf32, #tpu.memory_space<vmem>>) target(%dma_start3A_1921 : memref<50x32xf32, #tpu.memory_space<hbm>>) target_semaphore(%arg11 : memref<!tpu.dma_semaphore, #tpu.memory_space<semaphore_mem>>)
      %mul3A_1929 = arith.constant 2 : i32
      %mul3A_1930 = arith.muli %add3A_84, %mul3A_1929 : i32
      %add3A_1931 = arith.constant 1 : i32
      %add3A_1932 = arith.addi %mul3A_1930, %add3A_1931 : i32
      %mul3A_1933 = arith.constant 16 : i32
      %mul3A_1934 = arith.muli %add3A_1932, %mul3A_1933 : i32
      %add3A_1935 = arith.addi %mul3A_2, %mul3A_1934 : i32
      %add3A_1936 = arith.constant 7 : i32
      %add3A_1937 = arith.addi %add3A_1935, %add3A_1936 : i32
      %dma_start3A_1938 = arith.constant 1 : i32
      %dma_start3A_1939 = arith.constant 0 : i32
      %dma_start3A_1940 = arith.constant 0 : i32
      %dma_start3A_1941 = tpu.memref_slice %arg7[%dma_start3A_1938, %dma_start3A_1939, %dma_start3A_1940] : memref<2x800x32xf32, #tpu.memory_space<vmem>> -> memref<1x800x32xf32, #tpu.memory_space<vmem>>
      %dma_start3A_1942 = tpu.memref_squeeze %dma_start3A_1941 : memref<1x800x32xf32, #tpu.memory_space<vmem>> -> memref<800x32xf32, #tpu.memory_space<vmem>>
      %dma_start3A_1943 = arith.constant 350 : i32
      %dma_start3A_1944 = arith.constant 0 : i32
      %dma_start3A_1945 = tpu.memref_slice %dma_start3A_1942[%dma_start3A_1943, %dma_start3A_1944] : memref<800x32xf32, #tpu.memory_space<vmem>> -> memref<50x32xf32, #tpu.memory_space<vmem>>
      %dma_start3A_1946 = arith.constant 0 : i32
      %dma_start3A_1947 = arith.constant 0 : i32
      %dma_start3A_1948 = tpu.memref_slice %arg4[%add3A_1937, %dma_start3A_1946, %dma_start3A_1947] : memref<16384x50x32xf32, #tpu.memory_space<hbm>> -> memref<1x50x32xf32, #tpu.memory_space<hbm>>
      %dma_start3A_1949 = tpu.memref_squeeze %dma_start3A_1948 : memref<1x50x32xf32, #tpu.memory_space<hbm>> -> memref<50x32xf32, #tpu.memory_space<hbm>>
      %dma_start3A_1950 = arith.constant 0 : i32
      %dma_start3A_1951 = arith.constant 0 : i32
      %dma_start3A_1952 = tpu.memref_slice %arg4[%add3A_1937, %dma_start3A_1950, %dma_start3A_1951] : memref<16384x50x32xf32, #tpu.memory_space<hbm>> -> memref<1x50x32xf32, #tpu.memory_space<hbm>>
      %dma_start3A_1953 = tpu.memref_squeeze %dma_start3A_1952 : memref<1x50x32xf32, #tpu.memory_space<hbm>> -> memref<50x32xf32, #tpu.memory_space<hbm>>
      %dma_start3A_1954 = arith.constant 0 : i32
      %dma_start3A_1955 = arith.constant 0 : i32
      %dma_start3A_1956 = tpu.memref_slice %arg7[%dma_start3A_1938, %dma_start3A_1954, %dma_start3A_1955] : memref<2x800x32xf32, #tpu.memory_space<vmem>> -> memref<1x800x32xf32, #tpu.memory_space<vmem>>
      %dma_start3A_1957 = tpu.memref_squeeze %dma_start3A_1956 : memref<1x800x32xf32, #tpu.memory_space<vmem>> -> memref<800x32xf32, #tpu.memory_space<vmem>>
      %dma_start3A_1958 = arith.constant 350 : i32
      %dma_start3A_1959 = arith.constant 0 : i32
      %dma_start3A_1960 = tpu.memref_slice %dma_start3A_1957[%dma_start3A_1958, %dma_start3A_1959] : memref<800x32xf32, #tpu.memory_space<vmem>> -> memref<50x32xf32, #tpu.memory_space<vmem>>
      tpu.enqueue_dma source(%dma_start3A_1960 : memref<50x32xf32, #tpu.memory_space<vmem>>) target(%dma_start3A_1953 : memref<50x32xf32, #tpu.memory_space<hbm>>) target_semaphore(%arg11 : memref<!tpu.dma_semaphore, #tpu.memory_space<semaphore_mem>>)
      %mul3A_1961 = arith.constant 2 : i32
      %mul3A_1962 = arith.muli %add3A_84, %mul3A_1961 : i32
      %add3A_1963 = arith.constant 1 : i32
      %add3A_1964 = arith.addi %mul3A_1962, %add3A_1963 : i32
      %mul3A_1965 = arith.constant 16 : i32
      %mul3A_1966 = arith.muli %add3A_1964, %mul3A_1965 : i32
      %add3A_1967 = arith.addi %mul3A_2, %mul3A_1966 : i32
      %add3A_1968 = arith.constant 8 : i32
      %add3A_1969 = arith.addi %add3A_1967, %add3A_1968 : i32
      %dma_start3A_1970 = arith.constant 1 : i32
      %dma_start3A_1971 = arith.constant 0 : i32
      %dma_start3A_1972 = arith.constant 0 : i32
      %dma_start3A_1973 = tpu.memref_slice %arg7[%dma_start3A_1970, %dma_start3A_1971, %dma_start3A_1972] : memref<2x800x32xf32, #tpu.memory_space<vmem>> -> memref<1x800x32xf32, #tpu.memory_space<vmem>>
      %dma_start3A_1974 = tpu.memref_squeeze %dma_start3A_1973 : memref<1x800x32xf32, #tpu.memory_space<vmem>> -> memref<800x32xf32, #tpu.memory_space<vmem>>
      %dma_start3A_1975 = arith.constant 400 : i32
      %dma_start3A_1976 = arith.constant 0 : i32
      %dma_start3A_1977 = tpu.memref_slice %dma_start3A_1974[%dma_start3A_1975, %dma_start3A_1976] : memref<800x32xf32, #tpu.memory_space<vmem>> -> memref<50x32xf32, #tpu.memory_space<vmem>>
      %dma_start3A_1978 = arith.constant 0 : i32
      %dma_start3A_1979 = arith.constant 0 : i32
      %dma_start3A_1980 = tpu.memref_slice %arg4[%add3A_1969, %dma_start3A_1978, %dma_start3A_1979] : memref<16384x50x32xf32, #tpu.memory_space<hbm>> -> memref<1x50x32xf32, #tpu.memory_space<hbm>>
      %dma_start3A_1981 = tpu.memref_squeeze %dma_start3A_1980 : memref<1x50x32xf32, #tpu.memory_space<hbm>> -> memref<50x32xf32, #tpu.memory_space<hbm>>
      %dma_start3A_1982 = arith.constant 0 : i32
      %dma_start3A_1983 = arith.constant 0 : i32
      %dma_start3A_1984 = tpu.memref_slice %arg4[%add3A_1969, %dma_start3A_1982, %dma_start3A_1983] : memref<16384x50x32xf32, #tpu.memory_space<hbm>> -> memref<1x50x32xf32, #tpu.memory_space<hbm>>
      %dma_start3A_1985 = tpu.memref_squeeze %dma_start3A_1984 : memref<1x50x32xf32, #tpu.memory_space<hbm>> -> memref<50x32xf32, #tpu.memory_space<hbm>>
      %dma_start3A_1986 = arith.constant 0 : i32
      %dma_start3A_1987 = arith.constant 0 : i32
      %dma_start3A_1988 = tpu.memref_slice %arg7[%dma_start3A_1970, %dma_start3A_1986, %dma_start3A_1987] : memref<2x800x32xf32, #tpu.memory_space<vmem>> -> memref<1x800x32xf32, #tpu.memory_space<vmem>>
      %dma_start3A_1989 = tpu.memref_squeeze %dma_start3A_1988 : memref<1x800x32xf32, #tpu.memory_space<vmem>> -> memref<800x32xf32, #tpu.memory_space<vmem>>
      %dma_start3A_1990 = arith.constant 400 : i32
      %dma_start3A_1991 = arith.constant 0 : i32
      %dma_start3A_1992 = tpu.memref_slice %dma_start3A_1989[%dma_start3A_1990, %dma_start3A_1991] : memref<800x32xf32, #tpu.memory_space<vmem>> -> memref<50x32xf32, #tpu.memory_space<vmem>>
      tpu.enqueue_dma source(%dma_start3A_1992 : memref<50x32xf32, #tpu.memory_space<vmem>>) target(%dma_start3A_1985 : memref<50x32xf32, #tpu.memory_space<hbm>>) target_semaphore(%arg11 : memref<!tpu.dma_semaphore, #tpu.memory_space<semaphore_mem>>)
      %mul3A_1993 = arith.constant 2 : i32
      %mul3A_1994 = arith.muli %add3A_84, %mul3A_1993 : i32
      %add3A_1995 = arith.constant 1 : i32
      %add3A_1996 = arith.addi %mul3A_1994, %add3A_1995 : i32
      %mul3A_1997 = arith.constant 16 : i32
      %mul3A_1998 = arith.muli %add3A_1996, %mul3A_1997 : i32
      %add3A_1999 = arith.addi %mul3A_2, %mul3A_1998 : i32
      %add3A_2000 = arith.constant 9 : i32
      %add3A_2001 = arith.addi %add3A_1999, %add3A_2000 : i32
      %dma_start3A_2002 = arith.constant 1 : i32
      %dma_start3A_2003 = arith.constant 0 : i32
      %dma_start3A_2004 = arith.constant 0 : i32
      %dma_start3A_2005 = tpu.memref_slice %arg7[%dma_start3A_2002, %dma_start3A_2003, %dma_start3A_2004] : memref<2x800x32xf32, #tpu.memory_space<vmem>> -> memref<1x800x32xf32, #tpu.memory_space<vmem>>
      %dma_start3A_2006 = tpu.memref_squeeze %dma_start3A_2005 : memref<1x800x32xf32, #tpu.memory_space<vmem>> -> memref<800x32xf32, #tpu.memory_space<vmem>>
      %dma_start3A_2007 = arith.constant 450 : i32
      %dma_start3A_2008 = arith.constant 0 : i32
      %dma_start3A_2009 = tpu.memref_slice %dma_start3A_2006[%dma_start3A_2007, %dma_start3A_2008] : memref<800x32xf32, #tpu.memory_space<vmem>> -> memref<50x32xf32, #tpu.memory_space<vmem>>
      %dma_start3A_2010 = arith.constant 0 : i32
      %dma_start3A_2011 = arith.constant 0 : i32
      %dma_start3A_2012 = tpu.memref_slice %arg4[%add3A_2001, %dma_start3A_2010, %dma_start3A_2011] : memref<16384x50x32xf32, #tpu.memory_space<hbm>> -> memref<1x50x32xf32, #tpu.memory_space<hbm>>
      %dma_start3A_2013 = tpu.memref_squeeze %dma_start3A_2012 : memref<1x50x32xf32, #tpu.memory_space<hbm>> -> memref<50x32xf32, #tpu.memory_space<hbm>>
      %dma_start3A_2014 = arith.constant 0 : i32
      %dma_start3A_2015 = arith.constant 0 : i32
      %dma_start3A_2016 = tpu.memref_slice %arg4[%add3A_2001, %dma_start3A_2014, %dma_start3A_2015] : memref<16384x50x32xf32, #tpu.memory_space<hbm>> -> memref<1x50x32xf32, #tpu.memory_space<hbm>>
      %dma_start3A_2017 = tpu.memref_squeeze %dma_start3A_2016 : memref<1x50x32xf32, #tpu.memory_space<hbm>> -> memref<50x32xf32, #tpu.memory_space<hbm>>
      %dma_start3A_2018 = arith.constant 0 : i32
      %dma_start3A_2019 = arith.constant 0 : i32
      %dma_start3A_2020 = tpu.memref_slice %arg7[%dma_start3A_2002, %dma_start3A_2018, %dma_start3A_2019] : memref<2x800x32xf32, #tpu.memory_space<vmem>> -> memref<1x800x32xf32, #tpu.memory_space<vmem>>
      %dma_start3A_2021 = tpu.memref_squeeze %dma_start3A_2020 : memref<1x800x32xf32, #tpu.memory_space<vmem>> -> memref<800x32xf32, #tpu.memory_space<vmem>>
      %dma_start3A_2022 = arith.constant 450 : i32
      %dma_start3A_2023 = arith.constant 0 : i32
      %dma_start3A_2024 = tpu.memref_slice %dma_start3A_2021[%dma_start3A_2022, %dma_start3A_2023] : memref<800x32xf32, #tpu.memory_space<vmem>> -> memref<50x32xf32, #tpu.memory_space<vmem>>
      tpu.enqueue_dma source(%dma_start3A_2024 : memref<50x32xf32, #tpu.memory_space<vmem>>) target(%dma_start3A_2017 : memref<50x32xf32, #tpu.memory_space<hbm>>) target_semaphore(%arg11 : memref<!tpu.dma_semaphore, #tpu.memory_space<semaphore_mem>>)
      %mul3A_2025 = arith.constant 2 : i32
      %mul3A_2026 = arith.muli %add3A_84, %mul3A_2025 : i32
      %add3A_2027 = arith.constant 1 : i32
      %add3A_2028 = arith.addi %mul3A_2026, %add3A_2027 : i32
      %mul3A_2029 = arith.constant 16 : i32
      %mul3A_2030 = arith.muli %add3A_2028, %mul3A_2029 : i32
      %add3A_2031 = arith.addi %mul3A_2, %mul3A_2030 : i32
      %add3A_2032 = arith.constant 10 : i32
      %add3A_2033 = arith.addi %add3A_2031, %add3A_2032 : i32
      %dma_start3A_2034 = arith.constant 1 : i32
      %dma_start3A_2035 = arith.constant 0 : i32
      %dma_start3A_2036 = arith.constant 0 : i32
      %dma_start3A_2037 = tpu.memref_slice %arg7[%dma_start3A_2034, %dma_start3A_2035, %dma_start3A_2036] : memref<2x800x32xf32, #tpu.memory_space<vmem>> -> memref<1x800x32xf32, #tpu.memory_space<vmem>>
      %dma_start3A_2038 = tpu.memref_squeeze %dma_start3A_2037 : memref<1x800x32xf32, #tpu.memory_space<vmem>> -> memref<800x32xf32, #tpu.memory_space<vmem>>
      %dma_start3A_2039 = arith.constant 500 : i32
      %dma_start3A_2040 = arith.constant 0 : i32
      %dma_start3A_2041 = tpu.memref_slice %dma_start3A_2038[%dma_start3A_2039, %dma_start3A_2040] : memref<800x32xf32, #tpu.memory_space<vmem>> -> memref<50x32xf32, #tpu.memory_space<vmem>>
      %dma_start3A_2042 = arith.constant 0 : i32
      %dma_start3A_2043 = arith.constant 0 : i32
      %dma_start3A_2044 = tpu.memref_slice %arg4[%add3A_2033, %dma_start3A_2042, %dma_start3A_2043] : memref<16384x50x32xf32, #tpu.memory_space<hbm>> -> memref<1x50x32xf32, #tpu.memory_space<hbm>>
      %dma_start3A_2045 = tpu.memref_squeeze %dma_start3A_2044 : memref<1x50x32xf32, #tpu.memory_space<hbm>> -> memref<50x32xf32, #tpu.memory_space<hbm>>
      %dma_start3A_2046 = arith.constant 0 : i32
      %dma_start3A_2047 = arith.constant 0 : i32
      %dma_start3A_2048 = tpu.memref_slice %arg4[%add3A_2033, %dma_start3A_2046, %dma_start3A_2047] : memref<16384x50x32xf32, #tpu.memory_space<hbm>> -> memref<1x50x32xf32, #tpu.memory_space<hbm>>
      %dma_start3A_2049 = tpu.memref_squeeze %dma_start3A_2048 : memref<1x50x32xf32, #tpu.memory_space<hbm>> -> memref<50x32xf32, #tpu.memory_space<hbm>>
      %dma_start3A_2050 = arith.constant 0 : i32
      %dma_start3A_2051 = arith.constant 0 : i32
      %dma_start3A_2052 = tpu.memref_slice %arg7[%dma_start3A_2034, %dma_start3A_2050, %dma_start3A_2051] : memref<2x800x32xf32, #tpu.memory_space<vmem>> -> memref<1x800x32xf32, #tpu.memory_space<vmem>>
      %dma_start3A_2053 = tpu.memref_squeeze %dma_start3A_2052 : memref<1x800x32xf32, #tpu.memory_space<vmem>> -> memref<800x32xf32, #tpu.memory_space<vmem>>
      %dma_start3A_2054 = arith.constant 500 : i32
      %dma_start3A_2055 = arith.constant 0 : i32
      %dma_start3A_2056 = tpu.memref_slice %dma_start3A_2053[%dma_start3A_2054, %dma_start3A_2055] : memref<800x32xf32, #tpu.memory_space<vmem>> -> memref<50x32xf32, #tpu.memory_space<vmem>>
      tpu.enqueue_dma source(%dma_start3A_2056 : memref<50x32xf32, #tpu.memory_space<vmem>>) target(%dma_start3A_2049 : memref<50x32xf32, #tpu.memory_space<hbm>>) target_semaphore(%arg11 : memref<!tpu.dma_semaphore, #tpu.memory_space<semaphore_mem>>)
      %mul3A_2057 = arith.constant 2 : i32
      %mul3A_2058 = arith.muli %add3A_84, %mul3A_2057 : i32
      %add3A_2059 = arith.constant 1 : i32
      %add3A_2060 = arith.addi %mul3A_2058, %add3A_2059 : i32
      %mul3A_2061 = arith.constant 16 : i32
      %mul3A_2062 = arith.muli %add3A_2060, %mul3A_2061 : i32
      %add3A_2063 = arith.addi %mul3A_2, %mul3A_2062 : i32
      %add3A_2064 = arith.constant 11 : i32
      %add3A_2065 = arith.addi %add3A_2063, %add3A_2064 : i32
      %dma_start3A_2066 = arith.constant 1 : i32
      %dma_start3A_2067 = arith.constant 0 : i32
      %dma_start3A_2068 = arith.constant 0 : i32
      %dma_start3A_2069 = tpu.memref_slice %arg7[%dma_start3A_2066, %dma_start3A_2067, %dma_start3A_2068] : memref<2x800x32xf32, #tpu.memory_space<vmem>> -> memref<1x800x32xf32, #tpu.memory_space<vmem>>
      %dma_start3A_2070 = tpu.memref_squeeze %dma_start3A_2069 : memref<1x800x32xf32, #tpu.memory_space<vmem>> -> memref<800x32xf32, #tpu.memory_space<vmem>>
      %dma_start3A_2071 = arith.constant 550 : i32
      %dma_start3A_2072 = arith.constant 0 : i32
      %dma_start3A_2073 = tpu.memref_slice %dma_start3A_2070[%dma_start3A_2071, %dma_start3A_2072] : memref<800x32xf32, #tpu.memory_space<vmem>> -> memref<50x32xf32, #tpu.memory_space<vmem>>
      %dma_start3A_2074 = arith.constant 0 : i32
      %dma_start3A_2075 = arith.constant 0 : i32
      %dma_start3A_2076 = tpu.memref_slice %arg4[%add3A_2065, %dma_start3A_2074, %dma_start3A_2075] : memref<16384x50x32xf32, #tpu.memory_space<hbm>> -> memref<1x50x32xf32, #tpu.memory_space<hbm>>
      %dma_start3A_2077 = tpu.memref_squeeze %dma_start3A_2076 : memref<1x50x32xf32, #tpu.memory_space<hbm>> -> memref<50x32xf32, #tpu.memory_space<hbm>>
      %dma_start3A_2078 = arith.constant 0 : i32
      %dma_start3A_2079 = arith.constant 0 : i32
      %dma_start3A_2080 = tpu.memref_slice %arg4[%add3A_2065, %dma_start3A_2078, %dma_start3A_2079] : memref<16384x50x32xf32, #tpu.memory_space<hbm>> -> memref<1x50x32xf32, #tpu.memory_space<hbm>>
      %dma_start3A_2081 = tpu.memref_squeeze %dma_start3A_2080 : memref<1x50x32xf32, #tpu.memory_space<hbm>> -> memref<50x32xf32, #tpu.memory_space<hbm>>
      %dma_start3A_2082 = arith.constant 0 : i32
      %dma_start3A_2083 = arith.constant 0 : i32
      %dma_start3A_2084 = tpu.memref_slice %arg7[%dma_start3A_2066, %dma_start3A_2082, %dma_start3A_2083] : memref<2x800x32xf32, #tpu.memory_space<vmem>> -> memref<1x800x32xf32, #tpu.memory_space<vmem>>
      %dma_start3A_2085 = tpu.memref_squeeze %dma_start3A_2084 : memref<1x800x32xf32, #tpu.memory_space<vmem>> -> memref<800x32xf32, #tpu.memory_space<vmem>>
      %dma_start3A_2086 = arith.constant 550 : i32
      %dma_start3A_2087 = arith.constant 0 : i32
      %dma_start3A_2088 = tpu.memref_slice %dma_start3A_2085[%dma_start3A_2086, %dma_start3A_2087] : memref<800x32xf32, #tpu.memory_space<vmem>> -> memref<50x32xf32, #tpu.memory_space<vmem>>
      tpu.enqueue_dma source(%dma_start3A_2088 : memref<50x32xf32, #tpu.memory_space<vmem>>) target(%dma_start3A_2081 : memref<50x32xf32, #tpu.memory_space<hbm>>) target_semaphore(%arg11 : memref<!tpu.dma_semaphore, #tpu.memory_space<semaphore_mem>>)
      %mul3A_2089 = arith.constant 2 : i32
      %mul3A_2090 = arith.muli %add3A_84, %mul3A_2089 : i32
      %add3A_2091 = arith.constant 1 : i32
      %add3A_2092 = arith.addi %mul3A_2090, %add3A_2091 : i32
      %mul3A_2093 = arith.constant 16 : i32
      %mul3A_2094 = arith.muli %add3A_2092, %mul3A_2093 : i32
      %add3A_2095 = arith.addi %mul3A_2, %mul3A_2094 : i32
      %add3A_2096 = arith.constant 12 : i32
      %add3A_2097 = arith.addi %add3A_2095, %add3A_2096 : i32
      %dma_start3A_2098 = arith.constant 1 : i32
      %dma_start3A_2099 = arith.constant 0 : i32
      %dma_start3A_2100 = arith.constant 0 : i32
      %dma_start3A_2101 = tpu.memref_slice %arg7[%dma_start3A_2098, %dma_start3A_2099, %dma_start3A_2100] : memref<2x800x32xf32, #tpu.memory_space<vmem>> -> memref<1x800x32xf32, #tpu.memory_space<vmem>>
      %dma_start3A_2102 = tpu.memref_squeeze %dma_start3A_2101 : memref<1x800x32xf32, #tpu.memory_space<vmem>> -> memref<800x32xf32, #tpu.memory_space<vmem>>
      %dma_start3A_2103 = arith.constant 600 : i32
      %dma_start3A_2104 = arith.constant 0 : i32
      %dma_start3A_2105 = tpu.memref_slice %dma_start3A_2102[%dma_start3A_2103, %dma_start3A_2104] : memref<800x32xf32, #tpu.memory_space<vmem>> -> memref<50x32xf32, #tpu.memory_space<vmem>>
      %dma_start3A_2106 = arith.constant 0 : i32
      %dma_start3A_2107 = arith.constant 0 : i32
      %dma_start3A_2108 = tpu.memref_slice %arg4[%add3A_2097, %dma_start3A_2106, %dma_start3A_2107] : memref<16384x50x32xf32, #tpu.memory_space<hbm>> -> memref<1x50x32xf32, #tpu.memory_space<hbm>>
      %dma_start3A_2109 = tpu.memref_squeeze %dma_start3A_2108 : memref<1x50x32xf32, #tpu.memory_space<hbm>> -> memref<50x32xf32, #tpu.memory_space<hbm>>
      %dma_start3A_2110 = arith.constant 0 : i32
      %dma_start3A_2111 = arith.constant 0 : i32
      %dma_start3A_2112 = tpu.memref_slice %arg4[%add3A_2097, %dma_start3A_2110, %dma_start3A_2111] : memref<16384x50x32xf32, #tpu.memory_space<hbm>> -> memref<1x50x32xf32, #tpu.memory_space<hbm>>
      %dma_start3A_2113 = tpu.memref_squeeze %dma_start3A_2112 : memref<1x50x32xf32, #tpu.memory_space<hbm>> -> memref<50x32xf32, #tpu.memory_space<hbm>>
      %dma_start3A_2114 = arith.constant 0 : i32
      %dma_start3A_2115 = arith.constant 0 : i32
      %dma_start3A_2116 = tpu.memref_slice %arg7[%dma_start3A_2098, %dma_start3A_2114, %dma_start3A_2115] : memref<2x800x32xf32, #tpu.memory_space<vmem>> -> memref<1x800x32xf32, #tpu.memory_space<vmem>>
      %dma_start3A_2117 = tpu.memref_squeeze %dma_start3A_2116 : memref<1x800x32xf32, #tpu.memory_space<vmem>> -> memref<800x32xf32, #tpu.memory_space<vmem>>
      %dma_start3A_2118 = arith.constant 600 : i32
      %dma_start3A_2119 = arith.constant 0 : i32
      %dma_start3A_2120 = tpu.memref_slice %dma_start3A_2117[%dma_start3A_2118, %dma_start3A_2119] : memref<800x32xf32, #tpu.memory_space<vmem>> -> memref<50x32xf32, #tpu.memory_space<vmem>>
      tpu.enqueue_dma source(%dma_start3A_2120 : memref<50x32xf32, #tpu.memory_space<vmem>>) target(%dma_start3A_2113 : memref<50x32xf32, #tpu.memory_space<hbm>>) target_semaphore(%arg11 : memref<!tpu.dma_semaphore, #tpu.memory_space<semaphore_mem>>)
      %mul3A_2121 = arith.constant 2 : i32
      %mul3A_2122 = arith.muli %add3A_84, %mul3A_2121 : i32
      %add3A_2123 = arith.constant 1 : i32
      %add3A_2124 = arith.addi %mul3A_2122, %add3A_2123 : i32
      %mul3A_2125 = arith.constant 16 : i32
      %mul3A_2126 = arith.muli %add3A_2124, %mul3A_2125 : i32
      %add3A_2127 = arith.addi %mul3A_2, %mul3A_2126 : i32
      %add3A_2128 = arith.constant 13 : i32
      %add3A_2129 = arith.addi %add3A_2127, %add3A_2128 : i32
      %dma_start3A_2130 = arith.constant 1 : i32
      %dma_start3A_2131 = arith.constant 0 : i32
      %dma_start3A_2132 = arith.constant 0 : i32
      %dma_start3A_2133 = tpu.memref_slice %arg7[%dma_start3A_2130, %dma_start3A_2131, %dma_start3A_2132] : memref<2x800x32xf32, #tpu.memory_space<vmem>> -> memref<1x800x32xf32, #tpu.memory_space<vmem>>
      %dma_start3A_2134 = tpu.memref_squeeze %dma_start3A_2133 : memref<1x800x32xf32, #tpu.memory_space<vmem>> -> memref<800x32xf32, #tpu.memory_space<vmem>>
      %dma_start3A_2135 = arith.constant 650 : i32
      %dma_start3A_2136 = arith.constant 0 : i32
      %dma_start3A_2137 = tpu.memref_slice %dma_start3A_2134[%dma_start3A_2135, %dma_start3A_2136] : memref<800x32xf32, #tpu.memory_space<vmem>> -> memref<50x32xf32, #tpu.memory_space<vmem>>
      %dma_start3A_2138 = arith.constant 0 : i32
      %dma_start3A_2139 = arith.constant 0 : i32
      %dma_start3A_2140 = tpu.memref_slice %arg4[%add3A_2129, %dma_start3A_2138, %dma_start3A_2139] : memref<16384x50x32xf32, #tpu.memory_space<hbm>> -> memref<1x50x32xf32, #tpu.memory_space<hbm>>
      %dma_start3A_2141 = tpu.memref_squeeze %dma_start3A_2140 : memref<1x50x32xf32, #tpu.memory_space<hbm>> -> memref<50x32xf32, #tpu.memory_space<hbm>>
      %dma_start3A_2142 = arith.constant 0 : i32
      %dma_start3A_2143 = arith.constant 0 : i32
      %dma_start3A_2144 = tpu.memref_slice %arg4[%add3A_2129, %dma_start3A_2142, %dma_start3A_2143] : memref<16384x50x32xf32, #tpu.memory_space<hbm>> -> memref<1x50x32xf32, #tpu.memory_space<hbm>>
      %dma_start3A_2145 = tpu.memref_squeeze %dma_start3A_2144 : memref<1x50x32xf32, #tpu.memory_space<hbm>> -> memref<50x32xf32, #tpu.memory_space<hbm>>
      %dma_start3A_2146 = arith.constant 0 : i32
      %dma_start3A_2147 = arith.constant 0 : i32
      %dma_start3A_2148 = tpu.memref_slice %arg7[%dma_start3A_2130, %dma_start3A_2146, %dma_start3A_2147] : memref<2x800x32xf32, #tpu.memory_space<vmem>> -> memref<1x800x32xf32, #tpu.memory_space<vmem>>
      %dma_start3A_2149 = tpu.memref_squeeze %dma_start3A_2148 : memref<1x800x32xf32, #tpu.memory_space<vmem>> -> memref<800x32xf32, #tpu.memory_space<vmem>>
      %dma_start3A_2150 = arith.constant 650 : i32
      %dma_start3A_2151 = arith.constant 0 : i32
      %dma_start3A_2152 = tpu.memref_slice %dma_start3A_2149[%dma_start3A_2150, %dma_start3A_2151] : memref<800x32xf32, #tpu.memory_space<vmem>> -> memref<50x32xf32, #tpu.memory_space<vmem>>
      tpu.enqueue_dma source(%dma_start3A_2152 : memref<50x32xf32, #tpu.memory_space<vmem>>) target(%dma_start3A_2145 : memref<50x32xf32, #tpu.memory_space<hbm>>) target_semaphore(%arg11 : memref<!tpu.dma_semaphore, #tpu.memory_space<semaphore_mem>>)
      %mul3A_2153 = arith.constant 2 : i32
      %mul3A_2154 = arith.muli %add3A_84, %mul3A_2153 : i32
      %add3A_2155 = arith.constant 1 : i32
      %add3A_2156 = arith.addi %mul3A_2154, %add3A_2155 : i32
      %mul3A_2157 = arith.constant 16 : i32
      %mul3A_2158 = arith.muli %add3A_2156, %mul3A_2157 : i32
      %add3A_2159 = arith.addi %mul3A_2, %mul3A_2158 : i32
      %add3A_2160 = arith.constant 14 : i32
      %add3A_2161 = arith.addi %add3A_2159, %add3A_2160 : i32
      %dma_start3A_2162 = arith.constant 1 : i32
      %dma_start3A_2163 = arith.constant 0 : i32
      %dma_start3A_2164 = arith.constant 0 : i32
      %dma_start3A_2165 = tpu.memref_slice %arg7[%dma_start3A_2162, %dma_start3A_2163, %dma_start3A_2164] : memref<2x800x32xf32, #tpu.memory_space<vmem>> -> memref<1x800x32xf32, #tpu.memory_space<vmem>>
      %dma_start3A_2166 = tpu.memref_squeeze %dma_start3A_2165 : memref<1x800x32xf32, #tpu.memory_space<vmem>> -> memref<800x32xf32, #tpu.memory_space<vmem>>
      %dma_start3A_2167 = arith.constant 700 : i32
      %dma_start3A_2168 = arith.constant 0 : i32
      %dma_start3A_2169 = tpu.memref_slice %dma_start3A_2166[%dma_start3A_2167, %dma_start3A_2168] : memref<800x32xf32, #tpu.memory_space<vmem>> -> memref<50x32xf32, #tpu.memory_space<vmem>>
      %dma_start3A_2170 = arith.constant 0 : i32
      %dma_start3A_2171 = arith.constant 0 : i32
      %dma_start3A_2172 = tpu.memref_slice %arg4[%add3A_2161, %dma_start3A_2170, %dma_start3A_2171] : memref<16384x50x32xf32, #tpu.memory_space<hbm>> -> memref<1x50x32xf32, #tpu.memory_space<hbm>>
      %dma_start3A_2173 = tpu.memref_squeeze %dma_start3A_2172 : memref<1x50x32xf32, #tpu.memory_space<hbm>> -> memref<50x32xf32, #tpu.memory_space<hbm>>
      %dma_start3A_2174 = arith.constant 0 : i32
      %dma_start3A_2175 = arith.constant 0 : i32
      %dma_start3A_2176 = tpu.memref_slice %arg4[%add3A_2161, %dma_start3A_2174, %dma_start3A_2175] : memref<16384x50x32xf32, #tpu.memory_space<hbm>> -> memref<1x50x32xf32, #tpu.memory_space<hbm>>
      %dma_start3A_2177 = tpu.memref_squeeze %dma_start3A_2176 : memref<1x50x32xf32, #tpu.memory_space<hbm>> -> memref<50x32xf32, #tpu.memory_space<hbm>>
      %dma_start3A_2178 = arith.constant 0 : i32
      %dma_start3A_2179 = arith.constant 0 : i32
      %dma_start3A_2180 = tpu.memref_slice %arg7[%dma_start3A_2162, %dma_start3A_2178, %dma_start3A_2179] : memref<2x800x32xf32, #tpu.memory_space<vmem>> -> memref<1x800x32xf32, #tpu.memory_space<vmem>>
      %dma_start3A_2181 = tpu.memref_squeeze %dma_start3A_2180 : memref<1x800x32xf32, #tpu.memory_space<vmem>> -> memref<800x32xf32, #tpu.memory_space<vmem>>
      %dma_start3A_2182 = arith.constant 700 : i32
      %dma_start3A_2183 = arith.constant 0 : i32
      %dma_start3A_2184 = tpu.memref_slice %dma_start3A_2181[%dma_start3A_2182, %dma_start3A_2183] : memref<800x32xf32, #tpu.memory_space<vmem>> -> memref<50x32xf32, #tpu.memory_space<vmem>>
      tpu.enqueue_dma source(%dma_start3A_2184 : memref<50x32xf32, #tpu.memory_space<vmem>>) target(%dma_start3A_2177 : memref<50x32xf32, #tpu.memory_space<hbm>>) target_semaphore(%arg11 : memref<!tpu.dma_semaphore, #tpu.memory_space<semaphore_mem>>)
      %mul3A_2185 = arith.constant 2 : i32
      %mul3A_2186 = arith.muli %add3A_84, %mul3A_2185 : i32
      %add3A_2187 = arith.constant 1 : i32
      %add3A_2188 = arith.addi %mul3A_2186, %add3A_2187 : i32
      %mul3A_2189 = arith.constant 16 : i32
      %mul3A_2190 = arith.muli %add3A_2188, %mul3A_2189 : i32
      %add3A_2191 = arith.addi %mul3A_2, %mul3A_2190 : i32
      %add3A_2192 = arith.constant 15 : i32
      %add3A_2193 = arith.addi %add3A_2191, %add3A_2192 : i32
      %dma_start3A_2194 = arith.constant 1 : i32
      %dma_start3A_2195 = arith.constant 0 : i32
      %dma_start3A_2196 = arith.constant 0 : i32
      %dma_start3A_2197 = tpu.memref_slice %arg7[%dma_start3A_2194, %dma_start3A_2195, %dma_start3A_2196] : memref<2x800x32xf32, #tpu.memory_space<vmem>> -> memref<1x800x32xf32, #tpu.memory_space<vmem>>
      %dma_start3A_2198 = tpu.memref_squeeze %dma_start3A_2197 : memref<1x800x32xf32, #tpu.memory_space<vmem>> -> memref<800x32xf32, #tpu.memory_space<vmem>>
      %dma_start3A_2199 = arith.constant 750 : i32
      %dma_start3A_2200 = arith.constant 0 : i32
      %dma_start3A_2201 = tpu.memref_slice %dma_start3A_2198[%dma_start3A_2199, %dma_start3A_2200] : memref<800x32xf32, #tpu.memory_space<vmem>> -> memref<50x32xf32, #tpu.memory_space<vmem>>
      %dma_start3A_2202 = arith.constant 0 : i32
      %dma_start3A_2203 = arith.constant 0 : i32
      %dma_start3A_2204 = tpu.memref_slice %arg4[%add3A_2193, %dma_start3A_2202, %dma_start3A_2203] : memref<16384x50x32xf32, #tpu.memory_space<hbm>> -> memref<1x50x32xf32, #tpu.memory_space<hbm>>
      %dma_start3A_2205 = tpu.memref_squeeze %dma_start3A_2204 : memref<1x50x32xf32, #tpu.memory_space<hbm>> -> memref<50x32xf32, #tpu.memory_space<hbm>>
      %dma_start3A_2206 = arith.constant 0 : i32
      %dma_start3A_2207 = arith.constant 0 : i32
      %dma_start3A_2208 = tpu.memref_slice %arg4[%add3A_2193, %dma_start3A_2206, %dma_start3A_2207] : memref<16384x50x32xf32, #tpu.memory_space<hbm>> -> memref<1x50x32xf32, #tpu.memory_space<hbm>>
      %dma_start3A_2209 = tpu.memref_squeeze %dma_start3A_2208 : memref<1x50x32xf32, #tpu.memory_space<hbm>> -> memref<50x32xf32, #tpu.memory_space<hbm>>
      %dma_start3A_2210 = arith.constant 0 : i32
      %dma_start3A_2211 = arith.constant 0 : i32
      %dma_start3A_2212 = tpu.memref_slice %arg7[%dma_start3A_2194, %dma_start3A_2210, %dma_start3A_2211] : memref<2x800x32xf32, #tpu.memory_space<vmem>> -> memref<1x800x32xf32, #tpu.memory_space<vmem>>
      %dma_start3A_2213 = tpu.memref_squeeze %dma_start3A_2212 : memref<1x800x32xf32, #tpu.memory_space<vmem>> -> memref<800x32xf32, #tpu.memory_space<vmem>>
      %dma_start3A_2214 = arith.constant 750 : i32
      %dma_start3A_2215 = arith.constant 0 : i32
      %dma_start3A_2216 = tpu.memref_slice %dma_start3A_2213[%dma_start3A_2214, %dma_start3A_2215] : memref<800x32xf32, #tpu.memory_space<vmem>> -> memref<50x32xf32, #tpu.memory_space<vmem>>
      tpu.enqueue_dma source(%dma_start3A_2216 : memref<50x32xf32, #tpu.memory_space<vmem>>) target(%dma_start3A_2209 : memref<50x32xf32, #tpu.memory_space<hbm>>) target_semaphore(%arg11 : memref<!tpu.dma_semaphore, #tpu.memory_space<semaphore_mem>>)
    }
    %scan3A_30 = arith.constant 8 : i32
    %dma_wait3A = arith.constant 0 : i32
    %dma_wait3A_31 = arith.constant 0 : i32
    %dma_wait3A_32 = arith.constant 0 : i32
    %dma_wait3A_33 = arith.constant 0 : i32
    %dma_wait3A_34 = tpu.memref_slice %arg6[%dma_wait3A_31, %dma_wait3A_32, %dma_wait3A_33] : memref<2x800x32xf32, #tpu.memory_space<vmem>> -> memref<1x800x32xf32, #tpu.memory_space<vmem>>
    %dma_wait3A_35 = tpu.memref_squeeze %dma_wait3A_34 : memref<1x800x32xf32, #tpu.memory_space<vmem>> -> memref<800x32xf32, #tpu.memory_space<vmem>>
    %dma_wait3A_36 = arith.constant 0 : i32
    %dma_wait3A_37 = tpu.memref_slice %arg5[%dma_wait3A, %dma_wait3A_36] : memref<32x800xi32, #tpu.memory_space<vmem>> -> memref<1x800xi32, #tpu.memory_space<vmem>>
    %dma_wait3A_38 = tpu.memref_squeeze %dma_wait3A_37 : memref<1x800xi32, #tpu.memory_space<vmem>> -> memref<800xi32, #tpu.memory_space<vmem>>
    %dma_wait3A_39 = arith.constant 0 : i32
    %dma_wait3A_40 = arith.constant 0 : i32
    %dma_wait3A_41 = tpu.memref_slice %arg2[%dma_wait3A_39, %dma_wait3A_40] : memref<1000000x32xf32, #tpu.memory_space<hbm>> -> memref<1000000x32xf32, #tpu.memory_space<hbm>>
    tpu.wait_indirect_dma semaphore(%arg10 : memref<!tpu.dma_semaphore, #tpu.memory_space<semaphore_mem>>) src(%dma_wait3A_41 : memref<1000000x32xf32, #tpu.memory_space<hbm>>) dst(%dma_wait3A_35 : memref<800x32xf32, #tpu.memory_space<vmem>>)
    %dma_wait3A_42 = arith.constant 1 : i32
    %dma_wait3A_43 = arith.constant 1 : i32
    %dma_wait3A_44 = arith.constant 0 : i32
    %dma_wait3A_45 = arith.constant 0 : i32
    %dma_wait3A_46 = tpu.memref_slice %arg6[%dma_wait3A_43, %dma_wait3A_44, %dma_wait3A_45] : memref<2x800x32xf32, #tpu.memory_space<vmem>> -> memref<1x800x32xf32, #tpu.memory_space<vmem>>
    %dma_wait3A_47 = tpu.memref_squeeze %dma_wait3A_46 : memref<1x800x32xf32, #tpu.memory_space<vmem>> -> memref<800x32xf32, #tpu.memory_space<vmem>>
    %dma_wait3A_48 = arith.constant 0 : i32
    %dma_wait3A_49 = tpu.memref_slice %arg5[%dma_wait3A_42, %dma_wait3A_48] : memref<32x800xi32, #tpu.memory_space<vmem>> -> memref<1x800xi32, #tpu.memory_space<vmem>>
    %dma_wait3A_50 = tpu.memref_squeeze %dma_wait3A_49 : memref<1x800xi32, #tpu.memory_space<vmem>> -> memref<800xi32, #tpu.memory_space<vmem>>
    %dma_wait3A_51 = arith.constant 0 : i32
    %dma_wait3A_52 = arith.constant 0 : i32
    %dma_wait3A_53 = tpu.memref_slice %arg2[%dma_wait3A_51, %dma_wait3A_52] : memref<1000000x32xf32, #tpu.memory_space<hbm>> -> memref<1000000x32xf32, #tpu.memory_space<hbm>>
    tpu.wait_indirect_dma semaphore(%arg10 : memref<!tpu.dma_semaphore, #tpu.memory_space<semaphore_mem>>) src(%dma_wait3A_53 : memref<1000000x32xf32, #tpu.memory_space<hbm>>) dst(%dma_wait3A_47 : memref<800x32xf32, #tpu.memory_space<vmem>>)
    %dma_wait3A_54 = arith.constant 0 : i32
    %dma_wait3A_55 = arith.constant 0 : i32
    %dma_wait3A_56 = arith.constant 0 : i32
    %dma_wait3A_57 = arith.constant 0 : i32
    %dma_wait3A_58 = tpu.memref_slice %arg7[%dma_wait3A_55, %dma_wait3A_56, %dma_wait3A_57] : memref<2x800x32xf32, #tpu.memory_space<vmem>> -> memref<1x800x32xf32, #tpu.memory_space<vmem>>
    %dma_wait3A_59 = tpu.memref_squeeze %dma_wait3A_58 : memref<1x800x32xf32, #tpu.memory_space<vmem>> -> memref<800x32xf32, #tpu.memory_space<vmem>>
    %dma_wait3A_60 = arith.constant 0 : i32
    %dma_wait3A_61 = tpu.memref_slice %arg5[%dma_wait3A_54, %dma_wait3A_60] : memref<32x800xi32, #tpu.memory_space<vmem>> -> memref<1x800xi32, #tpu.memory_space<vmem>>
    %dma_wait3A_62 = tpu.memref_squeeze %dma_wait3A_61 : memref<1x800xi32, #tpu.memory_space<vmem>> -> memref<800xi32, #tpu.memory_space<vmem>>
    %dma_wait3A_63 = arith.constant 0 : i32
    %dma_wait3A_64 = arith.constant 0 : i32
    %dma_wait3A_65 = tpu.memref_slice %arg2[%dma_wait3A_63, %dma_wait3A_64] : memref<1000000x32xf32, #tpu.memory_space<hbm>> -> memref<1000000x32xf32, #tpu.memory_space<hbm>>
    tpu.wait_indirect_dma semaphore(%arg11 : memref<!tpu.dma_semaphore, #tpu.memory_space<semaphore_mem>>) src(%dma_wait3A_65 : memref<1000000x32xf32, #tpu.memory_space<hbm>>) dst(%dma_wait3A_59 : memref<800x32xf32, #tpu.memory_space<vmem>>)
    %dma_wait3A_66 = arith.constant 1 : i32
    %dma_wait3A_67 = arith.constant 1 : i32
    %dma_wait3A_68 = arith.constant 0 : i32
    %dma_wait3A_69 = arith.constant 0 : i32
    %dma_wait3A_70 = tpu.memref_slice %arg7[%dma_wait3A_67, %dma_wait3A_68, %dma_wait3A_69] : memref<2x800x32xf32, #tpu.memory_space<vmem>> -> memref<1x800x32xf32, #tpu.memory_space<vmem>>
    %dma_wait3A_71 = tpu.memref_squeeze %dma_wait3A_70 : memref<1x800x32xf32, #tpu.memory_space<vmem>> -> memref<800x32xf32, #tpu.memory_space<vmem>>
    %dma_wait3A_72 = arith.constant 0 : i32
    %dma_wait3A_73 = tpu.memref_slice %arg5[%dma_wait3A_66, %dma_wait3A_72] : memref<32x800xi32, #tpu.memory_space<vmem>> -> memref<1x800xi32, #tpu.memory_space<vmem>>
    %dma_wait3A_74 = tpu.memref_squeeze %dma_wait3A_73 : memref<1x800xi32, #tpu.memory_space<vmem>> -> memref<800xi32, #tpu.memory_space<vmem>>
    %dma_wait3A_75 = arith.constant 0 : i32
    %dma_wait3A_76 = arith.constant 0 : i32
    %dma_wait3A_77 = tpu.memref_slice %arg2[%dma_wait3A_75, %dma_wait3A_76] : memref<1000000x32xf32, #tpu.memory_space<hbm>> -> memref<1000000x32xf32, #tpu.memory_space<hbm>>
    tpu.wait_indirect_dma semaphore(%arg11 : memref<!tpu.dma_semaphore, #tpu.memory_space<semaphore_mem>>) src(%dma_wait3A_77 : memref<1000000x32xf32, #tpu.memory_space<hbm>>) dst(%dma_wait3A_71 : memref<800x32xf32, #tpu.memory_space<vmem>>)
    return
  }
}

</mosaic_0001>

<sc_bundles>
// kernel: kernel.3.cloned.1.call-start
scs
__scs_entry_jumppad:
0x0: {  	(pc) =	sbr.rel $0x88, $3  }
0x1: {  	(tag) =	ssettag $0x0;
	lr =	simm.s32 $0x1  }
0x2: {  	[smem:$0x3F9F] =	sst lr;
	_ =	strace $0xD0000000  }
0x3: {  	_ = 	snop  }
0x4: {  	_ = 	snop  }
0x5: {  	_ = 	snop  }
0x6: {  	_ = 	snop  }
0x7: {  	_ = 	snop  }
__scs_overlays_trampoline_lowered:
0x8: {  	[smem:$0x3FAE] =	sst s0  }
0x9: {  	[smem:$0x3FAF] =	sst s1  }
0xa: {  	[smem:$0x3FB0] =	sst s2  }
0xb: {  	[smem:$0x3FB1] =	sst s3  }
0xc: {  	[smem:$0x3FB2] =	sst s4  }
0xd: {  	[smem:$0x3FB3] =	sst s5  }
0xe: {  	[smem:$0x3FB4] =	sst s6  }
0xf: {  	[smem:$0x3FB5] =	sst s7  }
0x10: {  	[smem:$0x3FB6] =	sst s8  }
0x11: {  	[smem:$0x3FB7] =	sst s9;
	s0 =	simm.s32 @!p0 $0x0  }
0x12: {  	s1 =	sld [smem:$0x3F9D];
	s0 =	simm.s32 @p0 $0x1  }
0x13: {  	[smem:$0x3FB8] =	sst s0;
	s0 =	simm.s32 @!p1 $0x0  }
0x14: {  	s2 =	sld [smem:$0x3F9C];
	s0 =	simm.s32 @p1 $0x1  }
0x15: {  	[smem:$0x3FB9] =	sst s0;
	s0 =	simm.s32 @!p2 $0x0  }
0x16: {  	s3 =	sld [smem:$0x3FDB];
	s0 =	simm.s32 @p2 $0x1  }
0x17: {  	s4 =	simm.s32 $0x1BF5;
	[smem:$0x3FBB] =	sst s0  }
0x18: {  	s0 =	sld [smem:$0x3F9E];
	_ =	swait.ge [sflag:s4], $0x0  }
0x19: {  	s7 =	sld [smem:$0x3F9F]  }
0x1a: {  	s8 =	sadd.s32 $0xFFFFE003, lr  }
0x1b: {  	s9 =	sadd.s32 $0xFFFFFEF7, lr;
	s5 =	simm.s32 $0xFFFFFFFF;
	p2 =	slt.u32 s8, $0xFFFFF086  }
0x1c: {  	p1 =	slt.u32 s9, $0xF7A;
	s5 =	simm.s32 @!p2 $0x0  }
0x1d: {  	s5 =	simm.s32 @p1 $0x1;
	p0 =	seq.s32 s7, s2  }
0x1e: {  	s7 =	smul.u32 @!p0 $0xF7A, s2;
	p2 =	seq.s32 @!p0 s5, $0x0  }
0x1f: {  	s9 =	smul.u32 $0xF7A, s1;
	s8 =	simm.s32 @!p0 $0x1BF5;
	p2 =	por !p2, p0  }
0x20: {  	[sflag:s8] =	ssyncset.s32 @!p0 $0xFFFFF086;
	s6 =	sadd.s32 @!p0 s3, s7;
	s7 =	simm.s32 @!p0 $0x108  }
0x21: {  	s3 =	sadd.s32 s3, s9;
	s6 =	sadd.s32 @!p0 $0x88, s6;
	s7 =	simm.s32 @p2 $0x1082  }
0x22: {  	[simem:s7], [sflag:s8] =	dma.local @!p0 [hbm:s6], $0xF7A  }
0x23: {  	s9 =	sor.u32 $0xD0000000, s2;
	s6 =	simm.s32 $0x108;
	_ =	swait.ge @!p0 [sflag:s8], $0x0  }
0x24: {  	s3 =	sadd.s32 $0x88, s3;
	s6 =	simm.s32 @!p1 $0x1082;
	[sflag:s4] =	ssyncset.s32 $0xFFFFF086  }
0x25: {  	[simem:s6], [sflag:s4] =	dma.local [hbm:s3], $0xF7A  }
0x26: {  	[smem:$0x3F9F] =	sst s1;
	(tag) =	ssettag s2;
	_ =	strace s9  }
0x27: {  	s1 =	sld [smem:$0x3FAF]  }
0x28: {  	s2 =	sld [smem:$0x3FB0]  }
0x29: {  	s4 =	sld [smem:$0x3FB2]  }
0x2a: {  	p0 =	seq.s32 s5, $0x0;
	s5 =	sld [smem:$0x3FB3]  }
0x2b: {  	s6 =	sld [smem:$0x3FB4]  }
0x2c: {  	s7 =	sld [smem:$0x3FB5]  }
0x2d: {  	s3 =	simm.s32 $0x108;
	s8 =	sld [smem:$0x3FB6]  }
0x2e: {  	s3 =	simm.s32 @!p0 $0x1082;
	s9 =	sld [smem:$0x3FB7]  }
0x2f: {  	lr =	sadd.s32 s0, s3;
	s0 =	sld [smem:$0x3FAE]  }
0x30: {  	s3 =	sld [smem:$0x3FB1]  }
0x31: {  	[smem:$0x3FBA] =	sst s10  }
0x32: {  	s10 =	sld [smem:$0x3FB8];
	_ =	sdelay $0x3  }
0x33: {  	p0 =	seq.s32 s10, $0x1;
	s10 =	sld [smem:$0x3FBA];
	_ =	sdelay $0x3  }
0x34: {  	[smem:$0x3FBA] =	sst s10  }
0x35: {  	s10 =	sld [smem:$0x3FB9];
	_ =	sdelay $0x3  }
0x36: {  	p1 =	seq.s32 s10, $0x1;
	s10 =	sld [smem:$0x3FBA];
	_ =	sdelay $0x3  }
0x37: {  	[smem:$0x3FBA] =	sst s10  }
0x38: {  	s10 =	sld [smem:$0x3FBB]  }
0x39: {  	_ = 	snop;
	(pc) =	sbr.ind lr, $3  }
0x3a: {  	_ = 	snop  }
0x3b: {  	_ = 	snop  }
0x3c: {  	p2 =	seq.s32 s10, $0x1;
	s10 =	sld [smem:$0x3FBA]  }
0x3d: {  	_ =	shalt  }
0x3e: {  	_ =	shalt  }
0x3f: {  	_ =	shalt  }
0x40: {  	_ =	shalt  }
0x41: {  	_ =	shalt  }
0x42: {  	_ =	shalt  }
0x43: {  	_ =	shalt  }
0x44: {  	_ =	shalt  }
0x45: {  	_ =	shalt  }
0x46: {  	_ =	shalt  }
0x47: {  	_ =	shalt  }
0x48: {  	_ =	shalt  }
0x49: {  	_ =	shalt  }
0x4a: {  	_ =	shalt  }
0x4b: {  	_ =	shalt  }
0x4c: {  	_ =	shalt  }
0x4d: {  	_ =	shalt  }
0x4e: {  	_ =	shalt  }
0x4f: {  	_ =	shalt  }
0x50: {  	_ =	shalt  }
0x51: {  	_ =	shalt  }
0x52: {  	_ =	shalt  }
0x53: {  	_ =	shalt  }
0x54: {  	_ =	shalt  }
0x55: {  	_ =	shalt  }
0x56: {  	_ =	shalt  }
0x57: {  	_ =	shalt  }
0x58: {  	_ =	shalt  }
0x59: {  	_ =	shalt  }
0x5a: {  	_ =	shalt  }
0x5b: {  	_ =	shalt  }
0x5c: {  	_ =	shalt  }
0x5d: {  	_ =	shalt  }
0x5e: {  	_ =	shalt  }
0x5f: {  	_ =	shalt  }
0x60: {  	_ =	shalt  }
0x61: {  	_ =	shalt  }
0x62: {  	_ =	shalt  }
0x63: {  	_ =	shalt  }
0x64: {  	_ =	shalt  }
0x65: {  	_ =	shalt  }
0x66: {  	_ =	shalt  }
0x67: {  	_ =	shalt  }
0x68: {  	_ =	shalt  }
0x69: {  	_ =	shalt  }
0x6a: {  	_ =	shalt  }
0x6b: {  	_ =	shalt  }
0x6c: {  	_ =	shalt  }
0x6d: {  	_ =	shalt  }
0x6e: {  	_ =	shalt  }
0x6f: {  	_ =	shalt  }
0x70: {  	_ =	shalt  }
0x71: {  	_ =	shalt  }
0x72: {  	_ =	shalt  }
0x73: {  	_ =	shalt  }
0x74: {  	_ =	shalt  }
0x75: {  	_ =	shalt  }
0x76: {  	_ =	shalt  }
0x77: {  	_ =	shalt  }
0x78: {  	_ =	shalt  }
0x79: {  	_ =	shalt  }
0x7a: {  	_ =	shalt  }
0x7b: {  	_ =	shalt  }
0x7c: {  	_ =	shalt  }
0x7d: {  	_ =	shalt  }
0x7e: {  	_ =	shalt  }
0x7f: {  	_ =	shalt  }
0x80: {  	_ =	shalt  }
0x81: {  	_ =	shalt  }
0x82: {  	_ =	shalt  }
0x83: {  	_ =	shalt  }
0x84: {  	_ =	shalt  }
0x85: {  	_ =	shalt  }
0x86: {  	_ =	shalt  }
0x87: {  	_ =	shalt  }
.Lfunc_end0:
.L_simem_size_0:
called_computation.1_lowered:
.L_overlay_start_0:
0x88: {  	s2 =	sld [smem:$0x3FD9]  }
0x89: {  	s3 =	sld [smem:$0x3FFE];
	_ =	sdelay $0x1  }
0x8a: {  	s1 =	srdreg.scid  }
0x8b: {  	s0 =	sand.u32 $0x1, s1  }
0x8c: {  	s17 =	sshll.u32 s0, $0xA;
	s2 =	sadd.s32 s3, s2  }
0x8d: {  	s2 =	sadd.s32 s2, s17  }
0x8e: {  	[smem:$0x3FC6] =	sst s2  }
0x8f: {  	_ = 	snop  }
0x90: {  	s2 =	sld [smem:$0x3FD0];
	(tm) =	ssettm $0x1  }
0x91: {  	s18 =	sld [smem:$0x3FFB];
	_ =	sdelay $0x3  }
0x92: {  	_ =	strace s18  }
0x93: {  	s3 =	sld [smem:$0x3FFC];
	_ =	sdelay $0x3  }
0x94: {  	_ =	strace s3  }
0x95: {  	s3 =	sld [smem:$0x3FFD];
	_ =	sdelay $0x3  }
0x96: {  	_ =	strace s3  }
0x97: {  	_ =	strace $0x8FFFFFFF  }
0x98: {  	s19 =	sld [smem:$0x3FDB];
	_ =	sdelay $0x1  }
0x99: {  	s4 =	simm.s32 $_scs_section_size  }
0x9a: {  	s5 =	simm.s32 $_size__tile_overlayer_lowered;
	s6 =	simm.s32 $_tile_overlayer_lowered  }
0x9b: {  	s22 =	simm.s32 $0x1BFF;
	s21 =	sshll.u32 s6, $0x1;
	s3 =	sadd.s32 s4, s19  }
0x9c: {  	s7 =	simm.s32 $0x0;
	s20 =	sshll.u32 s5, $0x1;
	s5 =	sadd.s32 s21, s3  }
0x9d: {  	[timem:s7], [sflag:s22] =	dma.local [hbm:s5], s20  }
0x9e: {  	_ =	swait.ge [sflag:s22], s20  }
0x9f: {  	s4 =	ssub.s32 $0x0, s20;
	[sflag:s22] =	ssyncset.done $0x0  }
0xa0: {  	[sflag:s22] =	ssyncadd.s32 s4;
	_ =	sdelay $0x1  }
0xa1: {  	s23 =	simm.s32 $0x1B8B  }
0xa2: {  	_ =	swait.ge [sflag:s23], $0x1  }
0xa3: {  	[sflag:s23] =	ssyncset.done $0x0  }
0xa4: {  	s25 =	simm.s32 $0x1B8E;
	s24 =	sld [smem:$0x3FFE];
	[sflag:s23] =	ssyncadd.s32 $0xFFFFFFFF  }
0xa5: {  	s26 =	simm.s32 $execute0_lowered;
	[smem:$0x3FD2] =	sst s25  }
0xa6: {  	s5 =	sshll.u32 s26, $0x1;
	_ =	strace $0x80000046;
	[dreg:$0x1] =	wrdreg $0xFFFFFFFF  }
0xa7: {  	s28 =	simm.s32 $_size_execute0_lowered;
	s3 =	sadd.s32 s3, s5;
	[dreg:$0x0] =	wrdreg $0x0  }
0xa8: {  	s5 =	sshll.u32 s28, $0x1;
	[dreg:$0x2] =	wrdreg s3  }
0xa9: {  	[dreg:$0x3] =	wrdreg s5  }
0xaa: {  	[dreg:$0x4] =	wrdreg $0xC0  }
0xab: {  	_ =	task [dreg:s7], $0x5FFFF  }
0xac: {  	[dreg:$0x1] =	wrdreg $0xFFFFFFFF  }
0xad: {  	[dreg:$0x0] =	wrdreg $0x60  }
0xae: {  	[dreg:$0x2] =	wrdreg s24  }
0xaf: {  	[dreg:$0x3] =	wrdreg s2  }
0xb0: {  	[dreg:$0x4] =	wrdreg $0x9  }
0xb1: {  	_ =	task.clear_ibuf [dreg:s7], $0x5FFFF;
	_ =	strace $0x90000046  }
0xb2: {  	s29 =	simm.s32 $0x9;
	_ =	strace $0x80000048  }
0xb3: {  	_ =	swait.ge [sflag:s29], $0x1  }
0xb4: {  	[sflag:s29] =	ssyncadd.s32 $0xFFFFFFFF  }
0xb5: {  	_ =	strace $0x90000048  }
0xb6: {  	_ =	sfence  }
0xb7: {  	s30 =	sld [smem:$0x0];
	_ =	sdelay $0x2  }
0xb8: {  	s31 =	sshll.u32 s1, $0xD;
	s1 =	sshrl.u32 s1, $0x2  }
0xb9: {  	s3 =	sand.u32 $0x4000, s31;
	s1 =	sadd.s32 s1, s30  }
0xba: {  	s0 =	sor.u32 s3, s0;
	s1 =	sshll.u32 s1, $0x11  }
0xbb: {  	s0 =	sor.u32 s1, s0  }
0xbc: {  	s0 =	sadd.s32 $0x8F2B, s0  }
0xbd: {  	[sflag:s0] =	ssyncadd.remote.s32 $0x1  }
0xbe: {  	_ =	sfence.sel $0xFFFF  }
0xbf: {  	[dreg:$0x0] =	wrdreg $0xFFFFFFFF;
	(pc) =	sbr.abs _section_cstart, $3  }
0xc0: {  	[dreg:$0x1] =	wrdreg $0xFFFFFFFF  }
0xc1: {  	_ =	task.clear_ibuf [dreg:s7], $0x2FFFF;
	_ =	strace $0x9FFFFFFF  }
0xc2: {  	(tm) =	ssettm $0x7FFFFFFF  }
0xc3: {  	_ =	shalt  }
tec
execute0_lowered:
.L_overlay_start_1:
0x0: {  	(tag) =	ssettag $0x1  }
0x1: {  	s1 =	srdreg.scid;
	s0 =	stileid.u32  }
0x2: {  	s4 =	sand.u32 $0x1, s1;
	s24 =	smul.u32 $0x190000, s0  }
0x3: {  	s5 =	rddreg [dreg:$0x0];
	s2 =	smul.u32 $0xC8000, s4  }
0x4: {  	s3 =	rddreg [dreg:$0x1]  }
0x5: {  	s1 =	rddreg [dreg:$0x2];
	s6 =	sadd.s32 s2, s24;
	s2 =	simm.s32 $0x0  }
0x6: {  	s7 =	sadd.s32 $0xC1C0, s6;
	[smem:$0x7FF] =	sst s2  }
0x7: {  	s8 =	sadd.s32 $0xBB80, s6;
	s26 =	sadd.s32 $0xB540, s6;
	s9 =	sadd.s32 $0xAF00, s6  }
0x8: {  	s31 =	sadd.s32 $0xA8C0, s6;
	s10 =	sadd.s32 $0x9C40, s6;
	s14 =	sadd.s32 $0x9600, s6  }
0x9: {  	s16 =	sadd.s32 $0x8FC0, s6;
	s17 =	sadd.s32 $0x8980, s6;
	s21 =	sadd.s32 $0x8340, s6  }
0xa: {  	s23 =	sor.u32 $0x7D00, s6;
	s24 =	sor.u32 $0x76C0, s6;
	s7 =	sshrl.u32 s7, $0x3  }
0xb: {  	_ =	strace $0x80000047;
	s25 =	sshrl.u32 s8, $0x3;
	s8 =	sshrl.u32 s26, $0x3  }
0xc: {  	s29 =	sshrl.u32 s9, $0x3;
	s9 =	sadd.s32 $0xA280, s6;
	s12 =	sshrl.u32 s10, $0x3  }
0xd: {  	s15 =	sshrl.u32 s14, $0x3;
	s19 =	sshrl.u32 s17, $0x3;
	s22 =	sshrl.u32 s21, $0x3  }
0xe: {  	s26 =	sshrl.u32 s24, $0x3;
	s10 =	smul.u32 $0x19000, s4;
	s7 =	sadd.s32 s7, s3  }
0xf: {  	s28 =	sadd.s32 s8, s3;
	s30 =	sadd.s32 s29, s3;
	[dreg:$0x3] =	wrdreg s7  }
0x10: {  	s8 =	sshrl.u32 s31, $0x3;
	s13 =	sadd.s32 s12, s3;
	[dreg:$0x5] =	wrdreg s28  }
0x11: {  	s20 =	sadd.s32 s19, s3;
	s29 =	sor.u32 $0x7080, s6;
	[dreg:$0x6] =	wrdreg s30  }
0x12: {  	s31 =	smul.u32 $0x32000, s0;
	s7 =	sadd.s32 s25, s3;
	[dreg:$0x9] =	wrdreg s13  }
0x13: {  	[dreg:$0xc] =	wrdreg s20;
	s28 =	sadd.s32 s26, s3;
	s30 =	sor.u32 $0x6A40, s6  }
0x14: {  	s13 =	sor.u32 $0x5DC0, s6;
	s20 =	sor.u32 $0x4B00, s6;
	[dreg:$0x4] =	wrdreg s7  }
0x15: {  	s7 =	sadd.s32 s8, s3;
	s8 =	sshrl.u32 s9, $0x3;
	[dreg:$0xf] =	wrdreg s28  }
0x16: {  	s14 =	sshrl.u32 s13, $0x3;
	s21 =	sshrl.u32 s20, $0x3;
	s28 =	sor.u32 $0x3840, s6  }
0x17: {  	s13 =	sor.u32 $0x2580, s6;
	s20 =	sor.u32 $0x12C0, s6;
	[dreg:$0x7] =	wrdreg s7  }
0x18: {  	s11 =	sadd.s32 s8, s3;
	s7 =	sadd.s32 s15, s3;
	s8 =	sshrl.u32 s16, $0x3  }
0x19: {  	s15 =	sor.u32 $0x5780, s6;
	s16 =	sor.u32 $0x5140, s6;
	[dreg:$0x8] =	wrdreg s11  }
0x1a: {  	[dreg:$0xa] =	wrdreg s7;
	s18 =	sadd.s32 s8, s3;
	s7 =	sadd.s32 s22, s3  }
0x1b: {  	s8 =	sshrl.u32 s23, $0x3;
	s11 =	sadd.s32 s31, s3;
	s22 =	sor.u32 $0x44C0, s6  }
0x1c: {  	s23 =	sor.u32 $0x3E80, s6;
	s31 =	sor.u32 $0x2BC0, s6;
	[dreg:$0xb] =	wrdreg s18  }
0x1d: {  	[dreg:$0xd] =	wrdreg s7;
	s25 =	sadd.s32 s8, s3;
	s7 =	sshrl.u32 s29, $0x3  }
0x1e: {  	s8 =	sshrl.u32 s30, $0x3;
	s12 =	sadd.s32 s10, s11;
	s18 =	sshrl.u32 s16, $0x3  }
0x1f: {  	s29 =	sshrl.u32 s28, $0x3;
	s30 =	sor.u32 $0x3200, s6;
	s11 =	sshrl.u32 s31, $0x3  }
0x20: {  	s16 =	sor.u32 $0x1900, s6;
	s28 =	sadd.s32 $0x11940, s6;
	s31 =	sadd.s32 $0x10CC0, s6  }
0x21: {  	[dreg:$0xe] =	wrdreg s25;
	s7 =	sadd.s32 s7, s3;
	s8 =	sadd.s32 s8, s3  }
0x22: {  	[dreg:$0x12] =	wrdreg s12;
	s19 =	sadd.s32 s18, s3;
	s25 =	sshrl.u32 s23, $0x3  }
0x23: {  	s12 =	sadd.s32 s11, s3;
	s18 =	sshrl.u32 s16, $0x3;
	[dreg:$0x10] =	wrdreg s7  }
0x24: {  	s23 =	sadd.s32 $0x11F80, s6;
	s11 =	sshrl.u32 s31, $0x3;
	[dreg:$0x11] =	wrdreg s8  }
0x25: {  	s16 =	sadd.s32 $0xFA00, s6;
	s31 =	sadd.s32 $0xD480, s6;
	[dreg:$0x15] =	wrdreg s19  }
0x26: {  	s7 =	sadd.s32 s14, s3;
	s8 =	sshrl.u32 s15, $0x3;
	[dreg:$0x1b] =	wrdreg s12  }
0x27: {  	s26 =	sadd.s32 s25, s3;
	s14 =	sshrl.u32 s13, $0x3;
	[dreg:$0x13] =	wrdreg s7  }
0x28: {  	s19 =	sadd.s32 s18, s3;
	s25 =	sshrl.u32 s23, $0x3;
	[dreg:$0x18] =	wrdreg s26  }
0x29: {  	s12 =	sadd.s32 s11, s3;
	s18 =	sshrl.u32 s16, $0x3;
	[dreg:$0x1e] =	wrdreg s19  }
0x2a: {  	s23 =	sadd.s32 $0xE740, s6;
	s17 =	sadd.s32 s8, s3;
	[smem:$0x7A9] =	sst s12  }
0x2b: {  	s11 =	sshrl.u32 s31, $0x3;
	s7 =	sadd.s32 s21, s3;
	[dreg:$0x14] =	wrdreg s17  }
0x2c: {  	s16 =	sadd.s32 $0x17D40, s6;
	s26 =	sadd.s32 s25, s3;
	[dreg:$0x16] =	wrdreg s7  }
0x2d: {  	s31 =	sadd.s32 $0x157C0, s6;
	s19 =	sadd.s32 s18, s3;
	[smem:$0x7A6] =	sst s26  }
0x2e: {  	s8 =	sshrl.u32 s22, $0x3;
	s12 =	sadd.s32 s11, s3;
	[smem:$0x7AC] =	sst s19  }
0x2f: {  	s9 =	sshrl.u32 s31, $0x3;
	s31 =	simm.s32 $0x9C40;
	[smem:$0x7B2] =	sst s12  }
0x30: {  	s25 =	sshrl.u32 s23, $0x3;
	s24 =	sadd.s32 s8, s3;
	[smem:$0x7CA] =	sst s31  }
0x31: {  	s18 =	sshrl.u32 s16, $0x3;
	s7 =	sadd.s32 s29, s3;
	[dreg:$0x17] =	wrdreg s24  }
0x32: {  	s23 =	sadd.s32 $0x16A80, s6;
	s26 =	sadd.s32 s25, s3;
	[dreg:$0x19] =	wrdreg s7  }
0x33: {  	s11 =	sadd.s32 $0x15180, s6;
	s19 =	sadd.s32 s18, s3;
	[smem:$0x7AF] =	sst s26  }
0x34: {  	s25 =	sshrl.u32 s23, $0x3;
	s23 =	simm.s32 $0x7080;
	[smem:$0x7B5] =	sst s19  }
0x35: {  	s12 =	sshrl.u32 s11, $0x3;
	s11 =	simm.s32 $0xC1C0;
	[smem:$0x7C3] =	sst s23  }
0x36: {  	s8 =	sshrl.u32 s30, $0x3;
	s31 =	simm.s32 $0x14500;
	[smem:$0x7D0] =	sst s11  }
0x37: {  	s15 =	sor.u32 $0x1F40, s6;
	s10 =	sadd.s32 s8, s3;
	[smem:$0x7E3] =	sst s31  }
0x38: {  	s13 =	sadd.s32 $0x10680, s6;
	s7 =	sadd.s32 s14, s3;
	[dreg:$0x1a] =	wrdreg s10  }
0x39: {  	s21 =	sshrl.u32 s20, $0x3;
	s26 =	sadd.s32 s25, s3;
	[dreg:$0x1c] =	wrdreg s7  }
0x3a: {  	s18 =	sadd.s32 $0x13EC0, s6;
	s25 =	simm.s32 $0x7D00;
	[smem:$0x7B8] =	sst s26  }
0x3b: {  	s19 =	sshrl.u32 s18, $0x3;
	s18 =	simm.s32 $0xF3C0;
	[smem:$0x7C5] =	sst s25  }
0x3c: {  	s22 =	sadd.s32 $0x125C0, s6;
	s23 =	simm.s32 $0x11300;
	[smem:$0x7D7] =	sst s18  }
0x3d: {  	s20 =	sadd.s32 $0xF3C0, s6;
	s11 =	simm.s32 $0x16A80;
	[smem:$0x7DC] =	sst s23  }
0x3e: {  	s8 =	sshrl.u32 s15, $0x3;
	s31 =	simm.s32 $0x1DB00;
	[smem:$0x7E9] =	sst s11  }
0x3f: {  	s29 =	sshrl.u32 s28, $0x3;
	s17 =	sadd.s32 s8, s3;
	[smem:$0x7FA] =	sst s31  }
0x40: {  	s30 =	sadd.s32 $0x11300, s6;
	s7 =	sadd.s32 s21, s3;
	[dreg:$0x1d] =	wrdreg s17  }
0x41: {  	s28 =	sadd.s32 $0xE100, s6;
	s26 =	simm.s32 $0x8340;
	[dreg:$0x1f] =	wrdreg s7  }
0x42: {  	s14 =	sshrl.u32 s13, $0x3;
	s25 =	simm.s32 $0x11F80;
	[smem:$0x7C6] =	sst s26  }
0x43: {  	s15 =	sadd.s32 $0x10040, s6;
	s18 =	simm.s32 $0x19640;
	[smem:$0x7DE] =	sst s25  }
0x44: {  	s8 =	sshrl.u32 s22, $0x3;
	s11 =	simm.s32 $0x1E140;
	[smem:$0x7EF] =	sst s18  }
0x45: {  	s13 =	sadd.s32 $0x189C0, s6;
	s24 =	sadd.s32 s8, s3;
	[smem:$0x7FB] =	sst s11  }
0x46: {  	s21 =	sshrl.u32 s20, $0x3;
	s7 =	sadd.s32 s29, s3;
	[smem:$0x7A5] =	sst s24  }
0x47: {  	s22 =	sadd.s32 $0xED80, s6;
	s26 =	simm.s32 $0x125C0;
	[smem:$0x7A7] =	sst s7  }
0x48: {  	s8 =	sshrl.u32 s30, $0x3;
	s25 =	simm.s32 $0x1BBC0;
	[smem:$0x7DF] =	sst s26  }
0x49: {  	s20 =	sadd.s32 $0x17700, s6;
	s10 =	sadd.s32 s8, s3;
	[smem:$0x7F5] =	sst s25  }
0x4a: {  	s29 =	sshrl.u32 s28, $0x3;
	s7 =	sadd.s32 s14, s3;
	[smem:$0x7A8] =	sst s10  }
0x4b: {  	s8 =	sshrl.u32 s15, $0x3;
	s26 =	simm.s32 $0x1C200;
	[smem:$0x7AA] =	sst s7  }
0x4c: {  	s30 =	sadd.s32 $0xDAC0, s6;
	s17 =	sadd.s32 s8, s3;
	[smem:$0x7F6] =	sst s26  }
0x4d: {  	s7 =	sadd.s32 s21, s3;
	s8 =	sshrl.u32 s22, $0x3;
	[smem:$0x7AB] =	sst s17  }
0x4e: {  	s28 =	sadd.s32 $0x16440, s6;
	[smem:$0x7AD] =	sst s7;
	s24 =	sadd.s32 s8, s3  }
0x4f: {  	s7 =	sadd.s32 s29, s3;
	s8 =	sshrl.u32 s30, $0x3;
	[smem:$0x7AE] =	sst s24  }
0x50: {  	s29 =	sshrl.u32 s28, $0x3;
	s28 =	simm.s32 $0x8980;
	[smem:$0x7B0] =	sst s7  }
0x51: {  	s14 =	sshrl.u32 s13, $0x3;
	s10 =	sadd.s32 s8, s3;
	[smem:$0x7C7] =	sst s28  }
0x52: {  	s15 =	sadd.s32 $0x18380, s6;
	s7 =	sadd.s32 s14, s3;
	[smem:$0x7B1] =	sst s10  }
0x53: {  	s8 =	sshrl.u32 s15, $0x3;
	s28 =	simm.s32 $0x13240;
	[smem:$0x7B3] =	sst s7  }
0x54: {  	s21 =	sshrl.u32 s20, $0x3;
	s17 =	sadd.s32 s8, s3;
	[smem:$0x7E0] =	sst s28  }
0x55: {  	s7 =	sadd.s32 s21, s3;
	[smem:$0x7B4] =	sst s17  }
0x56: {  	s22 =	sadd.s32 $0x170C0, s6;
	s10 =	sadd.s32 s9, s3;
	[smem:$0x7B6] =	sst s7  }
0x57: {  	s8 =	sshrl.u32 s22, $0x3;
	s22 =	simm.s32 $0x6A40;
	[smem:$0x7BB] =	sst s10  }
0x58: {  	s14 =	sadd.s32 $0x14500, s6;
	s9 =	simm.s32 $0xB540;
	[smem:$0x7C2] =	sst s22  }
0x59: {  	s16 =	sshrl.u32 s14, $0x3;
	s14 =	simm.s32 $0xDAC0;
	[smem:$0x7CE] =	sst s9  }
0x5a: {  	s28 =	simm.s32 $0x1C840;
	[smem:$0x7D3] =	sst s14  }
0x5b: {  	s24 =	sadd.s32 s8, s3;
	[smem:$0x7F7] =	sst s28  }
0x5c: {  	s7 =	sadd.s32 s29, s3;
	[smem:$0x7B7] =	sst s24  }
0x5d: {  	s17 =	sadd.s32 s16, s3;
	[smem:$0x7B9] =	sst s7  }
0x5e: {  	s30 =	sadd.s32 $0x15E00, s6;
	s29 =	simm.s32 $0x8FC0;
	[smem:$0x7BE] =	sst s17  }
0x5f: {  	s8 =	sshrl.u32 s30, $0x3;
	s30 =	simm.s32 $0x9600;
	[smem:$0x7C8] =	sst s29  }
0x60: {  	s10 =	simm.s32 $0xBB80;
	[smem:$0x7C9] =	sst s30  }
0x61: {  	s16 =	simm.s32 $0xE740;
	[smem:$0x7CF] =	sst s10  }
0x62: {  	s22 =	simm.s32 $0x10CC0;
	[smem:$0x7D5] =	sst s16  }
0x63: {  	s9 =	simm.s32 $0x15E00;
	[smem:$0x7DB] =	sst s22  }
0x64: {  	s14 =	simm.s32 $0x17D40;
	[smem:$0x7E7] =	sst s9  }
0x65: {  	s8 =	sadd.s32 s8, s3;
	[smem:$0x7EC] =	sst s14  }
0x66: {  	s7 =	sadd.s32 s12, s3;
	[smem:$0x7BA] =	sst s8  }
0x67: {  	s24 =	simm.s32 $0x76C0;
	[smem:$0x7BC] =	sst s7  }
0x68: {  	s12 =	simm.s32 $0xCE40;
	[smem:$0x7C4] =	sst s24  }
0x69: {  	s17 =	simm.s32 $0xED80;
	[smem:$0x7D1] =	sst s12  }
0x6a: {  	s29 =	simm.s32 $0x13880;
	[smem:$0x7D6] =	sst s17  }
0x6b: {  	s30 =	simm.s32 $0x13EC0;
	[smem:$0x7E1] =	sst s29  }
0x6c: {  	s10 =	simm.s32 $0x16440;
	[smem:$0x7E2] =	sst s30  }
0x6d: {  	s22 =	simm.s32 $0x1AF40;
	[smem:$0x7E8] =	sst s10  }
0x6e: {  	s14 =	simm.s32 $0x1EDC0;
	[smem:$0x7F3] =	sst s22  }
0x6f: {  	s13 =	sadd.s32 $0x14B40, s6;
	s7 =	sadd.s32 s19, s3;
	[smem:$0x7FD] =	sst s14  }
0x70: {  	s8 =	sshrl.u32 s13, $0x3;
	s13 =	simm.s32 $0xD480;
	[smem:$0x7BF] =	sst s7  }
0x71: {  	s19 =	simm.s32 $0xFA00;
	[smem:$0x7D2] =	sst s13  }
0x72: {  	s24 =	simm.s32 $0x11940;
	[smem:$0x7D8] =	sst s19  }
0x73: {  	s12 =	simm.s32 $0x170C0;
	[smem:$0x7DD] =	sst s24  }
0x74: {  	s17 =	simm.s32 $0x189C0;
	[smem:$0x7EA] =	sst s12  }
0x75: {  	s29 =	simm.s32 $0x1CE80;
	[smem:$0x7EE] =	sst s17  }
0x76: {  	s30 =	simm.s32 $0x1D4C0;
	[smem:$0x7F8] =	sst s29  }
0x77: {  	s15 =	sadd.s32 s8, s3;
	[smem:$0x7F9] =	sst s30  }
0x78: {  	s20 =	sadd.s32 $0x13880, s6;
	s7 =	simm.s32 $0xA8C0;
	[smem:$0x7BD] =	sst s15  }
0x79: {  	s8 =	sshrl.u32 s20, $0x3;
	s20 =	simm.s32 $0x10040;
	[smem:$0x7CC] =	sst s7  }
0x7a: {  	s13 =	simm.s32 $0x17700;
	[smem:$0x7D9] =	sst s20  }
0x7b: {  	s19 =	simm.s32 $0x19C80;
	[smem:$0x7EB] =	sst s13  }
0x7c: {  	s24 =	simm.s32 $0x1B580;
	[smem:$0x7F0] =	sst s19  }
0x7d: {  	s6 =	sadd.s32 $0x13240, s6;
	s12 =	simm.s32 $0x1E780;
	[smem:$0x7F4] =	sst s24  }
0x7e: {  	s6 =	sshrl.u32 s6, $0x3;
	s21 =	sadd.s32 s8, s3;
	[smem:$0x7FC] =	sst s12  }
0x7f: {  	s3 =	sadd.s32 s6, s3;
	[smem:$0x7C0] =	sst s21  }
0x80: {  	s6 =	simm.s32 $0xA280;
	[smem:$0x7C1] =	sst s3  }
0x81: {  	s8 =	simm.s32 $0xAF00;
	[smem:$0x7CB] =	sst s6  }
0x82: {  	s15 =	simm.s32 $0xE100;
	[smem:$0x7CD] =	sst s8  }
0x83: {  	s11 =	simm.s32 $0x19000;
	s7 =	simm.s32 $0x15180;
	[smem:$0x7D4] =	sst s15  }
0x84: {  	s16 =	sshll.u32 s0, $0x1;
	s20 =	simm.s32 $0x1A2C0;
	[smem:$0x7E5] =	sst s7  }
0x85: {  	s9 =	simm.s32 $0xC800;
	s21 =	simm.s32 $0x10680;
	[smem:$0x7F1] =	sst s20  }
0x86: {  	s10 =	simm.s32 $0x12C00;
	s6 =	simm.s32 $0x14B40;
	[smem:$0x7DA] =	sst s21  }
0x87: {  	s14 =	simm.s32 $0x3;
	s8 =	simm.s32 $0x157C0;
	[smem:$0x7E4] =	sst s6  }
0x88: {  	s12 =	simm.s32 $0x1;
	s15 =	simm.s32 $0x18380;
	[smem:$0x7E6] =	sst s8  }
0x89: {  	s13 =	simm.s32 $0x2;
	s3 =	sadd.s32 $0xF42E00, s5;
	[smem:$0x7ED] =	sst s15  }
0x8a: {  	s6 =	sor.u32 s4, s16;
	s21 =	simm.s32 $0x1A900;
	s4 =	ssub.s32 $0x2, s4  }
0x8b: {  	s8 =	simm.s32 $0x6400;
	s15 =	simm.s32 $0x4;
	s6 =	smul.u32 $0xC80, s6  }
0x8c: {  	s16 =	simm.s32 $0x0;
	[smem:$0x7F2] =	sst s21;
	s23 =	sshrl.u32 s4, $0x1  }
0x8d: {  	s7 =	ssub.s32 s4, s23;
	s5 =	sadd.s32 s6, s5;
	s6 =	simm.s32 $0x5  }
0x8e: {  	s4 =	sadd.s32 $0xA00, s5;
	s5 =	smax.u32 s7, $0x1;
	s7 =	simm.s32 $0x320  }
.LBB2_1:
0x8f: {  	[tilespmem:s2], [sflag:$0x5] =	stream.linear.gather [hbm4b:s4+s2], $0x6400, $0x38;
	[tilespmem:$0x1F400] =	vst v63  }
0x90: {  	_ =	swait.ge [sflag:s6], $0x6400  }
0x91: {  	[sflag:s6] =	ssyncset.done $0x0  }
0x92: {  	[sflag:s6] =	ssyncadd.s32 $0xFFFF9C00  }
0x93: {  	[tilespmem:s8], [sflag:$0x1] =	stream.indirect.gather [hbm4b:s3+s7], $0x20, s2, s7, $0xb8;
	[tilespmem:$0x1F400] =	vst v63  }
0x94: {  	s17 =	simm.s32 $0x0  }
0x95: {  	[tilespmem:s9], [sflag:$0x1] =	stream.indirect.gather [hbm4b:s3+s7], $0x20, s7, s7, $0xb8;
	[tilespmem:$0x1F400] =	vst v63  }
.LBB2_2:
0x96: {  	p0 =	seq.s32 s17, $0x0  }
0x97: {  	s18 =	simm.s32 @!p0 $0x4  }
0x98: {  	_ =	swait.ge @!p0 [sflag:s18], $0x6400  }
0x99: {  	[sflag:s18] =	ssyncset.done @!p0 $0x0  }
0x9a: {  	[sflag:s18] =	ssyncadd.s32 @!p0 $0xFFFF9C00  }
0x9b: {  	_ =	swait.ge @!p0 [sflag:s18], $0x6400  }
0x9c: {  	s19 =	sshra.s32 s17, $0x2;
	[sflag:s18] =	ssyncset.done @!p0 $0x0  }
0x9d: {  	s25 =	sadd.s32 $0x640, s19;
	[sflag:s18] =	ssyncadd.s32 @!p0 $0xFFFF9C00  }
0x9e: {  	[tilespmem:s10], [sflag:$0x2] =	stream.indirect.gather [hbm4b:s3+s7], $0x20, s25, s7, $0xb8;
	[tilespmem:$0x1F400] =	vst v63  }
0x9f: {  	s26 =	sadd.s32 $0x960, s19  }
0xa0: {  	[tilespmem:s11], [sflag:$0x2] =	stream.indirect.gather [hbm4b:s3+s7], $0x20, s26, s7, $0xb8;
	[tilespmem:$0x1F400] =	vst v63  }
0xa1: {  	_ =	swait.ge [sflag:s12], $0x6400  }
0xa2: {  	[sflag:s12] =	ssyncset.done $0x0  }
0xa3: {  	[sflag:s12] =	ssyncadd.s32 $0xFFFF9C00  }
0xa4: {  	_ =	swait.ge [sflag:s12], $0x6400  }
0xa5: {  	s28 =	rddreg [dreg:$0x12]  }
0xa6: {  	s29 =	sld [smem:$0x7C2]  }
0xa7: {  	s30 =	sld [smem:$0x7C3]  }
0xa8: {  	s31 =	rddreg [dreg:$0x1f]  }
0xa9: {  	s22 =	sld [smem:$0x7C4]  }
0xaa: {  	s23 =	sld [smem:$0x7C5]  }
0xab: {  	s24 =	rddreg [dreg:$0x1d]  }
0xac: {  	[sflag:s12] =	ssyncset.done $0x0;
	s25 =	sld [smem:$0x7C6]  }
0xad: {  	[sflag:s12] =	ssyncadd.s32 $0xFFFF9C00;
	s18 =	sadd.s32 s17, s28;
	s28 =	rddreg [dreg:$0x1c]  }
0xae: {  	[hbm4b:s18+s2] =	stream.linear.scatter [tilespmem:s8], [sflag:$0x3], $0x640, $0x38;
	[tilespmem:$0x1F400] =	vst v63  }
0xaf: {  	s26 =	sadd.s32 s17, s24;
	s24 =	rddreg [dreg:$0x19];
	s20 =	sadd.s32 $0xC8, s18  }
0xb0: {  	[hbm4b:s20+s2] =	stream.linear.scatter [tilespmem:s29], [sflag:$0x3], $0x640, $0x38;
	[tilespmem:$0x1F400] =	vst v63  }
0xb1: {  	s21 =	sadd.s32 $0x190, s18;
	s29 =	sld [smem:$0x7C7]  }
0xb2: {  	[hbm4b:s21+s2] =	stream.linear.scatter [tilespmem:s30], [sflag:$0x3], $0x640, $0x38;
	[tilespmem:$0x1F400] =	vst v63  }
0xb3: {  	s30 =	rddreg [dreg:$0x1b]  }
0xb4: {  	s21 =	sadd.s32 s17, s31;
	s31 =	sld [smem:$0x7C8]  }
0xb5: {  	[hbm4b:s21+s2] =	stream.linear.scatter [tilespmem:s22], [sflag:$0x3], $0x640, $0x38;
	[tilespmem:$0x1F400] =	vst v63  }
0xb6: {  	s22 =	rddreg [dreg:$0x1e]  }
0xb7: {  	s21 =	sadd.s32 s17, s30;
	s30 =	rddreg [dreg:$0x17]  }
0xb8: {  	s19 =	sadd.s32 s17, s22;
	s22 =	rddreg [dreg:$0x1a]  }
0xb9: {  	[hbm4b:s19+s2] =	stream.linear.scatter [tilespmem:s23], [sflag:$0x3], $0x640, $0x38;
	[tilespmem:$0x1F400] =	vst v63  }
0xba: {  	s23 =	sld [smem:$0x7C9]  }
0xbb: {  	s19 =	sadd.s32 s17, s28;
	s28 =	rddreg [dreg:$0x18]  }
0xbc: {  	[hbm4b:s26+s2] =	stream.linear.scatter [tilespmem:s25], [sflag:$0x3], $0x640, $0x38;
	[tilespmem:$0x1F400] =	vst v63  }
0xbd: {  	s25 =	sld [smem:$0x7CA]  }
0xbe: {  	s26 =	sadd.s32 s17, s24;
	s24 =	rddreg [dreg:$0x15]  }
0xbf: {  	[hbm4b:s19+s2] =	stream.linear.scatter [tilespmem:s29], [sflag:$0x3], $0x640, $0x38;
	[tilespmem:$0x1F400] =	vst v63  }
0xc0: {  	s29 =	sld [smem:$0x7CB]  }
0xc1: {  	s19 =	sadd.s32 s17, s22;
	s22 =	rddreg [dreg:$0x16]  }
0xc2: {  	[hbm4b:s21+s2] =	stream.linear.scatter [tilespmem:s31], [sflag:$0x3], $0x640, $0x38;
	[tilespmem:$0x1F400] =	vst v63  }
0xc3: {  	s31 =	sld [smem:$0x7CC]  }
0xc4: {  	s21 =	sadd.s32 s17, s30;
	s30 =	rddreg [dreg:$0x13]  }
0xc5: {  	[hbm4b:s19+s2] =	stream.linear.scatter [tilespmem:s23], [sflag:$0x3], $0x640, $0x38;
	[tilespmem:$0x1F400] =	vst v63  }
0xc6: {  	s23 =	sld [smem:$0x7CD]  }
0xc7: {  	s19 =	sadd.s32 s17, s28;
	s28 =	rddreg [dreg:$0x14]  }
0xc8: {  	[hbm4b:s26+s2] =	stream.linear.scatter [tilespmem:s25], [sflag:$0x3], $0x640, $0x38;
	[tilespmem:$0x1F400] =	vst v63  }
0xc9: {  	s25 =	sld [smem:$0x7CE]  }
0xca: {  	s26 =	sadd.s32 s17, s24;
	s24 =	rddreg [dreg:$0x11]  }
0xcb: {  	[hbm4b:s19+s2] =	stream.linear.scatter [tilespmem:s29], [sflag:$0x3], $0x640, $0x38;
	[tilespmem:$0x1F400] =	vst v63  }
0xcc: {  	s29 =	sld [smem:$0x7CF]  }
0xcd: {  	s19 =	sadd.s32 s17, s22;
	s22 =	rddreg [dreg:$0xe]  }
0xce: {  	[hbm4b:s21+s2] =	stream.linear.scatter [tilespmem:s31], [sflag:$0x3], $0x640, $0x38;
	[tilespmem:$0x1F400] =	vst v63  }
0xcf: {  	s31 =	sld [smem:$0x7D0]  }
0xd0: {  	[hbm4b:s19+s2] =	stream.linear.scatter [tilespmem:s23], [sflag:$0x3], $0x640, $0x38;
	[tilespmem:$0x1F400] =	vst v63  }
0xd1: {  	s19 =	sadd.s32 s17, s28;
	s28 =	rddreg [dreg:$0x10]  }
0xd2: {  	s23 =	sadd.s32 s17, s30;
	s30 =	rddreg [dreg:$0xf]  }
0xd3: {  	s21 =	sadd.s32 s17, s30;
	s30 =	rddreg [dreg:$0xb]  }
0xd4: {  	[hbm4b:s26+s2] =	stream.linear.scatter [tilespmem:s25], [sflag:$0x3], $0x640, $0x38;
	[tilespmem:$0x1F400] =	vst v63  }
0xd5: {  	s26 =	sld [smem:$0x7D1]  }
0xd6: {  	[hbm4b:s19+s2] =	stream.linear.scatter [tilespmem:s29], [sflag:$0x3], $0x640, $0x38;
	[tilespmem:$0x1F400] =	vst v63  }
0xd7: {  	s29 =	sld [smem:$0x7D2]  }
0xd8: {  	s19 =	sadd.s32 s17, s24;
	s24 =	rddreg [dreg:$0xd]  }
0xd9: {  	[hbm4b:s23+s2] =	stream.linear.scatter [tilespmem:s31], [sflag:$0x3], $0x640, $0x38;
	[tilespmem:$0x1F400] =	vst v63  }
0xda: {  	s31 =	sld [smem:$0x7D3]  }
0xdb: {  	s25 =	sadd.s32 $0xC80, s18;
	s23 =	sld [smem:$0x7D4]  }
0xdc: {  	[hbm4b:s25+s2] =	stream.linear.scatter [tilespmem:s9], [sflag:$0x3], $0x640, $0x38;
	[tilespmem:$0x1F400] =	vst v63  }
0xdd: {  	s25 =	sld [smem:$0x7D5]  }
0xde: {  	[hbm4b:s19+s2] =	stream.linear.scatter [tilespmem:s26], [sflag:$0x3], $0x640, $0x38;
	[tilespmem:$0x1F400] =	vst v63  }
0xdf: {  	s19 =	sadd.s32 s17, s28;
	s28 =	rddreg [dreg:$0xc]  }
0xe0: {  	s26 =	sadd.s32 s17, s24;
	s24 =	rddreg [dreg:$0x9]  }
0xe1: {  	[hbm4b:s19+s2] =	stream.linear.scatter [tilespmem:s29], [sflag:$0x3], $0x640, $0x38;
	[tilespmem:$0x1F400] =	vst v63  }
0xe2: {  	s29 =	sld [smem:$0x7D6]  }
0xe3: {  	s19 =	sadd.s32 s17, s22;
	s22 =	rddreg [dreg:$0xa]  }
0xe4: {  	[hbm4b:s21+s2] =	stream.linear.scatter [tilespmem:s31], [sflag:$0x3], $0x640, $0x38;
	[tilespmem:$0x1F400] =	vst v63  }
0xe5: {  	s31 =	sld [smem:$0x7D7]  }
0xe6: {  	s21 =	sadd.s32 s17, s30;
	s30 =	rddreg [dreg:$0x7]  }
0xe7: {  	[hbm4b:s19+s2] =	stream.linear.scatter [tilespmem:s23], [sflag:$0x3], $0x640, $0x38;
	[tilespmem:$0x1F400] =	vst v63  }
0xe8: {  	s23 =	sld [smem:$0x7D8]  }
0xe9: {  	s19 =	sadd.s32 s17, s28;
	s28 =	rddreg [dreg:$0x8]  }
0xea: {  	[hbm4b:s26+s2] =	stream.linear.scatter [tilespmem:s25], [sflag:$0x3], $0x640, $0x38;
	[tilespmem:$0x1F400] =	vst v63  }
0xeb: {  	s25 =	sld [smem:$0x7D9]  }
0xec: {  	s26 =	sadd.s32 s17, s24;
	s24 =	rddreg [dreg:$0x5]  }
0xed: {  	[hbm4b:s19+s2] =	stream.linear.scatter [tilespmem:s29], [sflag:$0x3], $0x640, $0x38;
	[tilespmem:$0x1F400] =	vst v63  }
0xee: {  	s29 =	sld [smem:$0x7DA]  }
0xef: {  	s19 =	sadd.s32 s17, s22;
	s22 =	rddreg [dreg:$0x6]  }
0xf0: {  	[hbm4b:s21+s2] =	stream.linear.scatter [tilespmem:s31], [sflag:$0x3], $0x640, $0x38;
	[tilespmem:$0x1F400] =	vst v63  }
0xf1: {  	s31 =	sld [smem:$0x7DB]  }
0xf2: {  	[hbm4b:s19+s2] =	stream.linear.scatter [tilespmem:s23], [sflag:$0x3], $0x640, $0x38;
	[tilespmem:$0x1F400] =	vst v63  }
0xf3: {  	s21 =	sadd.s32 s17, s30;
	s30 =	rddreg [dreg:$0x3]  }
0xf4: {  	[hbm4b:s26+s2] =	stream.linear.scatter [tilespmem:s25], [sflag:$0x3], $0x640, $0x38;
	[tilespmem:$0x1F400] =	vst v63  }
0xf5: {  	s19 =	sadd.s32 s17, s28;
	s23 =	sld [smem:$0x7DC]  }
0xf6: {  	[hbm4b:s19+s2] =	stream.linear.scatter [tilespmem:s29], [sflag:$0x3], $0x640, $0x38;
	[tilespmem:$0x1F400] =	vst v63  }
0xf7: {  	s28 =	rddreg [dreg:$0x4]  }
0xf8: {  	[hbm4b:s21+s2] =	stream.linear.scatter [tilespmem:s31], [sflag:$0x3], $0x640, $0x38;
	[tilespmem:$0x1F400] =	vst v63  }
0xf9: {  	s25 =	sld [smem:$0x7DD];
	s19 =	sadd.s32 s17, s22  }
0xfa: {  	[hbm4b:s19+s2] =	stream.linear.scatter [tilespmem:s23], [sflag:$0x3], $0x640, $0x38;
	[tilespmem:$0x1F400] =	vst v63  }
0xfb: {  	s26 =	sadd.s32 s17, s24;
	s29 =	sld [smem:$0x7DE]  }
0xfc: {  	[hbm4b:s26+s2] =	stream.linear.scatter [tilespmem:s25], [sflag:$0x3], $0x640, $0x38;
	[tilespmem:$0x1F400] =	vst v63  }
0xfd: {  	p0 =	seq.s32 s17, $0x15E00;
	s31 =	sld [smem:$0x7DF];
	s19 =	sadd.s32 s17, s28  }
0xfe: {  	[hbm4b:s19+s2] =	stream.linear.scatter [tilespmem:s29], [sflag:$0x3], $0x640, $0x38;
	[tilespmem:$0x1F400] =	vst v63  }
0xff: {  	s23 =	sadd.s32 s17, s30;
	s19 =	simm.s32 @!p0 $0x3  }
0x100: {  	[hbm4b:s23+s2] =	stream.linear.scatter [tilespmem:s31], [sflag:$0x3], $0x640, $0x38;
	[tilespmem:$0x1F400] =	vst v63  }
0x101: {  	_ =	swait.ge @!p0 [sflag:s19], $0x6400  }
0x102: {  	[sflag:s19] =	ssyncset.done @!p0 $0x0  }
0x103: {  	[sflag:s19] =	ssyncadd.s32 @!p0 $0xFFFF9C00  }
0x104: {  	_ =	swait.ge @!p0 [sflag:s19], $0x6400  }
0x105: {  	[sflag:s19] =	ssyncset.done @!p0 $0x0  }
0x106: {  	[sflag:s19] =	ssyncadd.s32 @!p0 $0xFFFF9C00;
	s19 =	sshra.s32 @!p0 s17, $0x2  }
0x107: {  	s22 =	simm.s32 @!p0 $0x6400;
	s21 =	simm.s32 @!p0 $0x320;
	s20 =	sadd.s32 @!p0 $0xC80, s19  }
0x108: {  	[tilespmem:s22], [sflag:$0x1] =	stream.indirect.gather @!p0 [hbm4b:s3+s21], $0x20, s20, s21, $0xb8;
	[tilespmem:$0x1F400] =	vst v63  }
0x109: {  	s19 =	sadd.s32 @!p0 $0xFA0, s19;
	s20 =	simm.s32 @!p0 $0xC800  }
0x10a: {  	[tilespmem:s20], [sflag:$0x1] =	stream.indirect.gather @!p0 [hbm4b:s3+s21], $0x20, s19, s21, $0xb8;
	[tilespmem:$0x1F400] =	vst v63  }
0x10b: {  	_ =	swait.ge [sflag:s13], $0x6400  }
0x10c: {  	[sflag:s13] =	ssyncset.done $0x0  }
0x10d: {  	[sflag:s13] =	ssyncadd.s32 $0xFFFF9C00  }
0x10e: {  	_ =	swait.ge [sflag:s13], $0x6400  }
0x10f: {  	s25 =	sld [smem:$0x7E0]  }
0x110: {  	s28 =	sld [smem:$0x7B2]  }
0x111: {  	s29 =	sld [smem:$0x7E1]  }
0x112: {  	s30 =	sld [smem:$0x7B1]  }
0x113: {  	s31 =	sld [smem:$0x7E2]  }
0x114: {  	[sflag:s13] =	ssyncset.done $0x0;
	s22 =	sld [smem:$0x7B0]  }
0x115: {  	s24 =	sadd.s32 $0x1900, s18;
	s23 =	sld [smem:$0x7E3];
	[sflag:s13] =	ssyncadd.s32 $0xFFFF9C00  }
0x116: {  	[hbm4b:s24+s2] =	stream.linear.scatter [tilespmem:s10], [sflag:$0x4], $0x640, $0x38;
	[tilespmem:$0x1F400] =	vst v63  }
0x117: {  	s24 =	sld [smem:$0x7AF]  }
0x118: {  	s19 =	sadd.s32 s17, s28;
	s28 =	sld [smem:$0x7AE]  }
0x119: {  	s26 =	sadd.s32 $0x19C8, s18;
	s21 =	sadd.s32 s17, s30;
	s30 =	sld [smem:$0x7AD]  }
0x11a: {  	[hbm4b:s26+s2] =	stream.linear.scatter [tilespmem:s25], [sflag:$0x4], $0x640, $0x38;
	[tilespmem:$0x1F400] =	vst v63  }
0x11b: {  	s25 =	sld [smem:$0x7E4]  }
0x11c: {  	s26 =	sadd.s32 s17, s24;
	s24 =	sld [smem:$0x7AB]  }
0x11d: {  	[hbm4b:s19+s2] =	stream.linear.scatter [tilespmem:s29], [sflag:$0x4], $0x640, $0x38;
	[tilespmem:$0x1F400] =	vst v63  }
0x11e: {  	s29 =	sld [smem:$0x7E5]  }
0x11f: {  	s19 =	sadd.s32 s17, s22;
	s22 =	sld [smem:$0x7AC]  }
0x120: {  	[hbm4b:s21+s2] =	stream.linear.scatter [tilespmem:s31], [sflag:$0x4], $0x640, $0x38;
	[tilespmem:$0x1F400] =	vst v63  }
0x121: {  	s31 =	sld [smem:$0x7E6]  }
0x122: {  	s21 =	sadd.s32 s17, s30;
	s30 =	sld [smem:$0x7A9]  }
0x123: {  	[hbm4b:s19+s2] =	stream.linear.scatter [tilespmem:s23], [sflag:$0x4], $0x640, $0x38;
	[tilespmem:$0x1F400] =	vst v63  }
0x124: {  	s23 =	sld [smem:$0x7E7]  }
0x125: {  	s19 =	sadd.s32 s17, s28;
	s28 =	sld [smem:$0x7AA]  }
0x126: {  	[hbm4b:s26+s2] =	stream.linear.scatter [tilespmem:s25], [sflag:$0x4], $0x640, $0x38;
	[tilespmem:$0x1F400] =	vst v63  }
0x127: {  	s25 =	sld [smem:$0x7E8]  }
0x128: {  	s26 =	sadd.s32 s17, s24;
	s24 =	sld [smem:$0x7A7]  }
0x129: {  	[hbm4b:s19+s2] =	stream.linear.scatter [tilespmem:s29], [sflag:$0x4], $0x640, $0x38;
	[tilespmem:$0x1F400] =	vst v63  }
0x12a: {  	s29 =	sld [smem:$0x7E9]  }
0x12b: {  	s19 =	sadd.s32 s17, s22;
	s22 =	sld [smem:$0x7A8]  }
0x12c: {  	[hbm4b:s21+s2] =	stream.linear.scatter [tilespmem:s31], [sflag:$0x4], $0x640, $0x38;
	[tilespmem:$0x1F400] =	vst v63  }
0x12d: {  	s31 =	sld [smem:$0x7EA]  }
0x12e: {  	s21 =	sadd.s32 s17, s30;
	s30 =	sld [smem:$0x7A5]  }
0x12f: {  	[hbm4b:s19+s2] =	stream.linear.scatter [tilespmem:s23], [sflag:$0x4], $0x640, $0x38;
	[tilespmem:$0x1F400] =	vst v63  }
0x130: {  	s23 =	sld [smem:$0x7EB]  }
0x131: {  	s19 =	sadd.s32 s17, s28;
	s28 =	sld [smem:$0x7A6]  }
0x132: {  	[hbm4b:s26+s2] =	stream.linear.scatter [tilespmem:s25], [sflag:$0x4], $0x640, $0x38;
	[tilespmem:$0x1F400] =	vst v63  }
0x133: {  	s25 =	sld [smem:$0x7EC]  }
0x134: {  	s26 =	sadd.s32 s17, s24;
	s24 =	sld [smem:$0x7C1]  }
0x135: {  	[hbm4b:s19+s2] =	stream.linear.scatter [tilespmem:s29], [sflag:$0x4], $0x640, $0x38;
	[tilespmem:$0x1F400] =	vst v63  }
0x136: {  	s29 =	sld [smem:$0x7ED]  }
0x137: {  	s19 =	sadd.s32 s17, s22;
	s22 =	sld [smem:$0x7BE]  }
0x138: {  	[hbm4b:s21+s2] =	stream.linear.scatter [tilespmem:s31], [sflag:$0x4], $0x640, $0x38;
	[tilespmem:$0x1F400] =	vst v63  }
0x139: {  	s31 =	sld [smem:$0x7EE]  }
0x13a: {  	s21 =	sld [smem:$0x7B6]  }
0x13b: {  	[hbm4b:s19+s2] =	stream.linear.scatter [tilespmem:s23], [sflag:$0x4], $0x640, $0x38;
	[tilespmem:$0x1F400] =	vst v63  }
0x13c: {  	s19 =	sadd.s32 s17, s28;
	s28 =	sld [smem:$0x7C0]  }
0x13d: {  	s23 =	sadd.s32 s17, s30;
	s30 =	sld [smem:$0x7BF]  }
0x13e: {  	[hbm4b:s26+s2] =	stream.linear.scatter [tilespmem:s25], [sflag:$0x4], $0x640, $0x38;
	[tilespmem:$0x1F400] =	vst v63  }
0x13f: {  	s25 =	sld [smem:$0x7EF]  }
0x140: {  	s26 =	sadd.s32 s17, s24;
	s24 =	sld [smem:$0x7BD]  }
0x141: {  	s20 =	sadd.s32 s17, s30;
	s30 =	sld [smem:$0x7BB]  }
0x142: {  	[hbm4b:s19+s2] =	stream.linear.scatter [tilespmem:s29], [sflag:$0x4], $0x640, $0x38;
	[tilespmem:$0x1F400] =	vst v63  }
0x143: {  	s29 =	sld [smem:$0x7F0]  }
0x144: {  	[hbm4b:s23+s2] =	stream.linear.scatter [tilespmem:s31], [sflag:$0x4], $0x640, $0x38;
	[tilespmem:$0x1F400] =	vst v63  }
0x145: {  	s31 =	sld [smem:$0x7F1]  }
0x146: {  	s18 =	sadd.s32 $0x2580, s18;
	s23 =	sld [smem:$0x7F2]  }
0x147: {  	[hbm4b:s18+s2] =	stream.linear.scatter [tilespmem:s11], [sflag:$0x4], $0x640, $0x38;
	[tilespmem:$0x1F400] =	vst v63  }
0x148: {  	s18 =	sadd.s32 s17, s28;
	s28 =	sld [smem:$0x7BC]  }
0x149: {  	[hbm4b:s26+s2] =	stream.linear.scatter [tilespmem:s25], [sflag:$0x4], $0x640, $0x38;
	[tilespmem:$0x1F400] =	vst v63  }
0x14a: {  	s25 =	sld [smem:$0x7F3]  }
0x14b: {  	s26 =	sadd.s32 s17, s24;
	s24 =	sld [smem:$0x7B9]  }
0x14c: {  	[hbm4b:s18+s2] =	stream.linear.scatter [tilespmem:s29], [sflag:$0x4], $0x640, $0x38;
	[tilespmem:$0x1F400] =	vst v63  }
0x14d: {  	s29 =	sld [smem:$0x7F4]  }
0x14e: {  	s18 =	sadd.s32 s17, s22;
	s22 =	sld [smem:$0x7BA]  }
0x14f: {  	[hbm4b:s20+s2] =	stream.linear.scatter [tilespmem:s31], [sflag:$0x4], $0x640, $0x38;
	[tilespmem:$0x1F400] =	vst v63  }
0x150: {  	s31 =	sld [smem:$0x7F5]  }
0x151: {  	s20 =	sadd.s32 s17, s30;
	s30 =	sld [smem:$0x7B7]  }
0x152: {  	[hbm4b:s18+s2] =	stream.linear.scatter [tilespmem:s23], [sflag:$0x4], $0x640, $0x38;
	[tilespmem:$0x1F400] =	vst v63  }
0x153: {  	s23 =	sld [smem:$0x7F6]  }
0x154: {  	s18 =	sadd.s32 s17, s28;
	s28 =	sld [smem:$0x7B8]  }
0x155: {  	[hbm4b:s26+s2] =	stream.linear.scatter [tilespmem:s25], [sflag:$0x4], $0x640, $0x38;
	[tilespmem:$0x1F400] =	vst v63  }
0x156: {  	s25 =	sld [smem:$0x7F7]  }
0x157: {  	[hbm4b:s18+s2] =	stream.linear.scatter [tilespmem:s29], [sflag:$0x4], $0x640, $0x38;
	[tilespmem:$0x1F400] =	vst v63  }
0x158: {  	s29 =	sld [smem:$0x7F8]  }
0x159: {  	s18 =	sadd.s32 s17, s22;
	s22 =	sld [smem:$0x7FA]  }
0x15a: {  	[hbm4b:s20+s2] =	stream.linear.scatter [tilespmem:s31], [sflag:$0x4], $0x640, $0x38;
	[tilespmem:$0x1F400] =	vst v63  }
0x15b: {  	s31 =	sld [smem:$0x7F9]  }
0x15c: {  	[hbm4b:s18+s2] =	stream.linear.scatter [tilespmem:s23], [sflag:$0x4], $0x640, $0x38;
	[tilespmem:$0x1F400] =	vst v63  }
0x15d: {  	s26 =	sadd.s32 s17, s24;
	s23 =	sld [smem:$0x7B5]  }
0x15e: {  	[hbm4b:s26+s2] =	stream.linear.scatter [tilespmem:s25], [sflag:$0x4], $0x640, $0x38;
	[tilespmem:$0x1F400] =	vst v63  }
0x15f: {  	s18 =	sadd.s32 s17, s28;
	s26 =	sld [smem:$0x7B4]  }
0x160: {  	[hbm4b:s18+s2] =	stream.linear.scatter [tilespmem:s29], [sflag:$0x4], $0x640, $0x38;
	[tilespmem:$0x1F400] =	vst v63  }
0x161: {  	s20 =	sadd.s32 s17, s30;
	s29 =	sld [smem:$0x7B3]  }
0x162: {  	[hbm4b:s20+s2] =	stream.linear.scatter [tilespmem:s31], [sflag:$0x4], $0x640, $0x38;
	[tilespmem:$0x1F400] =	vst v63  }
0x163: {  	s24 =	sld [smem:$0x7FB];
	s25 =	sadd.s32 s17, s23;
	s18 =	sadd.s32 s17, s21  }
0x164: {  	[hbm4b:s18+s2] =	stream.linear.scatter [tilespmem:s22], [sflag:$0x4], $0x640, $0x38;
	[tilespmem:$0x1F400] =	vst v63  }
0x165: {  	s31 =	sadd.s32 s17, s29;
	s18 =	sadd.s32 s17, s26;
	s17 =	sadd.s32 $0x3200, s17  }
0x166: {  	s28 =	sld [smem:$0x7FC];
	p0 =	sne.s32 s17, $0x19000  }
0x167: {  	[hbm4b:s25+s2] =	stream.linear.scatter [tilespmem:s24], [sflag:$0x4], $0x640, $0x38;
	[tilespmem:$0x1F400] =	vst v63  }
.Ltmp0:
0x168: {  	_ = 	snop;
	(pc) =	sbr.rel @p0 .LBB2_2-.Ltmp0, $4  }
0x169: {  	s30 =	sld [smem:$0x7FD]  }
0x16a: {  	[hbm4b:s18+s2] =	stream.linear.scatter [tilespmem:s28], [sflag:$0x4], $0x640, $0x38;
	[tilespmem:$0x1F400] =	vst v63  }
0x16b: {  	_ = 	snop  }
0x16c: {  	[hbm4b:s31+s2] =	stream.linear.scatter [tilespmem:s30], [sflag:$0x4], $0x640, $0x38;
	[tilespmem:$0x1F400] =	vst v63  }
0x16d: {  	_ =	swait.ge [sflag:s14], $0x6400  }
0x16e: {  	[sflag:s14] =	ssyncset.done $0x0  }
0x16f: {  	[sflag:s14] =	ssyncadd.s32 $0xFFFF9C00  }
0x170: {  	_ =	swait.ge [sflag:s14], $0x6400  }
0x171: {  	[sflag:s14] =	ssyncset.done $0x0  }
0x172: {  	s16 =	sadd.s32 $0x1, s16;
	[sflag:s14] =	ssyncadd.s32 $0xFFFF9C00  }
0x173: {  	p0 =	sne.s32 s16, s5;
	_ =	swait.ge [sflag:s15], $0x6400  }
.Ltmp1:
0x174: {  	[sflag:s15] =	ssyncset.done $0x0;
	(pc) =	sbr.rel @p0 .LBB2_1-.Ltmp1, $4  }
0x175: {  	[sflag:s15] =	ssyncadd.s32 $0xFFFF9C00  }
0x176: {  	_ =	swait.ge [sflag:s15], $0x6400  }
0x177: {  	[sflag:s15] =	ssyncset.done $0x0  }
0x178: {  	[sflag:s15] =	ssyncadd.s32 $0xFFFF9C00  }
0x179: {  	_ =	sfence.sel $0x180000  }
0x17a: {  	[bflag:$0x0] =	sbarrier.arrive $0xFFFF  }
0x17b: {  	p0 =	sne.s32 s0, $0x0;
	_ =	strace $0x90000047  }
0x17c: {  	s0 =	sadd.s32 @!p0 $0x100000, s1;
	[bflag:$0x2] =	sbarrier.arrive $0xFFFF  }
0x17d: {  	[sflag:s0] =	ssyncadd.tile.s32 @!p0 $0x1;
	_ =	shalt  }
.Lfunc_end2:
_tile_overlayer_lowered:
.L_overlay_start_2:
0x17e: {  	(tag) =	ssettag $0x2  }
0x17f: {  	s0 =	rddreg [dreg:$0x0];
	s2 =	stileid.u32  }
0x180: {  	s1 =	rddreg [dreg:$0x1];
	p0 =	sne.s32 s2, $0x0  }
0x181: {  	s3 =	rddreg [dreg:$0x2];
	[bflag:$0x3] =	sbarrier.arrive $0xFFFF;
	s2 =	simm.s32 @!p0 $0x1C05  }
0x182: {  	[timem:s3], [sflag:s2] =	dma.local @!p0 [hbm:s0], s1  }
0x183: {  	s0 =	simm.s32 @!p0 $0x5  }
0x184: {  	_ =	swait.ge @!p0 [sflag:s0], s1  }
0x185: {  	s1 =	ssub.s32 @!p0 $0x0, s1;
	[sflag:s0] =	ssyncset.done @!p0 $0x0  }
0x186: {  	[sflag:s0] =	ssyncadd.s32 @!p0 s1  }
0x187: {  	[bflag:$0x3] =	sbarrier.arrive $0xFFFF  }
0x188: {  	_ =	shalt  }

// kernel: sparse-core-data-format-call.cloned.1.call-start
scs
called_computation_lowered:
.L_overlay_start_0:
0x0: {  	s2 =	sld [smem:$0x3FD9]  }
0x1: {  	s3 =	sld [smem:$0x3FFE];
	_ =	sdelay $0x1  }
0x2: {  	s1 =	srdreg.scid  }
0x3: {  	s0 =	sand.u32 $0x1, s1  }
0x4: {  	s18 =	sshll.u32 s0, $0xA;
	s2 =	sadd.s32 s3, s2  }
0x5: {  	s2 =	sadd.s32 s2, s18  }
0x6: {  	[smem:$0x3FC6] =	sst s2  }
0x7: {  	_ = 	snop  }
0x8: {  	s2 =	sld [smem:$0x3FD0];
	(tm) =	ssettm $0x1  }
0x9: {  	s19 =	sld [smem:$0x3FFB];
	_ =	sdelay $0x3  }
0xa: {  	_ =	strace s19  }
0xb: {  	s3 =	sld [smem:$0x3FFC];
	_ =	sdelay $0x3  }
0xc: {  	_ =	strace s3  }
0xd: {  	s3 =	sld [smem:$0x3FFD];
	_ =	sdelay $0x3  }
0xe: {  	_ =	strace s3  }
0xf: {  	_ =	strace $0x8FFFFFFF  }
0x10: {  	s20 =	sld [smem:$0x3FDB];
	_ =	sdelay $0x1  }
0x11: {  	s4 =	simm.s32 $_scs_section_size  }
0x12: {  	s5 =	simm.s32 $_size__tile_overlayer_lowered;
	s6 =	simm.s32 $_tile_overlayer_lowered  }
0x13: {  	s23 =	simm.s32 $0x1BFF;
	s22 =	sshll.u32 s6, $0x1;
	s3 =	sadd.s32 s4, s20  }
0x14: {  	s7 =	simm.s32 $0x0;
	s21 =	sshll.u32 s5, $0x1;
	s5 =	sadd.s32 s22, s3  }
0x15: {  	[timem:s7], [sflag:s23] =	dma.local [hbm:s5], s21  }
0x16: {  	_ =	swait.ge [sflag:s23], s21  }
0x17: {  	s4 =	ssub.s32 $0x0, s21;
	[sflag:s23] =	ssyncset.done $0x0  }
0x18: {  	[sflag:s23] =	ssyncadd.s32 s4;
	_ =	sdelay $0x1  }
0x19: {  	s24 =	simm.s32 $0x1B8B  }
0x1a: {  	_ =	swait.ge [sflag:s24], $0x1  }
0x1b: {  	[sflag:s24] =	ssyncset.done $0x0  }
0x1c: {  	s26 =	simm.s32 $0x1B8E;
	s25 =	sld [smem:$0x3FFE];
	[sflag:s24] =	ssyncadd.s32 $0xFFFFFFFF  }
0x1d: {  	s27 =	simm.s32 $execute0_lowered;
	[smem:$0x3FD2] =	sst s26  }
0x1e: {  	s5 =	sshll.u32 s27, $0x1;
	_ =	strace $0x80000049;
	[dreg:$0x1] =	wrdreg $0xFFFFFFFF  }
0x1f: {  	s28 =	simm.s32 $_size_execute0_lowered;
	s3 =	sadd.s32 s3, s5;
	[dreg:$0x0] =	wrdreg $0x0  }
0x20: {  	s5 =	sshll.u32 s28, $0x1;
	[dreg:$0x2] =	wrdreg s3  }
0x21: {  	[dreg:$0x3] =	wrdreg s5  }
0x22: {  	[dreg:$0x4] =	wrdreg $0xC0  }
0x23: {  	_ =	task [dreg:s7], $0x5FFFF  }
0x24: {  	[dreg:$0x1] =	wrdreg $0xFFFFFFFF  }
0x25: {  	[dreg:$0x0] =	wrdreg $0x60  }
0x26: {  	[dreg:$0x2] =	wrdreg s25  }
0x27: {  	[dreg:$0x3] =	wrdreg s2  }
0x28: {  	[dreg:$0x4] =	wrdreg $0x9  }
0x29: {  	_ =	task.clear_ibuf [dreg:s7], $0x5FFFF;
	_ =	strace $0x90000049  }
0x2a: {  	s29 =	simm.s32 $0x9;
	_ =	strace $0x8000004B  }
0x2b: {  	_ =	swait.ge [sflag:s29], $0x1  }
0x2c: {  	[sflag:s29] =	ssyncadd.s32 $0xFFFFFFFF  }
0x2d: {  	_ =	strace $0x9000004B  }
0x2e: {  	_ =	sfence  }
0x2f: {  	s30 =	sld [smem:$0x0];
	_ =	sdelay $0x2  }
0x30: {  	s31 =	sshll.u32 s1, $0xD;
	s1 =	sshrl.u32 s1, $0x2  }
0x31: {  	s3 =	sand.u32 $0x4000, s31;
	s1 =	sadd.s32 s1, s30  }
0x32: {  	s0 =	sor.u32 s3, s0;
	s1 =	sshll.u32 s1, $0x11  }
0x33: {  	s0 =	sor.u32 s1, s0  }
0x34: {  	s0 =	sadd.s32 $0x8F2B, s0  }
0x35: {  	[sflag:s0] =	ssyncadd.remote.s32 $0x1  }
0x36: {  	_ =	sfence.sel $0xFFFF  }
0x37: {  	[dreg:$0x0] =	wrdreg $0xFFFFFFFF;
	(pc) =	sbr.abs _section_cstart, $3  }
0x38: {  	[dreg:$0x1] =	wrdreg $0xFFFFFFFF  }
0x39: {  	_ =	task.clear_ibuf [dreg:s7], $0x2FFFF;
	_ =	strace $0x9FFFFFFF  }
0x3a: {  	(tm) =	ssettm $0x7FFFFFFF  }
0x3b: {  	_ =	shalt  }
tec
execute0_lowered:
.L_overlay_start_1:
0x0: {  	(tag) =	ssettag $0x1  }
0x1: {  	s0 =	srdreg.scid  }
0x2: {  	s1 =	sshll.u32 s0, $0x4  }
0x3: {  	s0 =	stileid.u32;
	s1 =	sand.u32 $0x10, s1  }
0x4: {  	s1 =	sor.u32 s0, s1  }
0x5: {  	s6 =	rddreg [dreg:$0x0];
	s4 =	simm.s32 $0x1;
	s2 =	sshll.u32 s1, $0x7  }
0x6: {  	s7 =	simm.s32 $0x2;
	s12 =	simm.s32 $0x0;
	s1 =	ssub.s32 $0x4000, s2  }
0x7: {  	s8 =	simm.s32 $0x20000;
	s13 =	simm.s32 $0x0;
	s3 =	sand.u32 $0xF80, s1  }
0x8: {  	s9 =	simm.s32 $0x0;
	s5 =	sshrl.u32 s1, $0xC;
	p0 =	sne.s32 s3, $0x0  }
.Ltmp0:
0x9: {  	s1 =	rddreg [dreg:$0x2];
	s4 =	simm.s32 @!p0 $0x0;
	(pc) =	sbr.rel .LBB1_1-.Ltmp0, $4  }
0xa: {  	s11 =	simm.s32 $0x0;
	s3 =	rddreg [dreg:$0x1];
	s5 =	sadd.s32 s4, s5  }
0xb: {  	_ =	strace $0x8000004A;
	s4 =	simm.s32 $0x1;
	s5 =	smul.u32 $0x32, s5  }
0xc: {  	s6 =	sadd.s32 $0xA00, s6;
	s10 =	smov.u32 s2;
	[sflag:s4] =	ssyncpa.u1 $0x0  }
0xd: {  	p0 =	por $0x0, $0x0;
	[sflag:s7] =	ssyncpa.u1 $0x0;
	s7 =	sor.u32 $0x1, s5  }
.LBB1_4:
0xe: {  	s16 =	sshll.u32 s13, $0x3;
	s17 =	sand.u32 $0x78, s13  }
0xf: {  	s30 =	sand.u32 $0xF800, s13;
	s12 =	sshll.u32 s12, $0x10;
	s16 =	sand.u32 $0x3C00, s16  }
0x10: {  	s31 =	sand.u32 $0x7, s13;
	s16 =	sor.u32 s17, s16;
	s17 =	sadd.s32 s3, s30  }
0x11: {  	s13 =	sshll.u32 s31, $0x12;
	s16 =	sshrl.u32 s16, $0x3;
	s12 =	sadd.s32 s12, s17  }
0x12: {  	[tilespmem:s15+$0x0 ss:$0x81] =	vst.msk $0xffff, v0;
	s13 =	sor.u32 $0x400, s13;
	s12 =	sadd.s32 s16, s12  }
0x13: {  	[hbm4b:s12+s13] =	stream.strided.scatter [tilespmem:s14], [sflag:$0x2], $0x1000, s8, s13, $0x20;
	[tilespmem:$0x4040] =	vst v63  }
.LBB1_5:
0x14: {  	s14 =	sadd.s32 $0x1, s9  }
0x15: {  	s12 =	sadd.s32 $0x1000, s10;
	s16 =	smov.u32 s10;
	p2 =	sgt.s32 s14, $0x31  }
0x16: {  	s16 =	smov.u32 @p2 s12  }
0x17: {  	s14 =	simm.s32 @p2 $0x0;
	p2 =	sgt.s32 s16, $0x3FFF  }
0x18: {  	s16 =	smov.u32 @p2 s2;
	p2 =	sne.s32 s11, s7  }
.Ltmp1:
0x19: {  	p1 =	slt.u32 s11, $0x2;
	(pc) =	sbr.rel @!p2 .LBB1_6-.Ltmp1, $4  }
0x1a: {  	s15 =	simm.s32 @!p1 $0x2  }
0x1b: {  	s13 =	smov.u32 s10;
	p0 =	por !p0, !p0;
	_ =	swait.ge @!p1 [sflag:s15], $0x1000  }
0x1c: {  	s12 =	smov.u32 s9;
	[sflag:s15] =	ssyncset.done @!p1 $0x0;
	s9 =	smov.u32 s14  }
0x1d: {  	s11 =	sadd.s32 $0x1, s11;
	[sflag:s15] =	ssyncadd.s32 @!p1 $0xFFFFF000;
	s10 =	smov.u32 s16  }
.LBB1_1:
0x1e: {  	p1 =	sge.u32 s11, s5  }
0x1f: {  	s14 =	sand.u32 @!p1 $0x1FFFFFF, s9  }
0x20: {  	s15 =	smulhi.u32 @!p1 $0x4924925, s14;
	_ =	sdelay $0x1  }
0x21: {  	s15 =	smul.u32 @!p1 $0x38, s15  }
0x22: {  	s16 =	sxor.u32 @!p1 $0xFFFFFFFF, s11;
	s17 =	smul.u32 @!p1 $0x380, s10  }
0x23: {  	s31 =	sadd.s32 $0xFFFFFFFF, s11;
	s16 =	sshll.u32 @!p1 s16, $0xC;
	s14 =	ssub.s32 @!p1 s14, s15  }
0x24: {  	s15 =	sand.u32 @!p1 $0x1000, s16;
	s16 =	sadd.s32 @!p1 s6, s17;
	s14 =	sshll.u32 @!p1 s14, $0x4  }
0x25: {  	s17 =	simm.s32 @!p1 $0x1C00;
	s14 =	sadd.s32 @!p1 s14, s16;
	s16 =	simm.s32 @!p1 $0x20  }
0x26: {  	[tilespmem:s15], [sflag:$0x1] =	stream.strided.gather @!p1 [hbm4b:s14+s16], $0x1000, s17, s16, $0x38;
	[tilespmem:$0x4040] =	vst v63  }
0x27: {  	p1 =	sge.u32 s31, s5  }
.Ltmp2:
0x28: {  	_ = 	snop;
	(pc) =	sbr.rel @p1 .LBB1_5-.Ltmp2, $1  }
0x29: {  	_ =	sdelay $0x3  }
0x2a: {  	s14 =	simm.s32 $0x1  }
0x2b: {  	_ =	swait.ge [sflag:s4], $0x1000;
	s14 =	simm.s32 @!p0 $0x0  }
0x2c: {  	[sflag:s4] =	ssyncset.done $0x0;
	s15 =	sshll.u32 s14, $0xC  }
0x2d: {  	[sflag:s4] =	ssyncadd.s32 $0xFFFFF000;
	s18 =	sor.u32 $0x10, s15  }
0x2e: {  	s14 =	smul.u32 $0x4080, s14;
	v1 =	vld [tilespmem:s18+$0x0]  }
0x2f: {  	s30 =	sand.u32 $0x1, s11;
	v0 =	vld [tilespmem:s18+$0xFFFFFFF0]  }
0x30: {  	s15 =	smul.u32 $0x4080, s30;
	s14 =	sshrl.u32 s14, $0x2  }
0x31: {  	s16 =	sor.u32 $0x2000, s14  }
0x32: {  	s31 =	sshrl.u32 s15, $0x2;
	s15 =	sadd.s32 $0x0, s16  }
0x33: {  	s17 =	simm.s32 $0x4;
	s18 =	sadd.s32 $0x20, s18;
	s14 =	sor.u32 $0x2000, s31;
	[tilespmem:s15+$0x810 ss:$0x81] =	vst.msk $0xffff, v1  }
.LBB1_3:
0x34: {  	v1 =	vld [tilespmem:s18+$0x0];
	p1 =	sne.s32 s17, $0x1FC;
	[tilespmem:s15+$0x0 ss:$0x81] =	vst.msk $0xffff, v0;
	s15 =	smov.u32 s17;
	s17 =	sadd.s32 $0x4, s17  }
.Ltmp3:
0x35: {  	v0 =	vld [tilespmem:s18+$0xFFFFFFF0];
	(pc) =	sbr.rel @p1 .LBB1_3-.Ltmp3, $4  }
0x36: {  	_ = 	snop  }
0x37: {  	s15 =	sshra.s32 s15, $0x2  }
0x38: {  	s15 =	sadd.s32 s15, s16  }
0x39: {  	s18 =	sadd.s32 $0x20, s18;
	[tilespmem:s15+$0x810 ss:$0x81] =	vst.msk $0xffff, v1  }
.Ltmp4:
0x3a: {  	_ = 	snop;
	(pc) =	sbr.rel .LBB1_4-.Ltmp4, $1  }
0x3b: {  	_ =	sdelay $0x3  }
.LBB1_6:
0x3c: {  	_ =	sfence.sel $0x180000  }
0x3d: {  	s2 =	simm.s32 $0x1;
	[bflag:$0x0] =	sbarrier.arrive $0xFFFF  }
0x3e: {  	s31 =	simm.s32 $0x2;
	[sflag:s2] =	ssyncpa.u1 $0x1  }
0x3f: {  	[sflag:s31] =	ssyncpa.u1 $0x1  }
0x40: {  	p0 =	sne.s32 s0, $0x0;
	_ =	strace $0x9000004A  }
0x41: {  	s0 =	sadd.s32 @!p0 $0x100000, s1;
	[bflag:$0x2] =	sbarrier.arrive $0xFFFF  }
0x42: {  	[sflag:s0] =	ssyncadd.tile.s32 @!p0 $0x1;
	_ =	shalt  }
.Lfunc_end1:
_tile_overlayer_lowered:
.L_overlay_start_2:
0x43: {  	(tag) =	ssettag $0x2  }
0x44: {  	s0 =	rddreg [dreg:$0x0];
	s2 =	stileid.u32  }
0x45: {  	s1 =	rddreg [dreg:$0x1];
	p0 =	sne.s32 s2, $0x0  }
0x46: {  	s3 =	rddreg [dreg:$0x2];
	[bflag:$0x3] =	sbarrier.arrive $0xFFFF;
	s2 =	simm.s32 @!p0 $0x1C01  }
0x47: {  	[timem:s3], [sflag:s2] =	dma.local @!p0 [hbm:s0], s1  }
0x48: {  	s0 =	simm.s32 @!p0 $0x1  }
0x49: {  	_ =	swait.ge @!p0 [sflag:s0], s1  }
0x4a: {  	s1 =	ssub.s32 @!p0 $0x0, s1;
	[sflag:s0] =	ssyncset.done @!p0 $0x0  }
0x4b: {  	[sflag:s0] =	ssyncadd.s32 @!p0 s1  }
0x4c: {  	[bflag:$0x3] =	sbarrier.arrive $0xFFFF  }
0x4d: {  	_ =	shalt  }

</sc_bundles>
